<compile_context>
chip_gen: v7x
topology: tpu7x:2x2x1
jax: 0.10.2.dev20260603
libtpu: 0.0.44.dev20260713+nightly
codegen_flags: <defaults>
</compile_context>

<pallas_src>
import jax
import jax.numpy as jnp
from jax import lax
from jax.experimental import pallas as pl
from jax.experimental.pallas import tpu as pltpu
from jax.experimental.pallas import tpu_sc as plsc

NC = 2
NS = 16
NW = NC * NS
CHUNK = 128
RBLK = 2048


def _sc_degree(ei4, npad):
    T = ei4.shape[2]
    rps = npad // NS
    mesh = plsc.VectorSubcoreMesh(core_axis_name="c", subcore_axis_name="s")

    def body(ei_hbm, deg_hbm, idx_v, ones_v, zbuf, deg_sh, scsem):
        c = lax.axis_index("c")
        s = lax.axis_index("s")
        wid = s * NC + c

        def z16(i, _):
            zbuf[pl.ds(i * 16, 16)] = jnp.zeros((16,), jnp.float32)
            return 0

        lax.fori_loop(0, rps // 16, z16, 0)
        for k in range(CHUNK // 16):
            ones_v[pl.ds(k * 16, 16)] = jnp.ones((16,), jnp.float32)
        pltpu.sync_copy(zbuf, deg_sh.at[pl.ds(s * rps, rps)])
        pltpu.sync_copy(ei_hbm.at[1, wid], idx_v)
        plsc.subcore_barrier()

        def batch(bj, _):
            j0 = 16 * bj
            for u in range(16):
                pltpu.async_copy(ones_v, deg_sh.at[idx_v.at[j0 + u]], scsem,
                                 add=True)
            for u in range(16):
                pltpu.make_async_copy(ones_v, deg_sh.at[idx_v.at[j0]],
                                      scsem).wait()
            return 0

        lax.fori_loop(0, T // 16, batch, 0)

        def tail(j, _):
            pltpu.sync_copy(ones_v, deg_sh.at[idx_v.at[j]], add=True)
            return 0

        lax.fori_loop(T - T % 16, T, tail, 0)
        plsc.subcore_barrier()
        pltpu.sync_copy(deg_sh.at[pl.ds(s * rps, rps)],
                        deg_hbm.at[c, pl.ds(s * rps, rps)])

    return pl.kernel(
        body,
        out_type=jax.ShapeDtypeStruct((NC, npad), jnp.float32),
        mesh=mesh,
        scratch_types=[
            pltpu.VMEM((T, CHUNK), jnp.int32),
            pltpu.VMEM((CHUNK,), jnp.float32),
            pltpu.VMEM((rps,), jnp.float32),
            pltpu.VMEM_SHARED((npad,), jnp.float32),
            pltpu.SemaphoreType.DMA,
        ],
    )(ei4)


def _sc_scatter(h2, ei4, npad, h):
    rps = npad // NS
    T = ei4.shape[2]
    mesh = plsc.VectorSubcoreMesh(core_axis_name="c", subcore_axis_name="s")

    def body(h2_hbm, ei_hbm, acc_hbm, sring, dstv, rows, acc_sh,
             ssems, gsems):
        c = lax.axis_index("c")
        s = lax.axis_index("s")
        wid = s * NC + c

        def zrow(i, _):
            for k in range(h // 16):
                rows[0, i, pl.ds(k * 16, 16)] = jnp.zeros((16,), jnp.float32)
            return 0

        lax.fori_loop(0, CHUNK, zrow, 0)
        for r in range(rps // CHUNK):
            pltpu.sync_copy(rows.at[0],
                            acc_sh.at[pl.ds(s * rps + r * CHUNK, CHUNK)])

        pltpu.sync_copy(ei_hbm.at[1, wid], dstv)
        for u in range(4):
            pltpu.async_copy(ei_hbm.at[0, wid, u], sring.at[u], ssems.at[u])
        for u in range(2):
            pltpu.make_async_copy(ei_hbm.at[0, wid, u], sring.at[u],
                                  ssems.at[u]).wait()
            pltpu.async_copy(h2_hbm.at[sring.at[u]], rows.at[u], gsems.at[u])
        plsc.subcore_barrier()

        def loop(jj, _):
            j0 = 4 * jj
            for u in range(4):
                j = j0 + u
                r = u % 2
                nu = (u + 2) % 4
                pltpu.make_async_copy(h2_hbm.at[sring.at[u]], rows.at[r],
                                      gsems.at[r]).wait()

                @pl.when(j + 4 < T)
                def _():
                    pltpu.async_copy(ei_hbm.at[0, wid, j + 4], sring.at[u],
                                     ssems.at[u])

                pltpu.sync_copy(rows.at[r], acc_sh.at[dstv.at[j]], add=True)

                @pl.when(j + 2 < T)
                def _():
                    pltpu.make_async_copy(ei_hbm.at[0, wid, j + 2],
                                          sring.at[nu], ssems.at[nu]).wait()
                    pltpu.async_copy(h2_hbm.at[sring.at[nu]], rows.at[r],
                                     gsems.at[r])

            return 0

        lax.fori_loop(0, T // 4, loop, 0)
        plsc.subcore_barrier()
        pltpu.sync_copy(acc_sh.at[pl.ds(s * rps, rps)],
                        acc_hbm.at[c, pl.ds(s * rps, rps)])

    return pl.kernel(
        body,
        out_type=jax.ShapeDtypeStruct((NC, npad, h), jnp.float32),
        mesh=mesh,
        scratch_types=[
            pltpu.VMEM((4, CHUNK), jnp.int32),
            pltpu.VMEM((T, CHUNK), jnp.int32),
            pltpu.VMEM((2, CHUNK, h), jnp.float32),
            pltpu.VMEM_SHARED((npad, h), jnp.float32),
            pltpu.SemaphoreType.DMA((4,)),
            pltpu.SemaphoreType.DMA((2,)),
        ],
    )(h2, ei4)


def _tc_h2(x, W, deg, npad, h):

    def body(x_ref, w_ref, deg_ref, h2_ref):
        d = deg_ref[0, :] + deg_ref[1, :] + 1.0
        hm = jnp.dot(x_ref[...], w_ref[...], preferred_element_type=jnp.float32)
        h2_ref[...] = hm * lax.rsqrt(d)[:, None]

    return pl.pallas_call(
        body,
        grid=(npad // RBLK,),
        in_specs=[
            pl.BlockSpec((RBLK, h), lambda i: (i, 0)),
            pl.BlockSpec((h, h), lambda i: (0, 0)),
            pl.BlockSpec((NC, RBLK), lambda i: (0, i)),
        ],
        out_specs=pl.BlockSpec((RBLK, h), lambda i: (i, 0)),
        out_shape=jax.ShapeDtypeStruct((npad, h), jnp.float32),
    )(x, W, deg)


def _tc_final(acc, h2, deg, b2, n, h, fblk):

    def body(acc_ref, h2_ref, deg_ref, b_ref, o_ref):
        d = deg_ref[0, :, 0] + deg_ref[1, :, 0] + 1.0
        dinv = lax.rsqrt(d)
        tot = acc_ref[0] + acc_ref[1] + h2_ref[...]
        o_ref[...] = jnp.maximum(tot * dinv[:, None] + b_ref[...], 0.0)

    return pl.pallas_call(
        body,
        grid=(n // fblk,),
        in_specs=[
            pl.BlockSpec((NC, fblk, h), lambda i: (0, i, 0)),
            pl.BlockSpec((fblk, h), lambda i: (i, 0)),
            pl.BlockSpec((NC, fblk, 1), lambda i: (0, i, 0)),
            pl.BlockSpec((1, h), lambda i: (0, 0)),
        ],
        out_specs=pl.BlockSpec((fblk, h), lambda i: (i, 0)),
        out_shape=jax.ShapeDtypeStruct((n, h), jnp.float32),
    )(acc, h2, deg.reshape(NC, -1, 1), b2)


def kernel(x, edge_index, W, b):
    n, h = x.shape
    e = edge_index.shape[1]
    npad = -(-(n + 1) // (NS * CHUNK)) * (NS * CHUNK)
    nch = -(-(-(-e // CHUNK)) // 64) * 64
    epad = nch * CHUNK

    ar = jnp.arange(epad - e, dtype=jnp.int32)
    pad2 = jnp.stack([ar % jnp.int32(n), jnp.int32(n) + ar % jnp.int32(npad - n)])
    ei = jnp.concatenate([edge_index.astype(jnp.int32), pad2], axis=1)

    ei4 = ei.reshape(2, NW, nch // NW, CHUNK)

    deg = _sc_degree(ei4, npad)
    h2 = _tc_h2(x, W, deg, npad, h)
    acc = _sc_scatter(h2, ei4, npad, h)
    fblk = next((f for f in (2000, 1000, 500, 400, 200, 80, 40, 16, 8)
                 if n % f == 0), None)
    if fblk is None:
        out = _tc_final(acc, h2, deg, b.reshape(1, h), npad, h, RBLK)
        return out[:n]
    return _tc_final(acc, h2, deg, b.reshape(1, h), n, h, fblk)

# --- scband reference (transcript-rebuilt; emitter-appended) ---
"""Pipeline reference for scband-gno-layer-55259049230850 (READ-ONLY COPY).

The authoritative reference and input builder live on the scoring server;
editing this copy changes nothing except your own understanding.
"""

import jax, jax.numpy as jnp
import numpy as np

N_NODES = 10000
HIDDEN = 128
N_EDGES = 320000


def setup_inputs(seed: int = 0) -> dict:
    key = jax.random.key(seed)
    k1, k2, k3, k4 = jax.random.split(key, 4)
    x = jax.random.normal(k1, (N_NODES, HIDDEN), dtype=jnp.float32)
    edge_index = jax.random.randint(k2, (2, N_EDGES), 0, N_NODES, dtype=jnp.int64)
    # GCNConv linear weight (glorot) and bias (zeros in PyG default)
    limit = np.sqrt(6.0 / (HIDDEN + HIDDEN))
    W = jax.random.uniform(k3, (HIDDEN, HIDDEN), dtype=jnp.float32, minval=-limit, maxval=limit)
    b = jnp.zeros((HIDDEN,), dtype=jnp.float32)
    return {"x": x, "edge_index": edge_index, "W": W, "b": b}


def reference(x, edge_index, W, b):
    # GCNConv(in=HIDDEN, out=HIDDEN) with default add_self_loops=True, normalize=True,
    # followed by ReLU (GNO_layer.func).
    N = x.shape[0]
    src = edge_index[0]
    dst = edge_index[1]
    loop = jnp.arange(N, dtype=src.dtype)
    src = jnp.concatenate([src, loop], axis=0)
    dst = jnp.concatenate([dst, loop], axis=0)
    ew = jnp.ones(src.shape[0], dtype=x.dtype)
    # symmetric normalization: deg computed on destination nodes
    deg = jnp.zeros((N,), dtype=x.dtype).at[dst].add(ew)
    deg_inv_sqrt = jnp.where(deg > 0, jax.lax.rsqrt(deg), 0.0)
    norm = deg_inv_sqrt[src] * ew * deg_inv_sqrt[dst]
    h = x @ W
    msg = h[src] * norm[:, None]
    out = jnp.zeros((N, h.shape[1]), dtype=x.dtype).at[dst].add(msg)
    out = out + b
    return jax.nn.relu(out)

if __name__ == "__main__":
    import jax
    _d = setup_inputs()
    print(jax.jit(kernel)(*tuple(_d.values())))

</pallas_src>

<mosaic_0001>
#map = affine_map<(d0, d1) -> (0, 0)>
#map1 = affine_map<(d0, d1) -> (0, 0, 0, 0)>
#map2 = affine_map<(d0, d1) -> (0, 0, 0)>
module attributes {stable_mosaic.version = 14 : i64} {
  func.func @body(%arg0: i32, %arg1: i32, %arg2: memref<10240x128xf32, #tpu.memory_space<hbm>>, %arg3: memref<2x32x80x128xi32, #tpu.memory_space<hbm>>, %arg4: memref<2x10240x128xf32, #tpu.memory_space<hbm>>, %arg5: memref<4x128xi32, #tpu.memory_space<vmem>>, %arg6: memref<80x128xi32, #tpu.memory_space<vmem>>, %arg7: memref<2x128x128xf32, #tpu.memory_space<vmem>>, %arg8: memref<10240x128xf32, #tpu.memory_space<vmem_shared>>, %arg9: memref<4x!tpu.dma_semaphore, #tpu.memory_space<semaphore_mem>>, %arg10: memref<2x!tpu.dma_semaphore, #tpu.memory_space<semaphore_mem>>) attributes {dimension_semantics = [#tpu.dimension_semantics<core_parallel>, #tpu.dimension_semantics<subcore_parallel>], iteration_bounds = array<i64: 2, 16>, scalar_prefetch = 0 : i64, scratch_operands = 6 : i64, tpu.core_type = #tpu.core_type<sc_vector_subcore>, window_params = [{transform_indices = #map}, {transform_indices = #map1}, {transform_indices = #map2}]} {
    %mul3A = arith.constant 2 : i32
    %mul3A_0 = arith.muli %arg1, %mul3A : i32
    %add3A = arith.addi %mul3A_0, %arg0 : i32
    %scan3A = arith.constant 0 : i32
    %scan3A_1 = arith.constant 0 : i32
    %scan3A_2 = arith.constant 128 : i32
    %scan3A_3 = arith.addi %scan3A_1, %scan3A_2 : i32
    %scan3A_4 = arith.constant 1 : i32
    %scan3A_5 = scf.for %scan3A_180 = %scan3A_1 to %scan3A_3 step %scan3A_4 iter_args(%scan3A_181 = %scan3A) -> (i32)  : i32 {
      %broadcast_in_dim3A = arith.constant 0.000000e+00 : f32
      %broadcast_in_dim3A_182 = vector.broadcast %broadcast_in_dim3A : f32 to vector<16xf32>
      %swap3A = arith.constant 0 : i32
      %swap3A_183 = arith.index_cast %swap3A : i32 to index
      %swap3A_184 = arith.index_cast %scan3A_180 : i32 to index
      %swap3A_185 = arith.constant 0 : index
      %swap3A_186 = tpu.vector_load %arg7[%swap3A_183, %swap3A_184, %swap3A_185] {strides = array<i32>} : memref<2x128x128xf32, #tpu.memory_space<vmem>>, vector<1x1x16xf32>,
      %swap3A_187 = vector.shape_cast %swap3A_186 : vector<1x1x16xf32> to vector<16xf32>
      %swap3A_188 = vector.shape_cast %broadcast_in_dim3A_182 : vector<16xf32> to vector<1x1x16xf32>
      tpu.vector_store %arg7[%swap3A_183, %swap3A_184, %swap3A_185], %swap3A_188 {strides = array<i32>} : memref<2x128x128xf32, #tpu.memory_space<vmem>>, vector<1x1x16xf32>,
      %broadcast_in_dim3A_189 = arith.constant 0.000000e+00 : f32
      %broadcast_in_dim3A_190 = vector.broadcast %broadcast_in_dim3A_189 : f32 to vector<16xf32>
      %swap3A_191 = arith.constant 0 : i32
      %swap3A_192 = arith.index_cast %swap3A_191 : i32 to index
      %swap3A_193 = arith.index_cast %scan3A_180 : i32 to index
      %swap3A_194 = arith.constant 16 : index
      %swap3A_195 = tpu.vector_load %arg7[%swap3A_192, %swap3A_193, %swap3A_194] {strides = array<i32>} : memref<2x128x128xf32, #tpu.memory_space<vmem>>, vector<1x1x16xf32>,
      %swap3A_196 = vector.shape_cast %swap3A_195 : vector<1x1x16xf32> to vector<16xf32>
      %swap3A_197 = vector.shape_cast %broadcast_in_dim3A_190 : vector<16xf32> to vector<1x1x16xf32>
      tpu.vector_store %arg7[%swap3A_192, %swap3A_193, %swap3A_194], %swap3A_197 {strides = array<i32>} : memref<2x128x128xf32, #tpu.memory_space<vmem>>, vector<1x1x16xf32>,
      %broadcast_in_dim3A_198 = arith.constant 0.000000e+00 : f32
      %broadcast_in_dim3A_199 = vector.broadcast %broadcast_in_dim3A_198 : f32 to vector<16xf32>
      %swap3A_200 = arith.constant 0 : i32
      %swap3A_201 = arith.index_cast %swap3A_200 : i32 to index
      %swap3A_202 = arith.index_cast %scan3A_180 : i32 to index
      %swap3A_203 = arith.constant 32 : index
      %swap3A_204 = tpu.vector_load %arg7[%swap3A_201, %swap3A_202, %swap3A_203] {strides = array<i32>} : memref<2x128x128xf32, #tpu.memory_space<vmem>>, vector<1x1x16xf32>,
      %swap3A_205 = vector.shape_cast %swap3A_204 : vector<1x1x16xf32> to vector<16xf32>
      %swap3A_206 = vector.shape_cast %broadcast_in_dim3A_199 : vector<16xf32> to vector<1x1x16xf32>
      tpu.vector_store %arg7[%swap3A_201, %swap3A_202, %swap3A_203], %swap3A_206 {strides = array<i32>} : memref<2x128x128xf32, #tpu.memory_space<vmem>>, vector<1x1x16xf32>,
      %broadcast_in_dim3A_207 = arith.constant 0.000000e+00 : f32
      %broadcast_in_dim3A_208 = vector.broadcast %broadcast_in_dim3A_207 : f32 to vector<16xf32>
      %swap3A_209 = arith.constant 0 : i32
      %swap3A_210 = arith.index_cast %swap3A_209 : i32 to index
      %swap3A_211 = arith.index_cast %scan3A_180 : i32 to index
      %swap3A_212 = arith.constant 48 : index
      %swap3A_213 = tpu.vector_load %arg7[%swap3A_210, %swap3A_211, %swap3A_212] {strides = array<i32>} : memref<2x128x128xf32, #tpu.memory_space<vmem>>, vector<1x1x16xf32>,
      %swap3A_214 = vector.shape_cast %swap3A_213 : vector<1x1x16xf32> to vector<16xf32>
      %swap3A_215 = vector.shape_cast %broadcast_in_dim3A_208 : vector<16xf32> to vector<1x1x16xf32>
      tpu.vector_store %arg7[%swap3A_210, %swap3A_211, %swap3A_212], %swap3A_215 {strides = array<i32>} : memref<2x128x128xf32, #tpu.memory_space<vmem>>, vector<1x1x16xf32>,
      %broadcast_in_dim3A_216 = arith.constant 0.000000e+00 : f32
      %broadcast_in_dim3A_217 = vector.broadcast %broadcast_in_dim3A_216 : f32 to vector<16xf32>
      %swap3A_218 = arith.constant 0 : i32
      %swap3A_219 = arith.index_cast %swap3A_218 : i32 to index
      %swap3A_220 = arith.index_cast %scan3A_180 : i32 to index
      %swap3A_221 = arith.constant 64 : index
      %swap3A_222 = tpu.vector_load %arg7[%swap3A_219, %swap3A_220, %swap3A_221] {strides = array<i32>} : memref<2x128x128xf32, #tpu.memory_space<vmem>>, vector<1x1x16xf32>,
      %swap3A_223 = vector.shape_cast %swap3A_222 : vector<1x1x16xf32> to vector<16xf32>
      %swap3A_224 = vector.shape_cast %broadcast_in_dim3A_217 : vector<16xf32> to vector<1x1x16xf32>
      tpu.vector_store %arg7[%swap3A_219, %swap3A_220, %swap3A_221], %swap3A_224 {strides = array<i32>} : memref<2x128x128xf32, #tpu.memory_space<vmem>>, vector<1x1x16xf32>,
      %broadcast_in_dim3A_225 = arith.constant 0.000000e+00 : f32
      %broadcast_in_dim3A_226 = vector.broadcast %broadcast_in_dim3A_225 : f32 to vector<16xf32>
      %swap3A_227 = arith.constant 0 : i32
      %swap3A_228 = arith.index_cast %swap3A_227 : i32 to index
      %swap3A_229 = arith.index_cast %scan3A_180 : i32 to index
      %swap3A_230 = arith.constant 80 : index
      %swap3A_231 = tpu.vector_load %arg7[%swap3A_228, %swap3A_229, %swap3A_230] {strides = array<i32>} : memref<2x128x128xf32, #tpu.memory_space<vmem>>, vector<1x1x16xf32>,
      %swap3A_232 = vector.shape_cast %swap3A_231 : vector<1x1x16xf32> to vector<16xf32>
      %swap3A_233 = vector.shape_cast %broadcast_in_dim3A_226 : vector<16xf32> to vector<1x1x16xf32>
      tpu.vector_store %arg7[%swap3A_228, %swap3A_229, %swap3A_230], %swap3A_233 {strides = array<i32>} : memref<2x128x128xf32, #tpu.memory_space<vmem>>, vector<1x1x16xf32>,
      %broadcast_in_dim3A_234 = arith.constant 0.000000e+00 : f32
      %broadcast_in_dim3A_235 = vector.broadcast %broadcast_in_dim3A_234 : f32 to vector<16xf32>
      %swap3A_236 = arith.constant 0 : i32
      %swap3A_237 = arith.index_cast %swap3A_236 : i32 to index
      %swap3A_238 = arith.index_cast %scan3A_180 : i32 to index
      %swap3A_239 = arith.constant 96 : index
      %swap3A_240 = tpu.vector_load %arg7[%swap3A_237, %swap3A_238, %swap3A_239] {strides = array<i32>} : memref<2x128x128xf32, #tpu.memory_space<vmem>>, vector<1x1x16xf32>,
      %swap3A_241 = vector.shape_cast %swap3A_240 : vector<1x1x16xf32> to vector<16xf32>
      %swap3A_242 = vector.shape_cast %broadcast_in_dim3A_235 : vector<16xf32> to vector<1x1x16xf32>
      tpu.vector_store %arg7[%swap3A_237, %swap3A_238, %swap3A_239], %swap3A_242 {strides = array<i32>} : memref<2x128x128xf32, #tpu.memory_space<vmem>>, vector<1x1x16xf32>,
      %broadcast_in_dim3A_243 = arith.constant 0.000000e+00 : f32
      %broadcast_in_dim3A_244 = vector.broadcast %broadcast_in_dim3A_243 : f32 to vector<16xf32>
      %swap3A_245 = arith.constant 0 : i32
      %swap3A_246 = arith.index_cast %swap3A_245 : i32 to index
      %swap3A_247 = arith.index_cast %scan3A_180 : i32 to index
      %swap3A_248 = arith.constant 112 : index
      %swap3A_249 = tpu.vector_load %arg7[%swap3A_246, %swap3A_247, %swap3A_248] {strides = array<i32>} : memref<2x128x128xf32, #tpu.memory_space<vmem>>, vector<1x1x16xf32>,
      %swap3A_250 = vector.shape_cast %swap3A_249 : vector<1x1x16xf32> to vector<16xf32>
      %swap3A_251 = vector.shape_cast %broadcast_in_dim3A_244 : vector<16xf32> to vector<1x1x16xf32>
      tpu.vector_store %arg7[%swap3A_246, %swap3A_247, %swap3A_248], %swap3A_251 {strides = array<i32>} : memref<2x128x128xf32, #tpu.memory_space<vmem>>, vector<1x1x16xf32>,
      %scan3A_252 = arith.constant 0 : i32
      scf.yield %scan3A_252 : i32
    }
    %scan3A_6 = arith.constant 128 : i32
    %mul3A_7 = arith.constant 640 : i32
    %mul3A_8 = arith.muli %arg1, %mul3A_7 : i32
    %add3A_9 = arith.constant 0 : i32
    %add3A_10 = arith.addi %mul3A_8, %add3A_9 : i32
    %run_scoped3A = arith.constant 0 : i32
    "tpu.region"() ({
      %run_scoped3A_180 = tpu.sem_alloc : memref<!tpu.dma_semaphore, #tpu.memory_space<semaphore_mem>>
      %dma_start3A_181 = arith.constant 0 : i32
      %dma_start3A_182 = arith.constant 0 : i32
      %dma_start3A_183 = tpu.memref_slice %arg7[%run_scoped3A, %dma_start3A_181, %dma_start3A_182] : memref<2x128x128xf32, #tpu.memory_space<vmem>> -> memref<1x128x128xf32, #tpu.memory_space<vmem>>
      %dma_start3A_184 = tpu.memref_squeeze %dma_start3A_183 : memref<1x128x128xf32, #tpu.memory_space<vmem>> -> memref<128x128xf32, #tpu.memory_space<vmem>>
      %dma_start3A_185 = arith.constant 0 : i32
      %dma_start3A_186 = tpu.memref_slice %arg8[%add3A_10, %dma_start3A_185] : memref<10240x128xf32, #tpu.memory_space<vmem_shared>> -> memref<128x128xf32, #tpu.memory_space<vmem_shared>>
      %dma_start3A_187 = arith.constant 0 : i32
      %dma_start3A_188 = tpu.memref_slice %arg8[%add3A_10, %dma_start3A_187] : memref<10240x128xf32, #tpu.memory_space<vmem_shared>> -> memref<128x128xf32, #tpu.memory_space<vmem_shared>>
      %dma_start3A_189 = arith.constant 0 : i32
      %dma_start3A_190 = arith.constant 0 : i32
      %dma_start3A_191 = tpu.memref_slice %arg7[%run_scoped3A, %dma_start3A_189, %dma_start3A_190] : memref<2x128x128xf32, #tpu.memory_space<vmem>> -> memref<1x128x128xf32, #tpu.memory_space<vmem>>
      %dma_start3A_192 = tpu.memref_squeeze %dma_start3A_191 : memref<1x128x128xf32, #tpu.memory_space<vmem>> -> memref<128x128xf32, #tpu.memory_space<vmem>>
      tpu.enqueue_dma source(%dma_start3A_192 : memref<128x128xf32, #tpu.memory_space<vmem>>) target(%dma_start3A_188 : memref<128x128xf32, #tpu.memory_space<vmem_shared>>) target_semaphore(%run_scoped3A_180 : memref<!tpu.dma_semaphore, #tpu.memory_space<semaphore_mem>>)
      %dma_wait3A_193 = arith.constant 0 : i32
      %dma_wait3A_194 = arith.constant 0 : i32
      %dma_wait3A_195 = tpu.memref_slice %arg7[%run_scoped3A, %dma_wait3A_193, %dma_wait3A_194] : memref<2x128x128xf32, #tpu.memory_space<vmem>> -> memref<1x128x128xf32, #tpu.memory_space<vmem>>
      %dma_wait3A_196 = tpu.memref_squeeze %dma_wait3A_195 : memref<1x128x128xf32, #tpu.memory_space<vmem>> -> memref<128x128xf32, #tpu.memory_space<vmem>>
      %dma_wait3A_197 = arith.constant 0 : i32
      %dma_wait3A_198 = tpu.memref_slice %arg8[%add3A_10, %dma_wait3A_197] : memref<10240x128xf32, #tpu.memory_space<vmem_shared>> -> memref<128x128xf32, #tpu.memory_space<vmem_shared>>
      %dma_wait3A_199 = arith.constant 0 : i32
      %dma_wait3A_200 = tpu.memref_slice %arg8[%add3A_10, %dma_wait3A_199] : memref<10240x128xf32, #tpu.memory_space<vmem_shared>> -> memref<128x128xf32, #tpu.memory_space<vmem_shared>>
      %dma_wait3A_201 = arith.constant 0 : i32
      %dma_wait3A_202 = arith.constant 0 : i32
      %dma_wait3A_203 = tpu.memref_slice %arg7[%run_scoped3A, %dma_wait3A_201, %dma_wait3A_202] : memref<2x128x128xf32, #tpu.memory_space<vmem>> -> memref<1x128x128xf32, #tpu.memory_space<vmem>>
      %dma_wait3A_204 = tpu.memref_squeeze %dma_wait3A_203 : memref<1x128x128xf32, #tpu.memory_space<vmem>> -> memref<128x128xf32, #tpu.memory_space<vmem>>
      tpu.wait_dma2 semaphore(%run_scoped3A_180 : memref<!tpu.dma_semaphore, #tpu.memory_space<semaphore_mem>>) src(%dma_wait3A_204 : memref<128x128xf32, #tpu.memory_space<vmem>>) dst(%dma_wait3A_200 : memref<128x128xf32, #tpu.memory_space<vmem_shared>>)
      tpu.yield
    }) : () -> ()
    %mul3A_11 = arith.constant 640 : i32
    %mul3A_12 = arith.muli %arg1, %mul3A_11 : i32
    %add3A_13 = arith.constant 128 : i32
    %add3A_14 = arith.addi %mul3A_12, %add3A_13 : i32
    %run_scoped3A_15 = arith.constant 0 : i32
    "tpu.region"() ({
      %run_scoped3A_180 = tpu.sem_alloc : memref<!tpu.dma_semaphore, #tpu.memory_space<semaphore_mem>>
      %dma_start3A_181 = arith.constant 0 : i32
      %dma_start3A_182 = arith.constant 0 : i32
      %dma_start3A_183 = tpu.memref_slice %arg7[%run_scoped3A_15, %dma_start3A_181, %dma_start3A_182] : memref<2x128x128xf32, #tpu.memory_space<vmem>> -> memref<1x128x128xf32, #tpu.memory_space<vmem>>
      %dma_start3A_184 = tpu.memref_squeeze %dma_start3A_183 : memref<1x128x128xf32, #tpu.memory_space<vmem>> -> memref<128x128xf32, #tpu.memory_space<vmem>>
      %dma_start3A_185 = arith.constant 0 : i32
      %dma_start3A_186 = tpu.memref_slice %arg8[%add3A_14, %dma_start3A_185] : memref<10240x128xf32, #tpu.memory_space<vmem_shared>> -> memref<128x128xf32, #tpu.memory_space<vmem_shared>>
      %dma_start3A_187 = arith.constant 0 : i32
      %dma_start3A_188 = tpu.memref_slice %arg8[%add3A_14, %dma_start3A_187] : memref<10240x128xf32, #tpu.memory_space<vmem_shared>> -> memref<128x128xf32, #tpu.memory_space<vmem_shared>>
      %dma_start3A_189 = arith.constant 0 : i32
      %dma_start3A_190 = arith.constant 0 : i32
      %dma_start3A_191 = tpu.memref_slice %arg7[%run_scoped3A_15, %dma_start3A_189, %dma_start3A_190] : memref<2x128x128xf32, #tpu.memory_space<vmem>> -> memref<1x128x128xf32, #tpu.memory_space<vmem>>
      %dma_start3A_192 = tpu.memref_squeeze %dma_start3A_191 : memref<1x128x128xf32, #tpu.memory_space<vmem>> -> memref<128x128xf32, #tpu.memory_space<vmem>>
      tpu.enqueue_dma source(%dma_start3A_192 : memref<128x128xf32, #tpu.memory_space<vmem>>) target(%dma_start3A_188 : memref<128x128xf32, #tpu.memory_space<vmem_shared>>) target_semaphore(%run_scoped3A_180 : memref<!tpu.dma_semaphore, #tpu.memory_space<semaphore_mem>>)
      %dma_wait3A_193 = arith.constant 0 : i32
      %dma_wait3A_194 = arith.constant 0 : i32
      %dma_wait3A_195 = tpu.memref_slice %arg7[%run_scoped3A_15, %dma_wait3A_193, %dma_wait3A_194] : memref<2x128x128xf32, #tpu.memory_space<vmem>> -> memref<1x128x128xf32, #tpu.memory_space<vmem>>
      %dma_wait3A_196 = tpu.memref_squeeze %dma_wait3A_195 : memref<1x128x128xf32, #tpu.memory_space<vmem>> -> memref<128x128xf32, #tpu.memory_space<vmem>>
      %dma_wait3A_197 = arith.constant 0 : i32
      %dma_wait3A_198 = tpu.memref_slice %arg8[%add3A_14, %dma_wait3A_197] : memref<10240x128xf32, #tpu.memory_space<vmem_shared>> -> memref<128x128xf32, #tpu.memory_space<vmem_shared>>
      %dma_wait3A_199 = arith.constant 0 : i32
      %dma_wait3A_200 = tpu.memref_slice %arg8[%add3A_14, %dma_wait3A_199] : memref<10240x128xf32, #tpu.memory_space<vmem_shared>> -> memref<128x128xf32, #tpu.memory_space<vmem_shared>>
      %dma_wait3A_201 = arith.constant 0 : i32
      %dma_wait3A_202 = arith.constant 0 : i32
      %dma_wait3A_203 = tpu.memref_slice %arg7[%run_scoped3A_15, %dma_wait3A_201, %dma_wait3A_202] : memref<2x128x128xf32, #tpu.memory_space<vmem>> -> memref<1x128x128xf32, #tpu.memory_space<vmem>>
      %dma_wait3A_204 = tpu.memref_squeeze %dma_wait3A_203 : memref<1x128x128xf32, #tpu.memory_space<vmem>> -> memref<128x128xf32, #tpu.memory_space<vmem>>
      tpu.wait_dma2 semaphore(%run_scoped3A_180 : memref<!tpu.dma_semaphore, #tpu.memory_space<semaphore_mem>>) src(%dma_wait3A_204 : memref<128x128xf32, #tpu.memory_space<vmem>>) dst(%dma_wait3A_200 : memref<128x128xf32, #tpu.memory_space<vmem_shared>>)
      tpu.yield
    }) : () -> ()
    %mul3A_16 = arith.constant 640 : i32
    %mul3A_17 = arith.muli %arg1, %mul3A_16 : i32
    %add3A_18 = arith.constant 256 : i32
    %add3A_19 = arith.addi %mul3A_17, %add3A_18 : i32
    %run_scoped3A_20 = arith.constant 0 : i32
    "tpu.region"() ({
      %run_scoped3A_180 = tpu.sem_alloc : memref<!tpu.dma_semaphore, #tpu.memory_space<semaphore_mem>>
      %dma_start3A_181 = arith.constant 0 : i32
      %dma_start3A_182 = arith.constant 0 : i32
      %dma_start3A_183 = tpu.memref_slice %arg7[%run_scoped3A_20, %dma_start3A_181, %dma_start3A_182] : memref<2x128x128xf32, #tpu.memory_space<vmem>> -> memref<1x128x128xf32, #tpu.memory_space<vmem>>
      %dma_start3A_184 = tpu.memref_squeeze %dma_start3A_183 : memref<1x128x128xf32, #tpu.memory_space<vmem>> -> memref<128x128xf32, #tpu.memory_space<vmem>>
      %dma_start3A_185 = arith.constant 0 : i32
      %dma_start3A_186 = tpu.memref_slice %arg8[%add3A_19, %dma_start3A_185] : memref<10240x128xf32, #tpu.memory_space<vmem_shared>> -> memref<128x128xf32, #tpu.memory_space<vmem_shared>>
      %dma_start3A_187 = arith.constant 0 : i32
      %dma_start3A_188 = tpu.memref_slice %arg8[%add3A_19, %dma_start3A_187] : memref<10240x128xf32, #tpu.memory_space<vmem_shared>> -> memref<128x128xf32, #tpu.memory_space<vmem_shared>>
      %dma_start3A_189 = arith.constant 0 : i32
      %dma_start3A_190 = arith.constant 0 : i32
      %dma_start3A_191 = tpu.memref_slice %arg7[%run_scoped3A_20, %dma_start3A_189, %dma_start3A_190] : memref<2x128x128xf32, #tpu.memory_space<vmem>> -> memref<1x128x128xf32, #tpu.memory_space<vmem>>
      %dma_start3A_192 = tpu.memref_squeeze %dma_start3A_191 : memref<1x128x128xf32, #tpu.memory_space<vmem>> -> memref<128x128xf32, #tpu.memory_space<vmem>>
      tpu.enqueue_dma source(%dma_start3A_192 : memref<128x128xf32, #tpu.memory_space<vmem>>) target(%dma_start3A_188 : memref<128x128xf32, #tpu.memory_space<vmem_shared>>) target_semaphore(%run_scoped3A_180 : memref<!tpu.dma_semaphore, #tpu.memory_space<semaphore_mem>>)
      %dma_wait3A_193 = arith.constant 0 : i32
      %dma_wait3A_194 = arith.constant 0 : i32
      %dma_wait3A_195 = tpu.memref_slice %arg7[%run_scoped3A_20, %dma_wait3A_193, %dma_wait3A_194] : memref<2x128x128xf32, #tpu.memory_space<vmem>> -> memref<1x128x128xf32, #tpu.memory_space<vmem>>
      %dma_wait3A_196 = tpu.memref_squeeze %dma_wait3A_195 : memref<1x128x128xf32, #tpu.memory_space<vmem>> -> memref<128x128xf32, #tpu.memory_space<vmem>>
      %dma_wait3A_197 = arith.constant 0 : i32
      %dma_wait3A_198 = tpu.memref_slice %arg8[%add3A_19, %dma_wait3A_197] : memref<10240x128xf32, #tpu.memory_space<vmem_shared>> -> memref<128x128xf32, #tpu.memory_space<vmem_shared>>
      %dma_wait3A_199 = arith.constant 0 : i32
      %dma_wait3A_200 = tpu.memref_slice %arg8[%add3A_19, %dma_wait3A_199] : memref<10240x128xf32, #tpu.memory_space<vmem_shared>> -> memref<128x128xf32, #tpu.memory_space<vmem_shared>>
      %dma_wait3A_201 = arith.constant 0 : i32
      %dma_wait3A_202 = arith.constant 0 : i32
      %dma_wait3A_203 = tpu.memref_slice %arg7[%run_scoped3A_20, %dma_wait3A_201, %dma_wait3A_202] : memref<2x128x128xf32, #tpu.memory_space<vmem>> -> memref<1x128x128xf32, #tpu.memory_space<vmem>>
      %dma_wait3A_204 = tpu.memref_squeeze %dma_wait3A_203 : memref<1x128x128xf32, #tpu.memory_space<vmem>> -> memref<128x128xf32, #tpu.memory_space<vmem>>
      tpu.wait_dma2 semaphore(%run_scoped3A_180 : memref<!tpu.dma_semaphore, #tpu.memory_space<semaphore_mem>>) src(%dma_wait3A_204 : memref<128x128xf32, #tpu.memory_space<vmem>>) dst(%dma_wait3A_200 : memref<128x128xf32, #tpu.memory_space<vmem_shared>>)
      tpu.yield
    }) : () -> ()
    %mul3A_21 = arith.constant 640 : i32
    %mul3A_22 = arith.muli %arg1, %mul3A_21 : i32
    %add3A_23 = arith.constant 384 : i32
    %add3A_24 = arith.addi %mul3A_22, %add3A_23 : i32
    %run_scoped3A_25 = arith.constant 0 : i32
    "tpu.region"() ({
      %run_scoped3A_180 = tpu.sem_alloc : memref<!tpu.dma_semaphore, #tpu.memory_space<semaphore_mem>>
      %dma_start3A_181 = arith.constant 0 : i32
      %dma_start3A_182 = arith.constant 0 : i32
      %dma_start3A_183 = tpu.memref_slice %arg7[%run_scoped3A_25, %dma_start3A_181, %dma_start3A_182] : memref<2x128x128xf32, #tpu.memory_space<vmem>> -> memref<1x128x128xf32, #tpu.memory_space<vmem>>
      %dma_start3A_184 = tpu.memref_squeeze %dma_start3A_183 : memref<1x128x128xf32, #tpu.memory_space<vmem>> -> memref<128x128xf32, #tpu.memory_space<vmem>>
      %dma_start3A_185 = arith.constant 0 : i32
      %dma_start3A_186 = tpu.memref_slice %arg8[%add3A_24, %dma_start3A_185] : memref<10240x128xf32, #tpu.memory_space<vmem_shared>> -> memref<128x128xf32, #tpu.memory_space<vmem_shared>>
      %dma_start3A_187 = arith.constant 0 : i32
      %dma_start3A_188 = tpu.memref_slice %arg8[%add3A_24, %dma_start3A_187] : memref<10240x128xf32, #tpu.memory_space<vmem_shared>> -> memref<128x128xf32, #tpu.memory_space<vmem_shared>>
      %dma_start3A_189 = arith.constant 0 : i32
      %dma_start3A_190 = arith.constant 0 : i32
      %dma_start3A_191 = tpu.memref_slice %arg7[%run_scoped3A_25, %dma_start3A_189, %dma_start3A_190] : memref<2x128x128xf32, #tpu.memory_space<vmem>> -> memref<1x128x128xf32, #tpu.memory_space<vmem>>
      %dma_start3A_192 = tpu.memref_squeeze %dma_start3A_191 : memref<1x128x128xf32, #tpu.memory_space<vmem>> -> memref<128x128xf32, #tpu.memory_space<vmem>>
      tpu.enqueue_dma source(%dma_start3A_192 : memref<128x128xf32, #tpu.memory_space<vmem>>) target(%dma_start3A_188 : memref<128x128xf32, #tpu.memory_space<vmem_shared>>) target_semaphore(%run_scoped3A_180 : memref<!tpu.dma_semaphore, #tpu.memory_space<semaphore_mem>>)
      %dma_wait3A_193 = arith.constant 0 : i32
      %dma_wait3A_194 = arith.constant 0 : i32
      %dma_wait3A_195 = tpu.memref_slice %arg7[%run_scoped3A_25, %dma_wait3A_193, %dma_wait3A_194] : memref<2x128x128xf32, #tpu.memory_space<vmem>> -> memref<1x128x128xf32, #tpu.memory_space<vmem>>
      %dma_wait3A_196 = tpu.memref_squeeze %dma_wait3A_195 : memref<1x128x128xf32, #tpu.memory_space<vmem>> -> memref<128x128xf32, #tpu.memory_space<vmem>>
      %dma_wait3A_197 = arith.constant 0 : i32
      %dma_wait3A_198 = tpu.memref_slice %arg8[%add3A_24, %dma_wait3A_197] : memref<10240x128xf32, #tpu.memory_space<vmem_shared>> -> memref<128x128xf32, #tpu.memory_space<vmem_shared>>
      %dma_wait3A_199 = arith.constant 0 : i32
      %dma_wait3A_200 = tpu.memref_slice %arg8[%add3A_24, %dma_wait3A_199] : memref<10240x128xf32, #tpu.memory_space<vmem_shared>> -> memref<128x128xf32, #tpu.memory_space<vmem_shared>>
      %dma_wait3A_201 = arith.constant 0 : i32
      %dma_wait3A_202 = arith.constant 0 : i32
      %dma_wait3A_203 = tpu.memref_slice %arg7[%run_scoped3A_25, %dma_wait3A_201, %dma_wait3A_202] : memref<2x128x128xf32, #tpu.memory_space<vmem>> -> memref<1x128x128xf32, #tpu.memory_space<vmem>>
      %dma_wait3A_204 = tpu.memref_squeeze %dma_wait3A_203 : memref<1x128x128xf32, #tpu.memory_space<vmem>> -> memref<128x128xf32, #tpu.memory_space<vmem>>
      tpu.wait_dma2 semaphore(%run_scoped3A_180 : memref<!tpu.dma_semaphore, #tpu.memory_space<semaphore_mem>>) src(%dma_wait3A_204 : memref<128x128xf32, #tpu.memory_space<vmem>>) dst(%dma_wait3A_200 : memref<128x128xf32, #tpu.memory_space<vmem_shared>>)
      tpu.yield
    }) : () -> ()
    %mul3A_26 = arith.constant 640 : i32
    %mul3A_27 = arith.muli %arg1, %mul3A_26 : i32
    %add3A_28 = arith.constant 512 : i32
    %add3A_29 = arith.addi %mul3A_27, %add3A_28 : i32
    %run_scoped3A_30 = arith.constant 0 : i32
    "tpu.region"() ({
      %run_scoped3A_180 = tpu.sem_alloc : memref<!tpu.dma_semaphore, #tpu.memory_space<semaphore_mem>>
      %dma_start3A_181 = arith.constant 0 : i32
      %dma_start3A_182 = arith.constant 0 : i32
      %dma_start3A_183 = tpu.memref_slice %arg7[%run_scoped3A_30, %dma_start3A_181, %dma_start3A_182] : memref<2x128x128xf32, #tpu.memory_space<vmem>> -> memref<1x128x128xf32, #tpu.memory_space<vmem>>
      %dma_start3A_184 = tpu.memref_squeeze %dma_start3A_183 : memref<1x128x128xf32, #tpu.memory_space<vmem>> -> memref<128x128xf32, #tpu.memory_space<vmem>>
      %dma_start3A_185 = arith.constant 0 : i32
      %dma_start3A_186 = tpu.memref_slice %arg8[%add3A_29, %dma_start3A_185] : memref<10240x128xf32, #tpu.memory_space<vmem_shared>> -> memref<128x128xf32, #tpu.memory_space<vmem_shared>>
      %dma_start3A_187 = arith.constant 0 : i32
      %dma_start3A_188 = tpu.memref_slice %arg8[%add3A_29, %dma_start3A_187] : memref<10240x128xf32, #tpu.memory_space<vmem_shared>> -> memref<128x128xf32, #tpu.memory_space<vmem_shared>>
      %dma_start3A_189 = arith.constant 0 : i32
      %dma_start3A_190 = arith.constant 0 : i32
      %dma_start3A_191 = tpu.memref_slice %arg7[%run_scoped3A_30, %dma_start3A_189, %dma_start3A_190] : memref<2x128x128xf32, #tpu.memory_space<vmem>> -> memref<1x128x128xf32, #tpu.memory_space<vmem>>
      %dma_start3A_192 = tpu.memref_squeeze %dma_start3A_191 : memref<1x128x128xf32, #tpu.memory_space<vmem>> -> memref<128x128xf32, #tpu.memory_space<vmem>>
      tpu.enqueue_dma source(%dma_start3A_192 : memref<128x128xf32, #tpu.memory_space<vmem>>) target(%dma_start3A_188 : memref<128x128xf32, #tpu.memory_space<vmem_shared>>) target_semaphore(%run_scoped3A_180 : memref<!tpu.dma_semaphore, #tpu.memory_space<semaphore_mem>>)
      %dma_wait3A_193 = arith.constant 0 : i32
      %dma_wait3A_194 = arith.constant 0 : i32
      %dma_wait3A_195 = tpu.memref_slice %arg7[%run_scoped3A_30, %dma_wait3A_193, %dma_wait3A_194] : memref<2x128x128xf32, #tpu.memory_space<vmem>> -> memref<1x128x128xf32, #tpu.memory_space<vmem>>
      %dma_wait3A_196 = tpu.memref_squeeze %dma_wait3A_195 : memref<1x128x128xf32, #tpu.memory_space<vmem>> -> memref<128x128xf32, #tpu.memory_space<vmem>>
      %dma_wait3A_197 = arith.constant 0 : i32
      %dma_wait3A_198 = tpu.memref_slice %arg8[%add3A_29, %dma_wait3A_197] : memref<10240x128xf32, #tpu.memory_space<vmem_shared>> -> memref<128x128xf32, #tpu.memory_space<vmem_shared>>
      %dma_wait3A_199 = arith.constant 0 : i32
      %dma_wait3A_200 = tpu.memref_slice %arg8[%add3A_29, %dma_wait3A_199] : memref<10240x128xf32, #tpu.memory_space<vmem_shared>> -> memref<128x128xf32, #tpu.memory_space<vmem_shared>>
      %dma_wait3A_201 = arith.constant 0 : i32
      %dma_wait3A_202 = arith.constant 0 : i32
      %dma_wait3A_203 = tpu.memref_slice %arg7[%run_scoped3A_30, %dma_wait3A_201, %dma_wait3A_202] : memref<2x128x128xf32, #tpu.memory_space<vmem>> -> memref<1x128x128xf32, #tpu.memory_space<vmem>>
      %dma_wait3A_204 = tpu.memref_squeeze %dma_wait3A_203 : memref<1x128x128xf32, #tpu.memory_space<vmem>> -> memref<128x128xf32, #tpu.memory_space<vmem>>
      tpu.wait_dma2 semaphore(%run_scoped3A_180 : memref<!tpu.dma_semaphore, #tpu.memory_space<semaphore_mem>>) src(%dma_wait3A_204 : memref<128x128xf32, #tpu.memory_space<vmem>>) dst(%dma_wait3A_200 : memref<128x128xf32, #tpu.memory_space<vmem_shared>>)
      tpu.yield
    }) : () -> ()
    %run_scoped3A_31 = arith.constant 1 : i32
    "tpu.region"() ({
      %run_scoped3A_180 = tpu.sem_alloc : memref<!tpu.dma_semaphore, #tpu.memory_space<semaphore_mem>>
      %dma_start3A_181 = arith.constant 0 : i32
      %dma_start3A_182 = arith.constant 0 : i32
      %dma_start3A_183 = tpu.memref_slice %arg3[%run_scoped3A_31, %add3A, %dma_start3A_181, %dma_start3A_182] : memref<2x32x80x128xi32, #tpu.memory_space<hbm>> -> memref<1x1x80x128xi32, #tpu.memory_space<hbm>>
      %dma_start3A_184 = tpu.memref_squeeze %dma_start3A_183 : memref<1x1x80x128xi32, #tpu.memory_space<hbm>> -> memref<80x128xi32, #tpu.memory_space<hbm>>
      %dma_start3A_185 = arith.constant 0 : i32
      %dma_start3A_186 = arith.constant 0 : i32
      %dma_start3A_187 = tpu.memref_slice %arg3[%run_scoped3A_31, %add3A, %dma_start3A_185, %dma_start3A_186] : memref<2x32x80x128xi32, #tpu.memory_space<hbm>> -> memref<1x1x80x128xi32, #tpu.memory_space<hbm>>
      %dma_start3A_188 = tpu.memref_squeeze %dma_start3A_187 : memref<1x1x80x128xi32, #tpu.memory_space<hbm>> -> memref<80x128xi32, #tpu.memory_space<hbm>>
      tpu.enqueue_dma source(%dma_start3A_188 : memref<80x128xi32, #tpu.memory_space<hbm>>) target(%arg6 : memref<80x128xi32, #tpu.memory_space<vmem>>) target_semaphore(%run_scoped3A_180 : memref<!tpu.dma_semaphore, #tpu.memory_space<semaphore_mem>>)
      %dma_wait3A_189 = arith.constant 0 : i32
      %dma_wait3A_190 = arith.constant 0 : i32
      %dma_wait3A_191 = tpu.memref_slice %arg3[%run_scoped3A_31, %add3A, %dma_wait3A_189, %dma_wait3A_190] : memref<2x32x80x128xi32, #tpu.memory_space<hbm>> -> memref<1x1x80x128xi32, #tpu.memory_space<hbm>>
      %dma_wait3A_192 = tpu.memref_squeeze %dma_wait3A_191 : memref<1x1x80x128xi32, #tpu.memory_space<hbm>> -> memref<80x128xi32, #tpu.memory_space<hbm>>
      %dma_wait3A_193 = arith.constant 0 : i32
      %dma_wait3A_194 = arith.constant 0 : i32
      %dma_wait3A_195 = tpu.memref_slice %arg3[%run_scoped3A_31, %add3A, %dma_wait3A_193, %dma_wait3A_194] : memref<2x32x80x128xi32, #tpu.memory_space<hbm>> -> memref<1x1x80x128xi32, #tpu.memory_space<hbm>>
      %dma_wait3A_196 = tpu.memref_squeeze %dma_wait3A_195 : memref<1x1x80x128xi32, #tpu.memory_space<hbm>> -> memref<80x128xi32, #tpu.memory_space<hbm>>
      tpu.wait_dma2 semaphore(%run_scoped3A_180 : memref<!tpu.dma_semaphore, #tpu.memory_space<semaphore_mem>>) src(%dma_wait3A_196 : memref<80x128xi32, #tpu.memory_space<hbm>>) dst(%arg6 : memref<80x128xi32, #tpu.memory_space<vmem>>)
      tpu.yield
    }) : () -> ()
    %dma_start3A = arith.constant 0 : i32
    %dma_start3A_32 = arith.constant 0 : i32
    %dma_start3A_33 = arith.constant 0 : i32
    %dma_start3A_34 = arith.constant 0 : i32
    %dma_start3A_35 = arith.constant 0 : i32
    %dma_start3A_36 = tpu.memref_slice %arg5[%dma_start3A_33, %dma_start3A_35] : memref<4x128xi32, #tpu.memory_space<vmem>> -> memref<1x128xi32, #tpu.memory_space<vmem>>
    %dma_start3A_37 = tpu.memref_squeeze %dma_start3A_36 : memref<1x128xi32, #tpu.memory_space<vmem>> -> memref<128xi32, #tpu.memory_space<vmem>>
    %dma_start3A_38 = arith.constant 0 : i32
    %dma_start3A_39 = tpu.memref_slice %arg3[%dma_start3A, %add3A, %dma_start3A_32, %dma_start3A_38] : memref<2x32x80x128xi32, #tpu.memory_space<hbm>> -> memref<1x1x1x128xi32, #tpu.memory_space<hbm>>
    %dma_start3A_40 = tpu.memref_squeeze %dma_start3A_39 : memref<1x1x1x128xi32, #tpu.memory_space<hbm>> -> memref<128xi32, #tpu.memory_space<hbm>>
    %dma_start3A_41 = tpu.memref_slice %arg9[%dma_start3A_34] : memref<4x!tpu.dma_semaphore, #tpu.memory_space<semaphore_mem>> -> memref<1x!tpu.dma_semaphore, #tpu.memory_space<semaphore_mem>>
    %dma_start3A_42 = tpu.memref_squeeze %dma_start3A_41 : memref<1x!tpu.dma_semaphore, #tpu.memory_space<semaphore_mem>> -> memref<!tpu.dma_semaphore, #tpu.memory_space<semaphore_mem>>
    %dma_start3A_43 = arith.constant 0 : i32
    %dma_start3A_44 = tpu.memref_slice %arg5[%dma_start3A_33, %dma_start3A_43] : memref<4x128xi32, #tpu.memory_space<vmem>> -> memref<1x128xi32, #tpu.memory_space<vmem>>
    %dma_start3A_45 = tpu.memref_squeeze %dma_start3A_44 : memref<1x128xi32, #tpu.memory_space<vmem>> -> memref<128xi32, #tpu.memory_space<vmem>>
    %dma_start3A_46 = arith.constant 0 : i32
    %dma_start3A_47 = tpu.memref_slice %arg3[%dma_start3A, %add3A, %dma_start3A_32, %dma_start3A_46] : memref<2x32x80x128xi32, #tpu.memory_space<hbm>> -> memref<1x1x1x128xi32, #tpu.memory_space<hbm>>
    %dma_start3A_48 = tpu.memref_squeeze %dma_start3A_47 : memref<1x1x1x128xi32, #tpu.memory_space<hbm>> -> memref<128xi32, #tpu.memory_space<hbm>>
    tpu.enqueue_dma source(%dma_start3A_48 : memref<128xi32, #tpu.memory_space<hbm>>) target(%dma_start3A_45 : memref<128xi32, #tpu.memory_space<vmem>>) target_semaphore(%dma_start3A_42 : memref<!tpu.dma_semaphore, #tpu.memory_space<semaphore_mem>>)
    %dma_start3A_49 = arith.constant 0 : i32
    %dma_start3A_50 = arith.constant 1 : i32
    %dma_start3A_51 = arith.constant 1 : i32
    %dma_start3A_52 = arith.constant 1 : i32
    %dma_start3A_53 = arith.constant 0 : i32
    %dma_start3A_54 = tpu.memref_slice %arg5[%dma_start3A_51, %dma_start3A_53] : memref<4x128xi32, #tpu.memory_space<vmem>> -> memref<1x128xi32, #tpu.memory_space<vmem>>
    %dma_start3A_55 = tpu.memref_squeeze %dma_start3A_54 : memref<1x128xi32, #tpu.memory_space<vmem>> -> memref<128xi32, #tpu.memory_space<vmem>>
    %dma_start3A_56 = arith.constant 0 : i32
    %dma_start3A_57 = tpu.memref_slice %arg3[%dma_start3A_49, %add3A, %dma_start3A_50, %dma_start3A_56] : memref<2x32x80x128xi32, #tpu.memory_space<hbm>> -> memref<1x1x1x128xi32, #tpu.memory_space<hbm>>
    %dma_start3A_58 = tpu.memref_squeeze %dma_start3A_57 : memref<1x1x1x128xi32, #tpu.memory_space<hbm>> -> memref<128xi32, #tpu.memory_space<hbm>>
    %dma_start3A_59 = tpu.memref_slice %arg9[%dma_start3A_52] : memref<4x!tpu.dma_semaphore, #tpu.memory_space<semaphore_mem>> -> memref<1x!tpu.dma_semaphore, #tpu.memory_space<semaphore_mem>>
    %dma_start3A_60 = tpu.memref_squeeze %dma_start3A_59 : memref<1x!tpu.dma_semaphore, #tpu.memory_space<semaphore_mem>> -> memref<!tpu.dma_semaphore, #tpu.memory_space<semaphore_mem>>
    %dma_start3A_61 = arith.constant 0 : i32
    %dma_start3A_62 = tpu.memref_slice %arg5[%dma_start3A_51, %dma_start3A_61] : memref<4x128xi32, #tpu.memory_space<vmem>> -> memref<1x128xi32, #tpu.memory_space<vmem>>
    %dma_start3A_63 = tpu.memref_squeeze %dma_start3A_62 : memref<1x128xi32, #tpu.memory_space<vmem>> -> memref<128xi32, #tpu.memory_space<vmem>>
    %dma_start3A_64 = arith.constant 0 : i32
    %dma_start3A_65 = tpu.memref_slice %arg3[%dma_start3A_49, %add3A, %dma_start3A_50, %dma_start3A_64] : memref<2x32x80x128xi32, #tpu.memory_space<hbm>> -> memref<1x1x1x128xi32, #tpu.memory_space<hbm>>
    %dma_start3A_66 = tpu.memref_squeeze %dma_start3A_65 : memref<1x1x1x128xi32, #tpu.memory_space<hbm>> -> memref<128xi32, #tpu.memory_space<hbm>>
    tpu.enqueue_dma source(%dma_start3A_66 : memref<128xi32, #tpu.memory_space<hbm>>) target(%dma_start3A_63 : memref<128xi32, #tpu.memory_space<vmem>>) target_semaphore(%dma_start3A_60 : memref<!tpu.dma_semaphore, #tpu.memory_space<semaphore_mem>>)
    %dma_start3A_67 = arith.constant 0 : i32
    %dma_start3A_68 = arith.constant 2 : i32
    %dma_start3A_69 = arith.constant 2 : i32
    %dma_start3A_70 = arith.constant 2 : i32
    %dma_start3A_71 = arith.constant 0 : i32
    %dma_start3A_72 = tpu.memref_slice %arg5[%dma_start3A_69, %dma_start3A_71] : memref<4x128xi32, #tpu.memory_space<vmem>> -> memref<1x128xi32, #tpu.memory_space<vmem>>
    %dma_start3A_73 = tpu.memref_squeeze %dma_start3A_72 : memref<1x128xi32, #tpu.memory_space<vmem>> -> memref<128xi32, #tpu.memory_space<vmem>>
    %dma_start3A_74 = arith.constant 0 : i32
    %dma_start3A_75 = tpu.memref_slice %arg3[%dma_start3A_67, %add3A, %dma_start3A_68, %dma_start3A_74] : memref<2x32x80x128xi32, #tpu.memory_space<hbm>> -> memref<1x1x1x128xi32, #tpu.memory_space<hbm>>
    %dma_start3A_76 = tpu.memref_squeeze %dma_start3A_75 : memref<1x1x1x128xi32, #tpu.memory_space<hbm>> -> memref<128xi32, #tpu.memory_space<hbm>>
    %dma_start3A_77 = tpu.memref_slice %arg9[%dma_start3A_70] : memref<4x!tpu.dma_semaphore, #tpu.memory_space<semaphore_mem>> -> memref<1x!tpu.dma_semaphore, #tpu.memory_space<semaphore_mem>>
    %dma_start3A_78 = tpu.memref_squeeze %dma_start3A_77 : memref<1x!tpu.dma_semaphore, #tpu.memory_space<semaphore_mem>> -> memref<!tpu.dma_semaphore, #tpu.memory_space<semaphore_mem>>
    %dma_start3A_79 = arith.constant 0 : i32
    %dma_start3A_80 = tpu.memref_slice %arg5[%dma_start3A_69, %dma_start3A_79] : memref<4x128xi32, #tpu.memory_space<vmem>> -> memref<1x128xi32, #tpu.memory_space<vmem>>
    %dma_start3A_81 = tpu.memref_squeeze %dma_start3A_80 : memref<1x128xi32, #tpu.memory_space<vmem>> -> memref<128xi32, #tpu.memory_space<vmem>>
    %dma_start3A_82 = arith.constant 0 : i32
    %dma_start3A_83 = tpu.memref_slice %arg3[%dma_start3A_67, %add3A, %dma_start3A_68, %dma_start3A_82] : memref<2x32x80x128xi32, #tpu.memory_space<hbm>> -> memref<1x1x1x128xi32, #tpu.memory_space<hbm>>
    %dma_start3A_84 = tpu.memref_squeeze %dma_start3A_83 : memref<1x1x1x128xi32, #tpu.memory_space<hbm>> -> memref<128xi32, #tpu.memory_space<hbm>>
    tpu.enqueue_dma source(%dma_start3A_84 : memref<128xi32, #tpu.memory_space<hbm>>) target(%dma_start3A_81 : memref<128xi32, #tpu.memory_space<vmem>>) target_semaphore(%dma_start3A_78 : memref<!tpu.dma_semaphore, #tpu.memory_space<semaphore_mem>>)
    %dma_start3A_85 = arith.constant 0 : i32
    %dma_start3A_86 = arith.constant 3 : i32
    %dma_start3A_87 = arith.constant 3 : i32
    %dma_start3A_88 = arith.constant 3 : i32
    %dma_start3A_89 = arith.constant 0 : i32
    %dma_start3A_90 = tpu.memref_slice %arg5[%dma_start3A_87, %dma_start3A_89] : memref<4x128xi32, #tpu.memory_space<vmem>> -> memref<1x128xi32, #tpu.memory_space<vmem>>
    %dma_start3A_91 = tpu.memref_squeeze %dma_start3A_90 : memref<1x128xi32, #tpu.memory_space<vmem>> -> memref<128xi32, #tpu.memory_space<vmem>>
    %dma_start3A_92 = arith.constant 0 : i32
    %dma_start3A_93 = tpu.memref_slice %arg3[%dma_start3A_85, %add3A, %dma_start3A_86, %dma_start3A_92] : memref<2x32x80x128xi32, #tpu.memory_space<hbm>> -> memref<1x1x1x128xi32, #tpu.memory_space<hbm>>
    %dma_start3A_94 = tpu.memref_squeeze %dma_start3A_93 : memref<1x1x1x128xi32, #tpu.memory_space<hbm>> -> memref<128xi32, #tpu.memory_space<hbm>>
    %dma_start3A_95 = tpu.memref_slice %arg9[%dma_start3A_88] : memref<4x!tpu.dma_semaphore, #tpu.memory_space<semaphore_mem>> -> memref<1x!tpu.dma_semaphore, #tpu.memory_space<semaphore_mem>>
    %dma_start3A_96 = tpu.memref_squeeze %dma_start3A_95 : memref<1x!tpu.dma_semaphore, #tpu.memory_space<semaphore_mem>> -> memref<!tpu.dma_semaphore, #tpu.memory_space<semaphore_mem>>
    %dma_start3A_97 = arith.constant 0 : i32
    %dma_start3A_98 = tpu.memref_slice %arg5[%dma_start3A_87, %dma_start3A_97] : memref<4x128xi32, #tpu.memory_space<vmem>> -> memref<1x128xi32, #tpu.memory_space<vmem>>
    %dma_start3A_99 = tpu.memref_squeeze %dma_start3A_98 : memref<1x128xi32, #tpu.memory_space<vmem>> -> memref<128xi32, #tpu.memory_space<vmem>>
    %dma_start3A_100 = arith.constant 0 : i32
    %dma_start3A_101 = tpu.memref_slice %arg3[%dma_start3A_85, %add3A, %dma_start3A_86, %dma_start3A_100] : memref<2x32x80x128xi32, #tpu.memory_space<hbm>> -> memref<1x1x1x128xi32, #tpu.memory_space<hbm>>
    %dma_start3A_102 = tpu.memref_squeeze %dma_start3A_101 : memref<1x1x1x128xi32, #tpu.memory_space<hbm>> -> memref<128xi32, #tpu.memory_space<hbm>>
    tpu.enqueue_dma source(%dma_start3A_102 : memref<128xi32, #tpu.memory_space<hbm>>) target(%dma_start3A_99 : memref<128xi32, #tpu.memory_space<vmem>>) target_semaphore(%dma_start3A_96 : memref<!tpu.dma_semaphore, #tpu.memory_space<semaphore_mem>>)
    %dma_wait3A = arith.constant 0 : i32
    %dma_wait3A_103 = arith.constant 0 : i32
    %dma_wait3A_104 = arith.constant 0 : i32
    %dma_wait3A_105 = arith.constant 0 : i32
    %dma_wait3A_106 = arith.constant 0 : i32
    %dma_wait3A_107 = tpu.memref_slice %arg5[%dma_wait3A_104, %dma_wait3A_106] : memref<4x128xi32, #tpu.memory_space<vmem>> -> memref<1x128xi32, #tpu.memory_space<vmem>>
    %dma_wait3A_108 = tpu.memref_squeeze %dma_wait3A_107 : memref<1x128xi32, #tpu.memory_space<vmem>> -> memref<128xi32, #tpu.memory_space<vmem>>
    %dma_wait3A_109 = arith.constant 0 : i32
    %dma_wait3A_110 = tpu.memref_slice %arg3[%dma_wait3A, %add3A, %dma_wait3A_103, %dma_wait3A_109] : memref<2x32x80x128xi32, #tpu.memory_space<hbm>> -> memref<1x1x1x128xi32, #tpu.memory_space<hbm>>
    %dma_wait3A_111 = tpu.memref_squeeze %dma_wait3A_110 : memref<1x1x1x128xi32, #tpu.memory_space<hbm>> -> memref<128xi32, #tpu.memory_space<hbm>>
    %dma_wait3A_112 = tpu.memref_slice %arg9[%dma_wait3A_105] : memref<4x!tpu.dma_semaphore, #tpu.memory_space<semaphore_mem>> -> memref<1x!tpu.dma_semaphore, #tpu.memory_space<semaphore_mem>>
    %dma_wait3A_113 = tpu.memref_squeeze %dma_wait3A_112 : memref<1x!tpu.dma_semaphore, #tpu.memory_space<semaphore_mem>> -> memref<!tpu.dma_semaphore, #tpu.memory_space<semaphore_mem>>
    %dma_wait3A_114 = arith.constant 0 : i32
    %dma_wait3A_115 = tpu.memref_slice %arg5[%dma_wait3A_104, %dma_wait3A_114] : memref<4x128xi32, #tpu.memory_space<vmem>> -> memref<1x128xi32, #tpu.memory_space<vmem>>
    %dma_wait3A_116 = tpu.memref_squeeze %dma_wait3A_115 : memref<1x128xi32, #tpu.memory_space<vmem>> -> memref<128xi32, #tpu.memory_space<vmem>>
    %dma_wait3A_117 = arith.constant 0 : i32
    %dma_wait3A_118 = tpu.memref_slice %arg3[%dma_wait3A, %add3A, %dma_wait3A_103, %dma_wait3A_117] : memref<2x32x80x128xi32, #tpu.memory_space<hbm>> -> memref<1x1x1x128xi32, #tpu.memory_space<hbm>>
    %dma_wait3A_119 = tpu.memref_squeeze %dma_wait3A_118 : memref<1x1x1x128xi32, #tpu.memory_space<hbm>> -> memref<128xi32, #tpu.memory_space<hbm>>
    tpu.wait_dma2 semaphore(%dma_wait3A_113 : memref<!tpu.dma_semaphore, #tpu.memory_space<semaphore_mem>>) src(%dma_wait3A_119 : memref<128xi32, #tpu.memory_space<hbm>>) dst(%dma_wait3A_116 : memref<128xi32, #tpu.memory_space<vmem>>)
    %dma_start3A_120 = arith.constant 0 : i32
    %dma_start3A_121 = arith.constant 0 : i32
    %dma_start3A_122 = arith.constant 0 : i32
    %dma_start3A_123 = arith.constant 0 : i32
    %dma_start3A_124 = arith.constant 0 : i32
    %dma_start3A_125 = tpu.memref_slice %arg7[%dma_start3A_121, %dma_start3A_123, %dma_start3A_124] : memref<2x128x128xf32, #tpu.memory_space<vmem>> -> memref<1x128x128xf32, #tpu.memory_space<vmem>>
    %dma_start3A_126 = tpu.memref_squeeze %dma_start3A_125 : memref<1x128x128xf32, #tpu.memory_space<vmem>> -> memref<128x128xf32, #tpu.memory_space<vmem>>
    %dma_start3A_127 = arith.constant 0 : i32
    %dma_start3A_128 = tpu.memref_slice %arg5[%dma_start3A_120, %dma_start3A_127] : memref<4x128xi32, #tpu.memory_space<vmem>> -> memref<1x128xi32, #tpu.memory_space<vmem>>
    %dma_start3A_129 = tpu.memref_squeeze %dma_start3A_128 : memref<1x128xi32, #tpu.memory_space<vmem>> -> memref<128xi32, #tpu.memory_space<vmem>>
    %dma_start3A_130 = arith.constant 0 : i32
    %dma_start3A_131 = arith.constant 0 : i32
    %dma_start3A_132 = tpu.memref_slice %arg2[%dma_start3A_130, %dma_start3A_131] : memref<10240x128xf32, #tpu.memory_space<hbm>> -> memref<10240x128xf32, #tpu.memory_space<hbm>>
    %dma_start3A_133 = tpu.memref_slice %arg10[%dma_start3A_122] : memref<2x!tpu.dma_semaphore, #tpu.memory_space<semaphore_mem>> -> memref<1x!tpu.dma_semaphore, #tpu.memory_space<semaphore_mem>>
    %dma_start3A_134 = tpu.memref_squeeze %dma_start3A_133 : memref<1x!tpu.dma_semaphore, #tpu.memory_space<semaphore_mem>> -> memref<!tpu.dma_semaphore, #tpu.memory_space<semaphore_mem>>
    tpu.enqueue_indirect_dma source(%dma_start3A_132 : memref<10240x128xf32, #tpu.memory_space<hbm>>) target(%dma_start3A_126 : memref<128x128xf32, #tpu.memory_space<vmem>>) offsets(%dma_start3A_129 : memref<128xi32, #tpu.memory_space<vmem>>) semaphore(%dma_start3A_134 : memref<!tpu.dma_semaphore, #tpu.memory_space<semaphore_mem>>)
    %dma_wait3A_135 = arith.constant 0 : i32
    %dma_wait3A_136 = arith.constant 1 : i32
    %dma_wait3A_137 = arith.constant 1 : i32
    %dma_wait3A_138 = arith.constant 1 : i32
    %dma_wait3A_139 = arith.constant 0 : i32
    %dma_wait3A_140 = tpu.memref_slice %arg5[%dma_wait3A_137, %dma_wait3A_139] : memref<4x128xi32, #tpu.memory_space<vmem>> -> memref<1x128xi32, #tpu.memory_space<vmem>>
    %dma_wait3A_141 = tpu.memref_squeeze %dma_wait3A_140 : memref<1x128xi32, #tpu.memory_space<vmem>> -> memref<128xi32, #tpu.memory_space<vmem>>
    %dma_wait3A_142 = arith.constant 0 : i32
    %dma_wait3A_143 = tpu.memref_slice %arg3[%dma_wait3A_135, %add3A, %dma_wait3A_136, %dma_wait3A_142] : memref<2x32x80x128xi32, #tpu.memory_space<hbm>> -> memref<1x1x1x128xi32, #tpu.memory_space<hbm>>
    %dma_wait3A_144 = tpu.memref_squeeze %dma_wait3A_143 : memref<1x1x1x128xi32, #tpu.memory_space<hbm>> -> memref<128xi32, #tpu.memory_space<hbm>>
    %dma_wait3A_145 = tpu.memref_slice %arg9[%dma_wait3A_138] : memref<4x!tpu.dma_semaphore, #tpu.memory_space<semaphore_mem>> -> memref<1x!tpu.dma_semaphore, #tpu.memory_space<semaphore_mem>>
    %dma_wait3A_146 = tpu.memref_squeeze %dma_wait3A_145 : memref<1x!tpu.dma_semaphore, #tpu.memory_space<semaphore_mem>> -> memref<!tpu.dma_semaphore, #tpu.memory_space<semaphore_mem>>
    %dma_wait3A_147 = arith.constant 0 : i32
    %dma_wait3A_148 = tpu.memref_slice %arg5[%dma_wait3A_137, %dma_wait3A_147] : memref<4x128xi32, #tpu.memory_space<vmem>> -> memref<1x128xi32, #tpu.memory_space<vmem>>
    %dma_wait3A_149 = tpu.memref_squeeze %dma_wait3A_148 : memref<1x128xi32, #tpu.memory_space<vmem>> -> memref<128xi32, #tpu.memory_space<vmem>>
    %dma_wait3A_150 = arith.constant 0 : i32
    %dma_wait3A_151 = tpu.memref_slice %arg3[%dma_wait3A_135, %add3A, %dma_wait3A_136, %dma_wait3A_150] : memref<2x32x80x128xi32, #tpu.memory_space<hbm>> -> memref<1x1x1x128xi32, #tpu.memory_space<hbm>>
    %dma_wait3A_152 = tpu.memref_squeeze %dma_wait3A_151 : memref<1x1x1x128xi32, #tpu.memory_space<hbm>> -> memref<128xi32, #tpu.memory_space<hbm>>
    tpu.wait_dma2 semaphore(%dma_wait3A_146 : memref<!tpu.dma_semaphore, #tpu.memory_space<semaphore_mem>>) src(%dma_wait3A_152 : memref<128xi32, #tpu.memory_space<hbm>>) dst(%dma_wait3A_149 : memref<128xi32, #tpu.memory_space<vmem>>)
    %dma_start3A_153 = arith.constant 1 : i32
    %dma_start3A_154 = arith.constant 1 : i32
    %dma_start3A_155 = arith.constant 1 : i32
    %dma_start3A_156 = arith.constant 0 : i32
    %dma_start3A_157 = arith.constant 0 : i32
    %dma_start3A_158 = tpu.memref_slice %arg7[%dma_start3A_154, %dma_start3A_156, %dma_start3A_157] : memref<2x128x128xf32, #tpu.memory_space<vmem>> -> memref<1x128x128xf32, #tpu.memory_space<vmem>>
    %dma_start3A_159 = tpu.memref_squeeze %dma_start3A_158 : memref<1x128x128xf32, #tpu.memory_space<vmem>> -> memref<128x128xf32, #tpu.memory_space<vmem>>
    %dma_start3A_160 = arith.constant 0 : i32
    %dma_start3A_161 = tpu.memref_slice %arg5[%dma_start3A_153, %dma_start3A_160] : memref<4x128xi32, #tpu.memory_space<vmem>> -> memref<1x128xi32, #tpu.memory_space<vmem>>
    %dma_start3A_162 = tpu.memref_squeeze %dma_start3A_161 : memref<1x128xi32, #tpu.memory_space<vmem>> -> memref<128xi32, #tpu.memory_space<vmem>>
    %dma_start3A_163 = arith.constant 0 : i32
    %dma_start3A_164 = arith.constant 0 : i32
    %dma_start3A_165 = tpu.memref_slice %arg2[%dma_start3A_163, %dma_start3A_164] : memref<10240x128xf32, #tpu.memory_space<hbm>> -> memref<10240x128xf32, #tpu.memory_space<hbm>>
    %dma_start3A_166 = tpu.memref_slice %arg10[%dma_start3A_155] : memref<2x!tpu.dma_semaphore, #tpu.memory_space<semaphore_mem>> -> memref<1x!tpu.dma_semaphore, #tpu.memory_space<semaphore_mem>>
    %dma_start3A_167 = tpu.memref_squeeze %dma_start3A_166 : memref<1x!tpu.dma_semaphore, #tpu.memory_space<semaphore_mem>> -> memref<!tpu.dma_semaphore, #tpu.memory_space<semaphore_mem>>
    tpu.enqueue_indirect_dma source(%dma_start3A_165 : memref<10240x128xf32, #tpu.memory_space<hbm>>) target(%dma_start3A_159 : memref<128x128xf32, #tpu.memory_space<vmem>>) offsets(%dma_start3A_162 : memref<128xi32, #tpu.memory_space<vmem>>) semaphore(%dma_start3A_167 : memref<!tpu.dma_semaphore, #tpu.memory_space<semaphore_mem>>)
    %barrier3A = arith.constant 0 : index
    tpu.barrier barrier_id(%barrier3A)
    %scan3A_168 = arith.constant 0 : i32
    %scan3A_169 = arith.constant 0 : i32
    %scan3A_170 = arith.constant 20 : i32
    %scan3A_171 = arith.addi %scan3A_169, %scan3A_170 : i32
    %scan3A_172 = arith.constant 1 : i32
    %scan3A_173 = scf.for %scan3A_180 = %scan3A_169 to %scan3A_171 step %scan3A_172 iter_args(%scan3A_181 = %scan3A_168) -> (i32)  : i32 {
      %mul3A_182 = arith.constant 4 : i32
      %mul3A_183 = arith.muli %mul3A_182, %scan3A_180 : i32
      %add3A_184 = arith.constant 0 : i32
      %add3A_185 = arith.addi %mul3A_183, %add3A_184 : i32
      %dma_wait3A_186 = arith.constant 0 : i32
      %dma_wait3A_187 = arith.constant 0 : i32
      %dma_wait3A_188 = arith.constant 0 : i32
      %dma_wait3A_189 = arith.constant 0 : i32
      %dma_wait3A_190 = arith.constant 0 : i32
      %dma_wait3A_191 = tpu.memref_slice %arg7[%dma_wait3A_187, %dma_wait3A_189, %dma_wait3A_190] : memref<2x128x128xf32, #tpu.memory_space<vmem>> -> memref<1x128x128xf32, #tpu.memory_space<vmem>>
      %dma_wait3A_192 = tpu.memref_squeeze %dma_wait3A_191 : memref<1x128x128xf32, #tpu.memory_space<vmem>> -> memref<128x128xf32, #tpu.memory_space<vmem>>
      %dma_wait3A_193 = arith.constant 0 : i32
      %dma_wait3A_194 = tpu.memref_slice %arg5[%dma_wait3A_186, %dma_wait3A_193] : memref<4x128xi32, #tpu.memory_space<vmem>> -> memref<1x128xi32, #tpu.memory_space<vmem>>
      %dma_wait3A_195 = tpu.memref_squeeze %dma_wait3A_194 : memref<1x128xi32, #tpu.memory_space<vmem>> -> memref<128xi32, #tpu.memory_space<vmem>>
      %dma_wait3A_196 = arith.constant 0 : i32
      %dma_wait3A_197 = arith.constant 0 : i32
      %dma_wait3A_198 = tpu.memref_slice %arg2[%dma_wait3A_196, %dma_wait3A_197] : memref<10240x128xf32, #tpu.memory_space<hbm>> -> memref<10240x128xf32, #tpu.memory_space<hbm>>
      %dma_wait3A_199 = tpu.memref_slice %arg10[%dma_wait3A_188] : memref<2x!tpu.dma_semaphore, #tpu.memory_space<semaphore_mem>> -> memref<1x!tpu.dma_semaphore, #tpu.memory_space<semaphore_mem>>
      %dma_wait3A_200 = tpu.memref_squeeze %dma_wait3A_199 : memref<1x!tpu.dma_semaphore, #tpu.memory_space<semaphore_mem>> -> memref<!tpu.dma_semaphore, #tpu.memory_space<semaphore_mem>>
      tpu.wait_indirect_dma semaphore(%dma_wait3A_200 : memref<!tpu.dma_semaphore, #tpu.memory_space<semaphore_mem>>) src(%dma_wait3A_198 : memref<10240x128xf32, #tpu.memory_space<hbm>>) dst(%dma_wait3A_192 : memref<128x128xf32, #tpu.memory_space<vmem>>)
      %add3A_201 = arith.constant 4 : i32
      %add3A_202 = arith.addi %add3A_185, %add3A_201 : i32
      %lt3A = arith.constant 80 : i32
      %lt3A_203 = arith.cmpi slt, %add3A_202, %lt3A : i32
      %convert_element_type3A = arith.extui %lt3A_203 : i1 to i32
      %cond3A = arith.constant 0 : i32
      %cond3A_204 = arith.cmpi ne, %convert_element_type3A, %cond3A : i32
      scf.if %cond3A_204 {
        %add3A_310 = arith.constant 4 : i32
        %add3A_311 = arith.addi %add3A_185, %add3A_310 : i32
        %dma_start3A_312 = arith.constant 0 : i32
        %dma_start3A_313 = arith.constant 0 : i32
        %dma_start3A_314 = arith.constant 0 : i32
        %dma_start3A_315 = arith.constant 0 : i32
        %dma_start3A_316 = tpu.memref_slice %arg5[%dma_start3A_313, %dma_start3A_315] : memref<4x128xi32, #tpu.memory_space<vmem>> -> memref<1x128xi32, #tpu.memory_space<vmem>>
        %dma_start3A_317 = tpu.memref_squeeze %dma_start3A_316 : memref<1x128xi32, #tpu.memory_space<vmem>> -> memref<128xi32, #tpu.memory_space<vmem>>
        %dma_start3A_318 = arith.constant 0 : i32
        %dma_start3A_319 = tpu.memref_slice %arg3[%dma_start3A_312, %add3A, %add3A_311, %dma_start3A_318] : memref<2x32x80x128xi32, #tpu.memory_space<hbm>> -> memref<1x1x1x128xi32, #tpu.memory_space<hbm>>
        %dma_start3A_320 = tpu.memref_squeeze %dma_start3A_319 : memref<1x1x1x128xi32, #tpu.memory_space<hbm>> -> memref<128xi32, #tpu.memory_space<hbm>>
        %dma_start3A_321 = tpu.memref_slice %arg9[%dma_start3A_314] : memref<4x!tpu.dma_semaphore, #tpu.memory_space<semaphore_mem>> -> memref<1x!tpu.dma_semaphore, #tpu.memory_space<semaphore_mem>>
        %dma_start3A_322 = tpu.memref_squeeze %dma_start3A_321 : memref<1x!tpu.dma_semaphore, #tpu.memory_space<semaphore_mem>> -> memref<!tpu.dma_semaphore, #tpu.memory_space<semaphore_mem>>
        %dma_start3A_323 = arith.constant 0 : i32
        %dma_start3A_324 = tpu.memref_slice %arg5[%dma_start3A_313, %dma_start3A_323] : memref<4x128xi32, #tpu.memory_space<vmem>> -> memref<1x128xi32, #tpu.memory_space<vmem>>
        %dma_start3A_325 = tpu.memref_squeeze %dma_start3A_324 : memref<1x128xi32, #tpu.memory_space<vmem>> -> memref<128xi32, #tpu.memory_space<vmem>>
        %dma_start3A_326 = arith.constant 0 : i32
        %dma_start3A_327 = tpu.memref_slice %arg3[%dma_start3A_312, %add3A, %add3A_311, %dma_start3A_326] : memref<2x32x80x128xi32, #tpu.memory_space<hbm>> -> memref<1x1x1x128xi32, #tpu.memory_space<hbm>>
        %dma_start3A_328 = tpu.memref_squeeze %dma_start3A_327 : memref<1x1x1x128xi32, #tpu.memory_space<hbm>> -> memref<128xi32, #tpu.memory_space<hbm>>
        tpu.enqueue_dma source(%dma_start3A_328 : memref<128xi32, #tpu.memory_space<hbm>>) target(%dma_start3A_325 : memref<128xi32, #tpu.memory_space<vmem>>) target_semaphore(%dma_start3A_322 : memref<!tpu.dma_semaphore, #tpu.memory_space<semaphore_mem>>)
      } else {
      }
      %run_scoped3A_205 = arith.constant 0 : i32
      "tpu.region"() ({
        %run_scoped3A_310 = tpu.sem_alloc : memref<!tpu.dma_semaphore, #tpu.memory_space<semaphore_mem>>
        %dma_start3A_311 = arith.constant 0 : i32
        %dma_start3A_312 = arith.constant 0 : i32
        %dma_start3A_313 = tpu.memref_slice %arg7[%run_scoped3A_205, %dma_start3A_311, %dma_start3A_312] : memref<2x128x128xf32, #tpu.memory_space<vmem>> -> memref<1x128x128xf32, #tpu.memory_space<vmem>>
        %dma_start3A_314 = tpu.memref_squeeze %dma_start3A_313 : memref<1x128x128xf32, #tpu.memory_space<vmem>> -> memref<128x128xf32, #tpu.memory_space<vmem>>
        %dma_start3A_315 = arith.constant 0 : i32
        %dma_start3A_316 = tpu.memref_slice %arg6[%add3A_185, %dma_start3A_315] : memref<80x128xi32, #tpu.memory_space<vmem>> -> memref<1x128xi32, #tpu.memory_space<vmem>>
        %dma_start3A_317 = tpu.memref_squeeze %dma_start3A_316 : memref<1x128xi32, #tpu.memory_space<vmem>> -> memref<128xi32, #tpu.memory_space<vmem>>
        %dma_start3A_318 = arith.constant 0 : i32
        %dma_start3A_319 = arith.constant 0 : i32
        %dma_start3A_320 = tpu.memref_slice %arg8[%dma_start3A_318, %dma_start3A_319] : memref<10240x128xf32, #tpu.memory_space<vmem_shared>> -> memref<10240x128xf32, #tpu.memory_space<vmem_shared>>
        tpu.enqueue_indirect_dma source(%dma_start3A_314 : memref<128x128xf32, #tpu.memory_space<vmem>>) target(%dma_start3A_320 : memref<10240x128xf32, #tpu.memory_space<vmem_shared>>) offsets(%dma_start3A_317 : memref<128xi32, #tpu.memory_space<vmem>>) semaphore(%run_scoped3A_310 : memref<!tpu.dma_semaphore, #tpu.memory_space<semaphore_mem>>) {add = true}
        %dma_wait3A_321 = arith.constant 0 : i32
        %dma_wait3A_322 = arith.constant 0 : i32
        %dma_wait3A_323 = tpu.memref_slice %arg7[%run_scoped3A_205, %dma_wait3A_321, %dma_wait3A_322] : memref<2x128x128xf32, #tpu.memory_space<vmem>> -> memref<1x128x128xf32, #tpu.memory_space<vmem>>
        %dma_wait3A_324 = tpu.memref_squeeze %dma_wait3A_323 : memref<1x128x128xf32, #tpu.memory_space<vmem>> -> memref<128x128xf32, #tpu.memory_space<vmem>>
        %dma_wait3A_325 = arith.constant 0 : i32
        %dma_wait3A_326 = tpu.memref_slice %arg6[%add3A_185, %dma_wait3A_325] : memref<80x128xi32, #tpu.memory_space<vmem>> -> memref<1x128xi32, #tpu.memory_space<vmem>>
        %dma_wait3A_327 = tpu.memref_squeeze %dma_wait3A_326 : memref<1x128xi32, #tpu.memory_space<vmem>> -> memref<128xi32, #tpu.memory_space<vmem>>
        %dma_wait3A_328 = arith.constant 0 : i32
        %dma_wait3A_329 = arith.constant 0 : i32
        %dma_wait3A_330 = tpu.memref_slice %arg8[%dma_wait3A_328, %dma_wait3A_329] : memref<10240x128xf32, #tpu.memory_space<vmem_shared>> -> memref<10240x128xf32, #tpu.memory_space<vmem_shared>>
        tpu.wait_indirect_dma semaphore(%run_scoped3A_310 : memref<!tpu.dma_semaphore, #tpu.memory_space<semaphore_mem>>) src(%dma_wait3A_324 : memref<128x128xf32, #tpu.memory_space<vmem>>) dst(%dma_wait3A_330 : memref<10240x128xf32, #tpu.memory_space<vmem_shared>>)
        tpu.yield
      }) : () -> ()
      %add3A_206 = arith.constant 2 : i32
      %add3A_207 = arith.addi %add3A_185, %add3A_206 : i32
      %lt3A_208 = arith.constant 80 : i32
      %lt3A_209 = arith.cmpi slt, %add3A_207, %lt3A_208 : i32
      %convert_element_type3A_210 = arith.extui %lt3A_209 : i1 to i32
      %cond3A_211 = arith.constant 0 : i32
      %cond3A_212 = arith.cmpi ne, %convert_element_type3A_210, %cond3A_211 : i32
      scf.if %cond3A_212 {
        %add3A_310 = arith.constant 2 : i32
        %add3A_311 = arith.addi %add3A_185, %add3A_310 : i32
        %dma_wait3A_312 = arith.constant 0 : i32
        %dma_wait3A_313 = arith.constant 2 : i32
        %dma_wait3A_314 = arith.constant 2 : i32
        %dma_wait3A_315 = arith.constant 0 : i32
        %dma_wait3A_316 = tpu.memref_slice %arg5[%dma_wait3A_313, %dma_wait3A_315] : memref<4x128xi32, #tpu.memory_space<vmem>> -> memref<1x128xi32, #tpu.memory_space<vmem>>
        %dma_wait3A_317 = tpu.memref_squeeze %dma_wait3A_316 : memref<1x128xi32, #tpu.memory_space<vmem>> -> memref<128xi32, #tpu.memory_space<vmem>>
        %dma_wait3A_318 = arith.constant 0 : i32
        %dma_wait3A_319 = tpu.memref_slice %arg3[%dma_wait3A_312, %add3A, %add3A_311, %dma_wait3A_318] : memref<2x32x80x128xi32, #tpu.memory_space<hbm>> -> memref<1x1x1x128xi32, #tpu.memory_space<hbm>>
        %dma_wait3A_320 = tpu.memref_squeeze %dma_wait3A_319 : memref<1x1x1x128xi32, #tpu.memory_space<hbm>> -> memref<128xi32, #tpu.memory_space<hbm>>
        %dma_wait3A_321 = tpu.memref_slice %arg9[%dma_wait3A_314] : memref<4x!tpu.dma_semaphore, #tpu.memory_space<semaphore_mem>> -> memref<1x!tpu.dma_semaphore, #tpu.memory_space<semaphore_mem>>
        %dma_wait3A_322 = tpu.memref_squeeze %dma_wait3A_321 : memref<1x!tpu.dma_semaphore, #tpu.memory_space<semaphore_mem>> -> memref<!tpu.dma_semaphore, #tpu.memory_space<semaphore_mem>>
        %dma_wait3A_323 = arith.constant 0 : i32
        %dma_wait3A_324 = tpu.memref_slice %arg5[%dma_wait3A_313, %dma_wait3A_323] : memref<4x128xi32, #tpu.memory_space<vmem>> -> memref<1x128xi32, #tpu.memory_space<vmem>>
        %dma_wait3A_325 = tpu.memref_squeeze %dma_wait3A_324 : memref<1x128xi32, #tpu.memory_space<vmem>> -> memref<128xi32, #tpu.memory_space<vmem>>
        %dma_wait3A_326 = arith.constant 0 : i32
        %dma_wait3A_327 = tpu.memref_slice %arg3[%dma_wait3A_312, %add3A, %add3A_311, %dma_wait3A_326] : memref<2x32x80x128xi32, #tpu.memory_space<hbm>> -> memref<1x1x1x128xi32, #tpu.memory_space<hbm>>
        %dma_wait3A_328 = tpu.memref_squeeze %dma_wait3A_327 : memref<1x1x1x128xi32, #tpu.memory_space<hbm>> -> memref<128xi32, #tpu.memory_space<hbm>>
        tpu.wait_dma2 semaphore(%dma_wait3A_322 : memref<!tpu.dma_semaphore, #tpu.memory_space<semaphore_mem>>) src(%dma_wait3A_328 : memref<128xi32, #tpu.memory_space<hbm>>) dst(%dma_wait3A_325 : memref<128xi32, #tpu.memory_space<vmem>>)
        %dma_start3A_329 = arith.constant 2 : i32
        %dma_start3A_330 = arith.constant 0 : i32
        %dma_start3A_331 = arith.constant 0 : i32
        %dma_start3A_332 = arith.constant 0 : i32
        %dma_start3A_333 = arith.constant 0 : i32
        %dma_start3A_334 = tpu.memref_slice %arg7[%dma_start3A_330, %dma_start3A_332, %dma_start3A_333] : memref<2x128x128xf32, #tpu.memory_space<vmem>> -> memref<1x128x128xf32, #tpu.memory_space<vmem>>
        %dma_start3A_335 = tpu.memref_squeeze %dma_start3A_334 : memref<1x128x128xf32, #tpu.memory_space<vmem>> -> memref<128x128xf32, #tpu.memory_space<vmem>>
        %dma_start3A_336 = arith.constant 0 : i32
        %dma_start3A_337 = tpu.memref_slice %arg5[%dma_start3A_329, %dma_start3A_336] : memref<4x128xi32, #tpu.memory_space<vmem>> -> memref<1x128xi32, #tpu.memory_space<vmem>>
        %dma_start3A_338 = tpu.memref_squeeze %dma_start3A_337 : memref<1x128xi32, #tpu.memory_space<vmem>> -> memref<128xi32, #tpu.memory_space<vmem>>
        %dma_start3A_339 = arith.constant 0 : i32
        %dma_start3A_340 = arith.constant 0 : i32
        %dma_start3A_341 = tpu.memref_slice %arg2[%dma_start3A_339, %dma_start3A_340] : memref<10240x128xf32, #tpu.memory_space<hbm>> -> memref<10240x128xf32, #tpu.memory_space<hbm>>
        %dma_start3A_342 = tpu.memref_slice %arg10[%dma_start3A_331] : memref<2x!tpu.dma_semaphore, #tpu.memory_space<semaphore_mem>> -> memref<1x!tpu.dma_semaphore, #tpu.memory_space<semaphore_mem>>
        %dma_start3A_343 = tpu.memref_squeeze %dma_start3A_342 : memref<1x!tpu.dma_semaphore, #tpu.memory_space<semaphore_mem>> -> memref<!tpu.dma_semaphore, #tpu.memory_space<semaphore_mem>>
        tpu.enqueue_indirect_dma source(%dma_start3A_341 : memref<10240x128xf32, #tpu.memory_space<hbm>>) target(%dma_start3A_335 : memref<128x128xf32, #tpu.memory_space<vmem>>) offsets(%dma_start3A_338 : memref<128xi32, #tpu.memory_space<vmem>>) semaphore(%dma_start3A_343 : memref<!tpu.dma_semaphore, #tpu.memory_space<semaphore_mem>>)
      } else {
      }
      %add3A_213 = arith.constant 1 : i32
      %add3A_214 = arith.addi %mul3A_183, %add3A_213 : i32
      %dma_wait3A_215 = arith.constant 1 : i32
      %dma_wait3A_216 = arith.constant 1 : i32
      %dma_wait3A_217 = arith.constant 1 : i32
      %dma_wait3A_218 = arith.constant 0 : i32
      %dma_wait3A_219 = arith.constant 0 : i32
      %dma_wait3A_220 = tpu.memref_slice %arg7[%dma_wait3A_216, %dma_wait3A_218, %dma_wait3A_219] : memref<2x128x128xf32, #tpu.memory_space<vmem>> -> memref<1x128x128xf32, #tpu.memory_space<vmem>>
      %dma_wait3A_221 = tpu.memref_squeeze %dma_wait3A_220 : memref<1x128x128xf32, #tpu.memory_space<vmem>> -> memref<128x128xf32, #tpu.memory_space<vmem>>
      %dma_wait3A_222 = arith.constant 0 : i32
      %dma_wait3A_223 = tpu.memref_slice %arg5[%dma_wait3A_215, %dma_wait3A_222] : memref<4x128xi32, #tpu.memory_space<vmem>> -> memref<1x128xi32, #tpu.memory_space<vmem>>
      %dma_wait3A_224 = tpu.memref_squeeze %dma_wait3A_223 : memref<1x128xi32, #tpu.memory_space<vmem>> -> memref<128xi32, #tpu.memory_space<vmem>>
      %dma_wait3A_225 = arith.constant 0 : i32
      %dma_wait3A_226 = arith.constant 0 : i32
      %dma_wait3A_227 = tpu.memref_slice %arg2[%dma_wait3A_225, %dma_wait3A_226] : memref<10240x128xf32, #tpu.memory_space<hbm>> -> memref<10240x128xf32, #tpu.memory_space<hbm>>
      %dma_wait3A_228 = tpu.memref_slice %arg10[%dma_wait3A_217] : memref<2x!tpu.dma_semaphore, #tpu.memory_space<semaphore_mem>> -> memref<1x!tpu.dma_semaphore, #tpu.memory_space<semaphore_mem>>
      %dma_wait3A_229 = tpu.memref_squeeze %dma_wait3A_228 : memref<1x!tpu.dma_semaphore, #tpu.memory_space<semaphore_mem>> -> memref<!tpu.dma_semaphore, #tpu.memory_space<semaphore_mem>>
      tpu.wait_indirect_dma semaphore(%dma_wait3A_229 : memref<!tpu.dma_semaphore, #tpu.memory_space<semaphore_mem>>) src(%dma_wait3A_227 : memref<10240x128xf32, #tpu.memory_space<hbm>>) dst(%dma_wait3A_221 : memref<128x128xf32, #tpu.memory_space<vmem>>)
      %add3A_230 = arith.constant 4 : i32
      %add3A_231 = arith.addi %add3A_214, %add3A_230 : i32
      %lt3A_232 = arith.constant 80 : i32
      %lt3A_233 = arith.cmpi slt, %add3A_231, %lt3A_232 : i32
      %convert_element_type3A_234 = arith.extui %lt3A_233 : i1 to i32
      %cond3A_235 = arith.constant 0 : i32
      %cond3A_236 = arith.cmpi ne, %convert_element_type3A_234, %cond3A_235 : i32
      scf.if %cond3A_236 {
        %add3A_310 = arith.constant 4 : i32
        %add3A_311 = arith.addi %add3A_214, %add3A_310 : i32
        %dma_start3A_312 = arith.constant 0 : i32
        %dma_start3A_313 = arith.constant 1 : i32
        %dma_start3A_314 = arith.constant 1 : i32
        %dma_start3A_315 = arith.constant 0 : i32
        %dma_start3A_316 = tpu.memref_slice %arg5[%dma_start3A_313, %dma_start3A_315] : memref<4x128xi32, #tpu.memory_space<vmem>> -> memref<1x128xi32, #tpu.memory_space<vmem>>
        %dma_start3A_317 = tpu.memref_squeeze %dma_start3A_316 : memref<1x128xi32, #tpu.memory_space<vmem>> -> memref<128xi32, #tpu.memory_space<vmem>>
        %dma_start3A_318 = arith.constant 0 : i32
        %dma_start3A_319 = tpu.memref_slice %arg3[%dma_start3A_312, %add3A, %add3A_311, %dma_start3A_318] : memref<2x32x80x128xi32, #tpu.memory_space<hbm>> -> memref<1x1x1x128xi32, #tpu.memory_space<hbm>>
        %dma_start3A_320 = tpu.memref_squeeze %dma_start3A_319 : memref<1x1x1x128xi32, #tpu.memory_space<hbm>> -> memref<128xi32, #tpu.memory_space<hbm>>
        %dma_start3A_321 = tpu.memref_slice %arg9[%dma_start3A_314] : memref<4x!tpu.dma_semaphore, #tpu.memory_space<semaphore_mem>> -> memref<1x!tpu.dma_semaphore, #tpu.memory_space<semaphore_mem>>
        %dma_start3A_322 = tpu.memref_squeeze %dma_start3A_321 : memref<1x!tpu.dma_semaphore, #tpu.memory_space<semaphore_mem>> -> memref<!tpu.dma_semaphore, #tpu.memory_space<semaphore_mem>>
        %dma_start3A_323 = arith.constant 0 : i32
        %dma_start3A_324 = tpu.memref_slice %arg5[%dma_start3A_313, %dma_start3A_323] : memref<4x128xi32, #tpu.memory_space<vmem>> -> memref<1x128xi32, #tpu.memory_space<vmem>>
        %dma_start3A_325 = tpu.memref_squeeze %dma_start3A_324 : memref<1x128xi32, #tpu.memory_space<vmem>> -> memref<128xi32, #tpu.memory_space<vmem>>
        %dma_start3A_326 = arith.constant 0 : i32
        %dma_start3A_327 = tpu.memref_slice %arg3[%dma_start3A_312, %add3A, %add3A_311, %dma_start3A_326] : memref<2x32x80x128xi32, #tpu.memory_space<hbm>> -> memref<1x1x1x128xi32, #tpu.memory_space<hbm>>
        %dma_start3A_328 = tpu.memref_squeeze %dma_start3A_327 : memref<1x1x1x128xi32, #tpu.memory_space<hbm>> -> memref<128xi32, #tpu.memory_space<hbm>>
        tpu.enqueue_dma source(%dma_start3A_328 : memref<128xi32, #tpu.memory_space<hbm>>) target(%dma_start3A_325 : memref<128xi32, #tpu.memory_space<vmem>>) target_semaphore(%dma_start3A_322 : memref<!tpu.dma_semaphore, #tpu.memory_space<semaphore_mem>>)
      } else {
      }
      %run_scoped3A_237 = arith.constant 1 : i32
      "tpu.region"() ({
        %run_scoped3A_310 = tpu.sem_alloc : memref<!tpu.dma_semaphore, #tpu.memory_space<semaphore_mem>>
        %dma_start3A_311 = arith.constant 0 : i32
        %dma_start3A_312 = arith.constant 0 : i32
        %dma_start3A_313 = tpu.memref_slice %arg7[%run_scoped3A_237, %dma_start3A_311, %dma_start3A_312] : memref<2x128x128xf32, #tpu.memory_space<vmem>> -> memref<1x128x128xf32, #tpu.memory_space<vmem>>
        %dma_start3A_314 = tpu.memref_squeeze %dma_start3A_313 : memref<1x128x128xf32, #tpu.memory_space<vmem>> -> memref<128x128xf32, #tpu.memory_space<vmem>>
        %dma_start3A_315 = arith.constant 0 : i32
        %dma_start3A_316 = tpu.memref_slice %arg6[%add3A_214, %dma_start3A_315] : memref<80x128xi32, #tpu.memory_space<vmem>> -> memref<1x128xi32, #tpu.memory_space<vmem>>
        %dma_start3A_317 = tpu.memref_squeeze %dma_start3A_316 : memref<1x128xi32, #tpu.memory_space<vmem>> -> memref<128xi32, #tpu.memory_space<vmem>>
        %dma_start3A_318 = arith.constant 0 : i32
        %dma_start3A_319 = arith.constant 0 : i32
        %dma_start3A_320 = tpu.memref_slice %arg8[%dma_start3A_318, %dma_start3A_319] : memref<10240x128xf32, #tpu.memory_space<vmem_shared>> -> memref<10240x128xf32, #tpu.memory_space<vmem_shared>>
        tpu.enqueue_indirect_dma source(%dma_start3A_314 : memref<128x128xf32, #tpu.memory_space<vmem>>) target(%dma_start3A_320 : memref<10240x128xf32, #tpu.memory_space<vmem_shared>>) offsets(%dma_start3A_317 : memref<128xi32, #tpu.memory_space<vmem>>) semaphore(%run_scoped3A_310 : memref<!tpu.dma_semaphore, #tpu.memory_space<semaphore_mem>>) {add = true}
        %dma_wait3A_321 = arith.constant 0 : i32
        %dma_wait3A_322 = arith.constant 0 : i32
        %dma_wait3A_323 = tpu.memref_slice %arg7[%run_scoped3A_237, %dma_wait3A_321, %dma_wait3A_322] : memref<2x128x128xf32, #tpu.memory_space<vmem>> -> memref<1x128x128xf32, #tpu.memory_space<vmem>>
        %dma_wait3A_324 = tpu.memref_squeeze %dma_wait3A_323 : memref<1x128x128xf32, #tpu.memory_space<vmem>> -> memref<128x128xf32, #tpu.memory_space<vmem>>
        %dma_wait3A_325 = arith.constant 0 : i32
        %dma_wait3A_326 = tpu.memref_slice %arg6[%add3A_214, %dma_wait3A_325] : memref<80x128xi32, #tpu.memory_space<vmem>> -> memref<1x128xi32, #tpu.memory_space<vmem>>
        %dma_wait3A_327 = tpu.memref_squeeze %dma_wait3A_326 : memref<1x128xi32, #tpu.memory_space<vmem>> -> memref<128xi32, #tpu.memory_space<vmem>>
        %dma_wait3A_328 = arith.constant 0 : i32
        %dma_wait3A_329 = arith.constant 0 : i32
        %dma_wait3A_330 = tpu.memref_slice %arg8[%dma_wait3A_328, %dma_wait3A_329] : memref<10240x128xf32, #tpu.memory_space<vmem_shared>> -> memref<10240x128xf32, #tpu.memory_space<vmem_shared>>
        tpu.wait_indirect_dma semaphore(%run_scoped3A_310 : memref<!tpu.dma_semaphore, #tpu.memory_space<semaphore_mem>>) src(%dma_wait3A_324 : memref<128x128xf32, #tpu.memory_space<vmem>>) dst(%dma_wait3A_330 : memref<10240x128xf32, #tpu.memory_space<vmem_shared>>)
        tpu.yield
      }) : () -> ()
      %add3A_238 = arith.constant 2 : i32
      %add3A_239 = arith.addi %add3A_214, %add3A_238 : i32
      %lt3A_240 = arith.constant 80 : i32
      %lt3A_241 = arith.cmpi slt, %add3A_239, %lt3A_240 : i32
      %convert_element_type3A_242 = arith.extui %lt3A_241 : i1 to i32
      %cond3A_243 = arith.constant 0 : i32
      %cond3A_244 = arith.cmpi ne, %convert_element_type3A_242, %cond3A_243 : i32
      scf.if %cond3A_244 {
        %add3A_310 = arith.constant 2 : i32
        %add3A_311 = arith.addi %add3A_214, %add3A_310 : i32
        %dma_wait3A_312 = arith.constant 0 : i32
        %dma_wait3A_313 = arith.constant 3 : i32
        %dma_wait3A_314 = arith.constant 3 : i32
        %dma_wait3A_315 = arith.constant 0 : i32
        %dma_wait3A_316 = tpu.memref_slice %arg5[%dma_wait3A_313, %dma_wait3A_315] : memref<4x128xi32, #tpu.memory_space<vmem>> -> memref<1x128xi32, #tpu.memory_space<vmem>>
        %dma_wait3A_317 = tpu.memref_squeeze %dma_wait3A_316 : memref<1x128xi32, #tpu.memory_space<vmem>> -> memref<128xi32, #tpu.memory_space<vmem>>
        %dma_wait3A_318 = arith.constant 0 : i32
        %dma_wait3A_319 = tpu.memref_slice %arg3[%dma_wait3A_312, %add3A, %add3A_311, %dma_wait3A_318] : memref<2x32x80x128xi32, #tpu.memory_space<hbm>> -> memref<1x1x1x128xi32, #tpu.memory_space<hbm>>
        %dma_wait3A_320 = tpu.memref_squeeze %dma_wait3A_319 : memref<1x1x1x128xi32, #tpu.memory_space<hbm>> -> memref<128xi32, #tpu.memory_space<hbm>>
        %dma_wait3A_321 = tpu.memref_slice %arg9[%dma_wait3A_314] : memref<4x!tpu.dma_semaphore, #tpu.memory_space<semaphore_mem>> -> memref<1x!tpu.dma_semaphore, #tpu.memory_space<semaphore_mem>>
        %dma_wait3A_322 = tpu.memref_squeeze %dma_wait3A_321 : memref<1x!tpu.dma_semaphore, #tpu.memory_space<semaphore_mem>> -> memref<!tpu.dma_semaphore, #tpu.memory_space<semaphore_mem>>
        %dma_wait3A_323 = arith.constant 0 : i32
        %dma_wait3A_324 = tpu.memref_slice %arg5[%dma_wait3A_313, %dma_wait3A_323] : memref<4x128xi32, #tpu.memory_space<vmem>> -> memref<1x128xi32, #tpu.memory_space<vmem>>
        %dma_wait3A_325 = tpu.memref_squeeze %dma_wait3A_324 : memref<1x128xi32, #tpu.memory_space<vmem>> -> memref<128xi32, #tpu.memory_space<vmem>>
        %dma_wait3A_326 = arith.constant 0 : i32
        %dma_wait3A_327 = tpu.memref_slice %arg3[%dma_wait3A_312, %add3A, %add3A_311, %dma_wait3A_326] : memref<2x32x80x128xi32, #tpu.memory_space<hbm>> -> memref<1x1x1x128xi32, #tpu.memory_space<hbm>>
        %dma_wait3A_328 = tpu.memref_squeeze %dma_wait3A_327 : memref<1x1x1x128xi32, #tpu.memory_space<hbm>> -> memref<128xi32, #tpu.memory_space<hbm>>
        tpu.wait_dma2 semaphore(%dma_wait3A_322 : memref<!tpu.dma_semaphore, #tpu.memory_space<semaphore_mem>>) src(%dma_wait3A_328 : memref<128xi32, #tpu.memory_space<hbm>>) dst(%dma_wait3A_325 : memref<128xi32, #tpu.memory_space<vmem>>)
        %dma_start3A_329 = arith.constant 3 : i32
        %dma_start3A_330 = arith.constant 1 : i32
        %dma_start3A_331 = arith.constant 1 : i32
        %dma_start3A_332 = arith.constant 0 : i32
        %dma_start3A_333 = arith.constant 0 : i32
        %dma_start3A_334 = tpu.memref_slice %arg7[%dma_start3A_330, %dma_start3A_332, %dma_start3A_333] : memref<2x128x128xf32, #tpu.memory_space<vmem>> -> memref<1x128x128xf32, #tpu.memory_space<vmem>>
        %dma_start3A_335 = tpu.memref_squeeze %dma_start3A_334 : memref<1x128x128xf32, #tpu.memory_space<vmem>> -> memref<128x128xf32, #tpu.memory_space<vmem>>
        %dma_start3A_336 = arith.constant 0 : i32
        %dma_start3A_337 = tpu.memref_slice %arg5[%dma_start3A_329, %dma_start3A_336] : memref<4x128xi32, #tpu.memory_space<vmem>> -> memref<1x128xi32, #tpu.memory_space<vmem>>
        %dma_start3A_338 = tpu.memref_squeeze %dma_start3A_337 : memref<1x128xi32, #tpu.memory_space<vmem>> -> memref<128xi32, #tpu.memory_space<vmem>>
        %dma_start3A_339 = arith.constant 0 : i32
        %dma_start3A_340 = arith.constant 0 : i32
        %dma_start3A_341 = tpu.memref_slice %arg2[%dma_start3A_339, %dma_start3A_340] : memref<10240x128xf32, #tpu.memory_space<hbm>> -> memref<10240x128xf32, #tpu.memory_space<hbm>>
        %dma_start3A_342 = tpu.memref_slice %arg10[%dma_start3A_331] : memref<2x!tpu.dma_semaphore, #tpu.memory_space<semaphore_mem>> -> memref<1x!tpu.dma_semaphore, #tpu.memory_space<semaphore_mem>>
        %dma_start3A_343 = tpu.memref_squeeze %dma_start3A_342 : memref<1x!tpu.dma_semaphore, #tpu.memory_space<semaphore_mem>> -> memref<!tpu.dma_semaphore, #tpu.memory_space<semaphore_mem>>
        tpu.enqueue_indirect_dma source(%dma_start3A_341 : memref<10240x128xf32, #tpu.memory_space<hbm>>) target(%dma_start3A_335 : memref<128x128xf32, #tpu.memory_space<vmem>>) offsets(%dma_start3A_338 : memref<128xi32, #tpu.memory_space<vmem>>) semaphore(%dma_start3A_343 : memref<!tpu.dma_semaphore, #tpu.memory_space<semaphore_mem>>)
      } else {
      }
      %add3A_245 = arith.constant 2 : i32
      %add3A_246 = arith.addi %mul3A_183, %add3A_245 : i32
      %dma_wait3A_247 = arith.constant 2 : i32
      %dma_wait3A_248 = arith.constant 0 : i32
      %dma_wait3A_249 = arith.constant 0 : i32
      %dma_wait3A_250 = arith.constant 0 : i32
      %dma_wait3A_251 = arith.constant 0 : i32
      %dma_wait3A_252 = tpu.memref_slice %arg7[%dma_wait3A_248, %dma_wait3A_250, %dma_wait3A_251] : memref<2x128x128xf32, #tpu.memory_space<vmem>> -> memref<1x128x128xf32, #tpu.memory_space<vmem>>
      %dma_wait3A_253 = tpu.memref_squeeze %dma_wait3A_252 : memref<1x128x128xf32, #tpu.memory_space<vmem>> -> memref<128x128xf32, #tpu.memory_space<vmem>>
      %dma_wait3A_254 = arith.constant 0 : i32
      %dma_wait3A_255 = tpu.memref_slice %arg5[%dma_wait3A_247, %dma_wait3A_254] : memref<4x128xi32, #tpu.memory_space<vmem>> -> memref<1x128xi32, #tpu.memory_space<vmem>>
      %dma_wait3A_256 = tpu.memref_squeeze %dma_wait3A_255 : memref<1x128xi32, #tpu.memory_space<vmem>> -> memref<128xi32, #tpu.memory_space<vmem>>
      %dma_wait3A_257 = arith.constant 0 : i32
      %dma_wait3A_258 = arith.constant 0 : i32
      %dma_wait3A_259 = tpu.memref_slice %arg2[%dma_wait3A_257, %dma_wait3A_258] : memref<10240x128xf32, #tpu.memory_space<hbm>> -> memref<10240x128xf32, #tpu.memory_space<hbm>>
      %dma_wait3A_260 = tpu.memref_slice %arg10[%dma_wait3A_249] : memref<2x!tpu.dma_semaphore, #tpu.memory_space<semaphore_mem>> -> memref<1x!tpu.dma_semaphore, #tpu.memory_space<semaphore_mem>>
      %dma_wait3A_261 = tpu.memref_squeeze %dma_wait3A_260 : memref<1x!tpu.dma_semaphore, #tpu.memory_space<semaphore_mem>> -> memref<!tpu.dma_semaphore, #tpu.memory_space<semaphore_mem>>
      tpu.wait_indirect_dma semaphore(%dma_wait3A_261 : memref<!tpu.dma_semaphore, #tpu.memory_space<semaphore_mem>>) src(%dma_wait3A_259 : memref<10240x128xf32, #tpu.memory_space<hbm>>) dst(%dma_wait3A_253 : memref<128x128xf32, #tpu.memory_space<vmem>>)
      %add3A_262 = arith.constant 4 : i32
      %add3A_263 = arith.addi %add3A_246, %add3A_262 : i32
      %lt3A_264 = arith.constant 80 : i32
      %lt3A_265 = arith.cmpi slt, %add3A_263, %lt3A_264 : i32
      %convert_element_type3A_266 = arith.extui %lt3A_265 : i1 to i32
      %cond3A_267 = arith.constant 0 : i32
      %cond3A_268 = arith.cmpi ne, %convert_element_type3A_266, %cond3A_267 : i32
      scf.if %cond3A_268 {
        %add3A_310 = arith.constant 4 : i32
        %add3A_311 = arith.addi %add3A_246, %add3A_310 : i32
        %dma_start3A_312 = arith.constant 0 : i32
        %dma_start3A_313 = arith.constant 2 : i32
        %dma_start3A_314 = arith.constant 2 : i32
        %dma_start3A_315 = arith.constant 0 : i32
        %dma_start3A_316 = tpu.memref_slice %arg5[%dma_start3A_313, %dma_start3A_315] : memref<4x128xi32, #tpu.memory_space<vmem>> -> memref<1x128xi32, #tpu.memory_space<vmem>>
        %dma_start3A_317 = tpu.memref_squeeze %dma_start3A_316 : memref<1x128xi32, #tpu.memory_space<vmem>> -> memref<128xi32, #tpu.memory_space<vmem>>
        %dma_start3A_318 = arith.constant 0 : i32
        %dma_start3A_319 = tpu.memref_slice %arg3[%dma_start3A_312, %add3A, %add3A_311, %dma_start3A_318] : memref<2x32x80x128xi32, #tpu.memory_space<hbm>> -> memref<1x1x1x128xi32, #tpu.memory_space<hbm>>
        %dma_start3A_320 = tpu.memref_squeeze %dma_start3A_319 : memref<1x1x1x128xi32, #tpu.memory_space<hbm>> -> memref<128xi32, #tpu.memory_space<hbm>>
        %dma_start3A_321 = tpu.memref_slice %arg9[%dma_start3A_314] : memref<4x!tpu.dma_semaphore, #tpu.memory_space<semaphore_mem>> -> memref<1x!tpu.dma_semaphore, #tpu.memory_space<semaphore_mem>>
        %dma_start3A_322 = tpu.memref_squeeze %dma_start3A_321 : memref<1x!tpu.dma_semaphore, #tpu.memory_space<semaphore_mem>> -> memref<!tpu.dma_semaphore, #tpu.memory_space<semaphore_mem>>
        %dma_start3A_323 = arith.constant 0 : i32
        %dma_start3A_324 = tpu.memref_slice %arg5[%dma_start3A_313, %dma_start3A_323] : memref<4x128xi32, #tpu.memory_space<vmem>> -> memref<1x128xi32, #tpu.memory_space<vmem>>
        %dma_start3A_325 = tpu.memref_squeeze %dma_start3A_324 : memref<1x128xi32, #tpu.memory_space<vmem>> -> memref<128xi32, #tpu.memory_space<vmem>>
        %dma_start3A_326 = arith.constant 0 : i32
        %dma_start3A_327 = tpu.memref_slice %arg3[%dma_start3A_312, %add3A, %add3A_311, %dma_start3A_326] : memref<2x32x80x128xi32, #tpu.memory_space<hbm>> -> memref<1x1x1x128xi32, #tpu.memory_space<hbm>>
        %dma_start3A_328 = tpu.memref_squeeze %dma_start3A_327 : memref<1x1x1x128xi32, #tpu.memory_space<hbm>> -> memref<128xi32, #tpu.memory_space<hbm>>
        tpu.enqueue_dma source(%dma_start3A_328 : memref<128xi32, #tpu.memory_space<hbm>>) target(%dma_start3A_325 : memref<128xi32, #tpu.memory_space<vmem>>) target_semaphore(%dma_start3A_322 : memref<!tpu.dma_semaphore, #tpu.memory_space<semaphore_mem>>)
      } else {
      }
      %run_scoped3A_269 = arith.constant 0 : i32
      "tpu.region"() ({
        %run_scoped3A_310 = tpu.sem_alloc : memref<!tpu.dma_semaphore, #tpu.memory_space<semaphore_mem>>
        %dma_start3A_311 = arith.constant 0 : i32
        %dma_start3A_312 = arith.constant 0 : i32
        %dma_start3A_313 = tpu.memref_slice %arg7[%run_scoped3A_269, %dma_start3A_311, %dma_start3A_312] : memref<2x128x128xf32, #tpu.memory_space<vmem>> -> memref<1x128x128xf32, #tpu.memory_space<vmem>>
        %dma_start3A_314 = tpu.memref_squeeze %dma_start3A_313 : memref<1x128x128xf32, #tpu.memory_space<vmem>> -> memref<128x128xf32, #tpu.memory_space<vmem>>
        %dma_start3A_315 = arith.constant 0 : i32
        %dma_start3A_316 = tpu.memref_slice %arg6[%add3A_246, %dma_start3A_315] : memref<80x128xi32, #tpu.memory_space<vmem>> -> memref<1x128xi32, #tpu.memory_space<vmem>>
        %dma_start3A_317 = tpu.memref_squeeze %dma_start3A_316 : memref<1x128xi32, #tpu.memory_space<vmem>> -> memref<128xi32, #tpu.memory_space<vmem>>
        %dma_start3A_318 = arith.constant 0 : i32
        %dma_start3A_319 = arith.constant 0 : i32
        %dma_start3A_320 = tpu.memref_slice %arg8[%dma_start3A_318, %dma_start3A_319] : memref<10240x128xf32, #tpu.memory_space<vmem_shared>> -> memref<10240x128xf32, #tpu.memory_space<vmem_shared>>
        tpu.enqueue_indirect_dma source(%dma_start3A_314 : memref<128x128xf32, #tpu.memory_space<vmem>>) target(%dma_start3A_320 : memref<10240x128xf32, #tpu.memory_space<vmem_shared>>) offsets(%dma_start3A_317 : memref<128xi32, #tpu.memory_space<vmem>>) semaphore(%run_scoped3A_310 : memref<!tpu.dma_semaphore, #tpu.memory_space<semaphore_mem>>) {add = true}
        %dma_wait3A_321 = arith.constant 0 : i32
        %dma_wait3A_322 = arith.constant 0 : i32
        %dma_wait3A_323 = tpu.memref_slice %arg7[%run_scoped3A_269, %dma_wait3A_321, %dma_wait3A_322] : memref<2x128x128xf32, #tpu.memory_space<vmem>> -> memref<1x128x128xf32, #tpu.memory_space<vmem>>
        %dma_wait3A_324 = tpu.memref_squeeze %dma_wait3A_323 : memref<1x128x128xf32, #tpu.memory_space<vmem>> -> memref<128x128xf32, #tpu.memory_space<vmem>>
        %dma_wait3A_325 = arith.constant 0 : i32
        %dma_wait3A_326 = tpu.memref_slice %arg6[%add3A_246, %dma_wait3A_325] : memref<80x128xi32, #tpu.memory_space<vmem>> -> memref<1x128xi32, #tpu.memory_space<vmem>>
        %dma_wait3A_327 = tpu.memref_squeeze %dma_wait3A_326 : memref<1x128xi32, #tpu.memory_space<vmem>> -> memref<128xi32, #tpu.memory_space<vmem>>
        %dma_wait3A_328 = arith.constant 0 : i32
        %dma_wait3A_329 = arith.constant 0 : i32
        %dma_wait3A_330 = tpu.memref_slice %arg8[%dma_wait3A_328, %dma_wait3A_329] : memref<10240x128xf32, #tpu.memory_space<vmem_shared>> -> memref<10240x128xf32, #tpu.memory_space<vmem_shared>>
        tpu.wait_indirect_dma semaphore(%run_scoped3A_310 : memref<!tpu.dma_semaphore, #tpu.memory_space<semaphore_mem>>) src(%dma_wait3A_324 : memref<128x128xf32, #tpu.memory_space<vmem>>) dst(%dma_wait3A_330 : memref<10240x128xf32, #tpu.memory_space<vmem_shared>>)
        tpu.yield
      }) : () -> ()
      %add3A_270 = arith.constant 2 : i32
      %add3A_271 = arith.addi %add3A_246, %add3A_270 : i32
      %lt3A_272 = arith.constant 80 : i32
      %lt3A_273 = arith.cmpi slt, %add3A_271, %lt3A_272 : i32
      %convert_element_type3A_274 = arith.extui %lt3A_273 : i1 to i32
      %cond3A_275 = arith.constant 0 : i32
      %cond3A_276 = arith.cmpi ne, %convert_element_type3A_274, %cond3A_275 : i32
      scf.if %cond3A_276 {
        %add3A_310 = arith.constant 2 : i32
        %add3A_311 = arith.addi %add3A_246, %add3A_310 : i32
        %dma_wait3A_312 = arith.constant 0 : i32
        %dma_wait3A_313 = arith.constant 0 : i32
        %dma_wait3A_314 = arith.constant 0 : i32
        %dma_wait3A_315 = arith.constant 0 : i32
        %dma_wait3A_316 = tpu.memref_slice %arg5[%dma_wait3A_313, %dma_wait3A_315] : memref<4x128xi32, #tpu.memory_space<vmem>> -> memref<1x128xi32, #tpu.memory_space<vmem>>
        %dma_wait3A_317 = tpu.memref_squeeze %dma_wait3A_316 : memref<1x128xi32, #tpu.memory_space<vmem>> -> memref<128xi32, #tpu.memory_space<vmem>>
        %dma_wait3A_318 = arith.constant 0 : i32
        %dma_wait3A_319 = tpu.memref_slice %arg3[%dma_wait3A_312, %add3A, %add3A_311, %dma_wait3A_318] : memref<2x32x80x128xi32, #tpu.memory_space<hbm>> -> memref<1x1x1x128xi32, #tpu.memory_space<hbm>>
        %dma_wait3A_320 = tpu.memref_squeeze %dma_wait3A_319 : memref<1x1x1x128xi32, #tpu.memory_space<hbm>> -> memref<128xi32, #tpu.memory_space<hbm>>
        %dma_wait3A_321 = tpu.memref_slice %arg9[%dma_wait3A_314] : memref<4x!tpu.dma_semaphore, #tpu.memory_space<semaphore_mem>> -> memref<1x!tpu.dma_semaphore, #tpu.memory_space<semaphore_mem>>
        %dma_wait3A_322 = tpu.memref_squeeze %dma_wait3A_321 : memref<1x!tpu.dma_semaphore, #tpu.memory_space<semaphore_mem>> -> memref<!tpu.dma_semaphore, #tpu.memory_space<semaphore_mem>>
        %dma_wait3A_323 = arith.constant 0 : i32
        %dma_wait3A_324 = tpu.memref_slice %arg5[%dma_wait3A_313, %dma_wait3A_323] : memref<4x128xi32, #tpu.memory_space<vmem>> -> memref<1x128xi32, #tpu.memory_space<vmem>>
        %dma_wait3A_325 = tpu.memref_squeeze %dma_wait3A_324 : memref<1x128xi32, #tpu.memory_space<vmem>> -> memref<128xi32, #tpu.memory_space<vmem>>
        %dma_wait3A_326 = arith.constant 0 : i32
        %dma_wait3A_327 = tpu.memref_slice %arg3[%dma_wait3A_312, %add3A, %add3A_311, %dma_wait3A_326] : memref<2x32x80x128xi32, #tpu.memory_space<hbm>> -> memref<1x1x1x128xi32, #tpu.memory_space<hbm>>
        %dma_wait3A_328 = tpu.memref_squeeze %dma_wait3A_327 : memref<1x1x1x128xi32, #tpu.memory_space<hbm>> -> memref<128xi32, #tpu.memory_space<hbm>>
        tpu.wait_dma2 semaphore(%dma_wait3A_322 : memref<!tpu.dma_semaphore, #tpu.memory_space<semaphore_mem>>) src(%dma_wait3A_328 : memref<128xi32, #tpu.memory_space<hbm>>) dst(%dma_wait3A_325 : memref<128xi32, #tpu.memory_space<vmem>>)
        %dma_start3A_329 = arith.constant 0 : i32
        %dma_start3A_330 = arith.constant 0 : i32
        %dma_start3A_331 = arith.constant 0 : i32
        %dma_start3A_332 = arith.constant 0 : i32
        %dma_start3A_333 = arith.constant 0 : i32
        %dma_start3A_334 = tpu.memref_slice %arg7[%dma_start3A_330, %dma_start3A_332, %dma_start3A_333] : memref<2x128x128xf32, #tpu.memory_space<vmem>> -> memref<1x128x128xf32, #tpu.memory_space<vmem>>
        %dma_start3A_335 = tpu.memref_squeeze %dma_start3A_334 : memref<1x128x128xf32, #tpu.memory_space<vmem>> -> memref<128x128xf32, #tpu.memory_space<vmem>>
        %dma_start3A_336 = arith.constant 0 : i32
        %dma_start3A_337 = tpu.memref_slice %arg5[%dma_start3A_329, %dma_start3A_336] : memref<4x128xi32, #tpu.memory_space<vmem>> -> memref<1x128xi32, #tpu.memory_space<vmem>>
        %dma_start3A_338 = tpu.memref_squeeze %dma_start3A_337 : memref<1x128xi32, #tpu.memory_space<vmem>> -> memref<128xi32, #tpu.memory_space<vmem>>
        %dma_start3A_339 = arith.constant 0 : i32
        %dma_start3A_340 = arith.constant 0 : i32
        %dma_start3A_341 = tpu.memref_slice %arg2[%dma_start3A_339, %dma_start3A_340] : memref<10240x128xf32, #tpu.memory_space<hbm>> -> memref<10240x128xf32, #tpu.memory_space<hbm>>
        %dma_start3A_342 = tpu.memref_slice %arg10[%dma_start3A_331] : memref<2x!tpu.dma_semaphore, #tpu.memory_space<semaphore_mem>> -> memref<1x!tpu.dma_semaphore, #tpu.memory_space<semaphore_mem>>
        %dma_start3A_343 = tpu.memref_squeeze %dma_start3A_342 : memref<1x!tpu.dma_semaphore, #tpu.memory_space<semaphore_mem>> -> memref<!tpu.dma_semaphore, #tpu.memory_space<semaphore_mem>>
        tpu.enqueue_indirect_dma source(%dma_start3A_341 : memref<10240x128xf32, #tpu.memory_space<hbm>>) target(%dma_start3A_335 : memref<128x128xf32, #tpu.memory_space<vmem>>) offsets(%dma_start3A_338 : memref<128xi32, #tpu.memory_space<vmem>>) semaphore(%dma_start3A_343 : memref<!tpu.dma_semaphore, #tpu.memory_space<semaphore_mem>>)
      } else {
      }
      %add3A_277 = arith.constant 3 : i32
      %add3A_278 = arith.addi %mul3A_183, %add3A_277 : i32
      %dma_wait3A_279 = arith.constant 3 : i32
      %dma_wait3A_280 = arith.constant 1 : i32
      %dma_wait3A_281 = arith.constant 1 : i32
      %dma_wait3A_282 = arith.constant 0 : i32
      %dma_wait3A_283 = arith.constant 0 : i32
      %dma_wait3A_284 = tpu.memref_slice %arg7[%dma_wait3A_280, %dma_wait3A_282, %dma_wait3A_283] : memref<2x128x128xf32, #tpu.memory_space<vmem>> -> memref<1x128x128xf32, #tpu.memory_space<vmem>>
      %dma_wait3A_285 = tpu.memref_squeeze %dma_wait3A_284 : memref<1x128x128xf32, #tpu.memory_space<vmem>> -> memref<128x128xf32, #tpu.memory_space<vmem>>
      %dma_wait3A_286 = arith.constant 0 : i32
      %dma_wait3A_287 = tpu.memref_slice %arg5[%dma_wait3A_279, %dma_wait3A_286] : memref<4x128xi32, #tpu.memory_space<vmem>> -> memref<1x128xi32, #tpu.memory_space<vmem>>
      %dma_wait3A_288 = tpu.memref_squeeze %dma_wait3A_287 : memref<1x128xi32, #tpu.memory_space<vmem>> -> memref<128xi32, #tpu.memory_space<vmem>>
      %dma_wait3A_289 = arith.constant 0 : i32
      %dma_wait3A_290 = arith.constant 0 : i32
      %dma_wait3A_291 = tpu.memref_slice %arg2[%dma_wait3A_289, %dma_wait3A_290] : memref<10240x128xf32, #tpu.memory_space<hbm>> -> memref<10240x128xf32, #tpu.memory_space<hbm>>
      %dma_wait3A_292 = tpu.memref_slice %arg10[%dma_wait3A_281] : memref<2x!tpu.dma_semaphore, #tpu.memory_space<semaphore_mem>> -> memref<1x!tpu.dma_semaphore, #tpu.memory_space<semaphore_mem>>
      %dma_wait3A_293 = tpu.memref_squeeze %dma_wait3A_292 : memref<1x!tpu.dma_semaphore, #tpu.memory_space<semaphore_mem>> -> memref<!tpu.dma_semaphore, #tpu.memory_space<semaphore_mem>>
      tpu.wait_indirect_dma semaphore(%dma_wait3A_293 : memref<!tpu.dma_semaphore, #tpu.memory_space<semaphore_mem>>) src(%dma_wait3A_291 : memref<10240x128xf32, #tpu.memory_space<hbm>>) dst(%dma_wait3A_285 : memref<128x128xf32, #tpu.memory_space<vmem>>)
      %add3A_294 = arith.constant 4 : i32
      %add3A_295 = arith.addi %add3A_278, %add3A_294 : i32
      %lt3A_296 = arith.constant 80 : i32
      %lt3A_297 = arith.cmpi slt, %add3A_295, %lt3A_296 : i32
      %convert_element_type3A_298 = arith.extui %lt3A_297 : i1 to i32
      %cond3A_299 = arith.constant 0 : i32
      %cond3A_300 = arith.cmpi ne, %convert_element_type3A_298, %cond3A_299 : i32
      scf.if %cond3A_300 {
        %add3A_310 = arith.constant 4 : i32
        %add3A_311 = arith.addi %add3A_278, %add3A_310 : i32
        %dma_start3A_312 = arith.constant 0 : i32
        %dma_start3A_313 = arith.constant 3 : i32
        %dma_start3A_314 = arith.constant 3 : i32
        %dma_start3A_315 = arith.constant 0 : i32
        %dma_start3A_316 = tpu.memref_slice %arg5[%dma_start3A_313, %dma_start3A_315] : memref<4x128xi32, #tpu.memory_space<vmem>> -> memref<1x128xi32, #tpu.memory_space<vmem>>
        %dma_start3A_317 = tpu.memref_squeeze %dma_start3A_316 : memref<1x128xi32, #tpu.memory_space<vmem>> -> memref<128xi32, #tpu.memory_space<vmem>>
        %dma_start3A_318 = arith.constant 0 : i32
        %dma_start3A_319 = tpu.memref_slice %arg3[%dma_start3A_312, %add3A, %add3A_311, %dma_start3A_318] : memref<2x32x80x128xi32, #tpu.memory_space<hbm>> -> memref<1x1x1x128xi32, #tpu.memory_space<hbm>>
        %dma_start3A_320 = tpu.memref_squeeze %dma_start3A_319 : memref<1x1x1x128xi32, #tpu.memory_space<hbm>> -> memref<128xi32, #tpu.memory_space<hbm>>
        %dma_start3A_321 = tpu.memref_slice %arg9[%dma_start3A_314] : memref<4x!tpu.dma_semaphore, #tpu.memory_space<semaphore_mem>> -> memref<1x!tpu.dma_semaphore, #tpu.memory_space<semaphore_mem>>
        %dma_start3A_322 = tpu.memref_squeeze %dma_start3A_321 : memref<1x!tpu.dma_semaphore, #tpu.memory_space<semaphore_mem>> -> memref<!tpu.dma_semaphore, #tpu.memory_space<semaphore_mem>>
        %dma_start3A_323 = arith.constant 0 : i32
        %dma_start3A_324 = tpu.memref_slice %arg5[%dma_start3A_313, %dma_start3A_323] : memref<4x128xi32, #tpu.memory_space<vmem>> -> memref<1x128xi32, #tpu.memory_space<vmem>>
        %dma_start3A_325 = tpu.memref_squeeze %dma_start3A_324 : memref<1x128xi32, #tpu.memory_space<vmem>> -> memref<128xi32, #tpu.memory_space<vmem>>
        %dma_start3A_326 = arith.constant 0 : i32
        %dma_start3A_327 = tpu.memref_slice %arg3[%dma_start3A_312, %add3A, %add3A_311, %dma_start3A_326] : memref<2x32x80x128xi32, #tpu.memory_space<hbm>> -> memref<1x1x1x128xi32, #tpu.memory_space<hbm>>
        %dma_start3A_328 = tpu.memref_squeeze %dma_start3A_327 : memref<1x1x1x128xi32, #tpu.memory_space<hbm>> -> memref<128xi32, #tpu.memory_space<hbm>>
        tpu.enqueue_dma source(%dma_start3A_328 : memref<128xi32, #tpu.memory_space<hbm>>) target(%dma_start3A_325 : memref<128xi32, #tpu.memory_space<vmem>>) target_semaphore(%dma_start3A_322 : memref<!tpu.dma_semaphore, #tpu.memory_space<semaphore_mem>>)
      } else {
      }
      %run_scoped3A_301 = arith.constant 1 : i32
      "tpu.region"() ({
        %run_scoped3A_310 = tpu.sem_alloc : memref<!tpu.dma_semaphore, #tpu.memory_space<semaphore_mem>>
        %dma_start3A_311 = arith.constant 0 : i32
        %dma_start3A_312 = arith.constant 0 : i32
        %dma_start3A_313 = tpu.memref_slice %arg7[%run_scoped3A_301, %dma_start3A_311, %dma_start3A_312] : memref<2x128x128xf32, #tpu.memory_space<vmem>> -> memref<1x128x128xf32, #tpu.memory_space<vmem>>
        %dma_start3A_314 = tpu.memref_squeeze %dma_start3A_313 : memref<1x128x128xf32, #tpu.memory_space<vmem>> -> memref<128x128xf32, #tpu.memory_space<vmem>>
        %dma_start3A_315 = arith.constant 0 : i32
        %dma_start3A_316 = tpu.memref_slice %arg6[%add3A_278, %dma_start3A_315] : memref<80x128xi32, #tpu.memory_space<vmem>> -> memref<1x128xi32, #tpu.memory_space<vmem>>
        %dma_start3A_317 = tpu.memref_squeeze %dma_start3A_316 : memref<1x128xi32, #tpu.memory_space<vmem>> -> memref<128xi32, #tpu.memory_space<vmem>>
        %dma_start3A_318 = arith.constant 0 : i32
        %dma_start3A_319 = arith.constant 0 : i32
        %dma_start3A_320 = tpu.memref_slice %arg8[%dma_start3A_318, %dma_start3A_319] : memref<10240x128xf32, #tpu.memory_space<vmem_shared>> -> memref<10240x128xf32, #tpu.memory_space<vmem_shared>>
        tpu.enqueue_indirect_dma source(%dma_start3A_314 : memref<128x128xf32, #tpu.memory_space<vmem>>) target(%dma_start3A_320 : memref<10240x128xf32, #tpu.memory_space<vmem_shared>>) offsets(%dma_start3A_317 : memref<128xi32, #tpu.memory_space<vmem>>) semaphore(%run_scoped3A_310 : memref<!tpu.dma_semaphore, #tpu.memory_space<semaphore_mem>>) {add = true}
        %dma_wait3A_321 = arith.constant 0 : i32
        %dma_wait3A_322 = arith.constant 0 : i32
        %dma_wait3A_323 = tpu.memref_slice %arg7[%run_scoped3A_301, %dma_wait3A_321, %dma_wait3A_322] : memref<2x128x128xf32, #tpu.memory_space<vmem>> -> memref<1x128x128xf32, #tpu.memory_space<vmem>>
        %dma_wait3A_324 = tpu.memref_squeeze %dma_wait3A_323 : memref<1x128x128xf32, #tpu.memory_space<vmem>> -> memref<128x128xf32, #tpu.memory_space<vmem>>
        %dma_wait3A_325 = arith.constant 0 : i32
        %dma_wait3A_326 = tpu.memref_slice %arg6[%add3A_278, %dma_wait3A_325] : memref<80x128xi32, #tpu.memory_space<vmem>> -> memref<1x128xi32, #tpu.memory_space<vmem>>
        %dma_wait3A_327 = tpu.memref_squeeze %dma_wait3A_326 : memref<1x128xi32, #tpu.memory_space<vmem>> -> memref<128xi32, #tpu.memory_space<vmem>>
        %dma_wait3A_328 = arith.constant 0 : i32
        %dma_wait3A_329 = arith.constant 0 : i32
        %dma_wait3A_330 = tpu.memref_slice %arg8[%dma_wait3A_328, %dma_wait3A_329] : memref<10240x128xf32, #tpu.memory_space<vmem_shared>> -> memref<10240x128xf32, #tpu.memory_space<vmem_shared>>
        tpu.wait_indirect_dma semaphore(%run_scoped3A_310 : memref<!tpu.dma_semaphore, #tpu.memory_space<semaphore_mem>>) src(%dma_wait3A_324 : memref<128x128xf32, #tpu.memory_space<vmem>>) dst(%dma_wait3A_330 : memref<10240x128xf32, #tpu.memory_space<vmem_shared>>)
        tpu.yield
      }) : () -> ()
      %add3A_302 = arith.constant 2 : i32
      %add3A_303 = arith.addi %add3A_278, %add3A_302 : i32
      %lt3A_304 = arith.constant 80 : i32
      %lt3A_305 = arith.cmpi slt, %add3A_303, %lt3A_304 : i32
      %convert_element_type3A_306 = arith.extui %lt3A_305 : i1 to i32
      %cond3A_307 = arith.constant 0 : i32
      %cond3A_308 = arith.cmpi ne, %convert_element_type3A_306, %cond3A_307 : i32
      scf.if %cond3A_308 {
        %add3A_310 = arith.constant 2 : i32
        %add3A_311 = arith.addi %add3A_278, %add3A_310 : i32
        %dma_wait3A_312 = arith.constant 0 : i32
        %dma_wait3A_313 = arith.constant 1 : i32
        %dma_wait3A_314 = arith.constant 1 : i32
        %dma_wait3A_315 = arith.constant 0 : i32
        %dma_wait3A_316 = tpu.memref_slice %arg5[%dma_wait3A_313, %dma_wait3A_315] : memref<4x128xi32, #tpu.memory_space<vmem>> -> memref<1x128xi32, #tpu.memory_space<vmem>>
        %dma_wait3A_317 = tpu.memref_squeeze %dma_wait3A_316 : memref<1x128xi32, #tpu.memory_space<vmem>> -> memref<128xi32, #tpu.memory_space<vmem>>
        %dma_wait3A_318 = arith.constant 0 : i32
        %dma_wait3A_319 = tpu.memref_slice %arg3[%dma_wait3A_312, %add3A, %add3A_311, %dma_wait3A_318] : memref<2x32x80x128xi32, #tpu.memory_space<hbm>> -> memref<1x1x1x128xi32, #tpu.memory_space<hbm>>
        %dma_wait3A_320 = tpu.memref_squeeze %dma_wait3A_319 : memref<1x1x1x128xi32, #tpu.memory_space<hbm>> -> memref<128xi32, #tpu.memory_space<hbm>>
        %dma_wait3A_321 = tpu.memref_slice %arg9[%dma_wait3A_314] : memref<4x!tpu.dma_semaphore, #tpu.memory_space<semaphore_mem>> -> memref<1x!tpu.dma_semaphore, #tpu.memory_space<semaphore_mem>>
        %dma_wait3A_322 = tpu.memref_squeeze %dma_wait3A_321 : memref<1x!tpu.dma_semaphore, #tpu.memory_space<semaphore_mem>> -> memref<!tpu.dma_semaphore, #tpu.memory_space<semaphore_mem>>
        %dma_wait3A_323 = arith.constant 0 : i32
        %dma_wait3A_324 = tpu.memref_slice %arg5[%dma_wait3A_313, %dma_wait3A_323] : memref<4x128xi32, #tpu.memory_space<vmem>> -> memref<1x128xi32, #tpu.memory_space<vmem>>
        %dma_wait3A_325 = tpu.memref_squeeze %dma_wait3A_324 : memref<1x128xi32, #tpu.memory_space<vmem>> -> memref<128xi32, #tpu.memory_space<vmem>>
        %dma_wait3A_326 = arith.constant 0 : i32
        %dma_wait3A_327 = tpu.memref_slice %arg3[%dma_wait3A_312, %add3A, %add3A_311, %dma_wait3A_326] : memref<2x32x80x128xi32, #tpu.memory_space<hbm>> -> memref<1x1x1x128xi32, #tpu.memory_space<hbm>>
        %dma_wait3A_328 = tpu.memref_squeeze %dma_wait3A_327 : memref<1x1x1x128xi32, #tpu.memory_space<hbm>> -> memref<128xi32, #tpu.memory_space<hbm>>
        tpu.wait_dma2 semaphore(%dma_wait3A_322 : memref<!tpu.dma_semaphore, #tpu.memory_space<semaphore_mem>>) src(%dma_wait3A_328 : memref<128xi32, #tpu.memory_space<hbm>>) dst(%dma_wait3A_325 : memref<128xi32, #tpu.memory_space<vmem>>)
        %dma_start3A_329 = arith.constant 1 : i32
        %dma_start3A_330 = arith.constant 1 : i32
        %dma_start3A_331 = arith.constant 1 : i32
        %dma_start3A_332 = arith.constant 0 : i32
        %dma_start3A_333 = arith.constant 0 : i32
        %dma_start3A_334 = tpu.memref_slice %arg7[%dma_start3A_330, %dma_start3A_332, %dma_start3A_333] : memref<2x128x128xf32, #tpu.memory_space<vmem>> -> memref<1x128x128xf32, #tpu.memory_space<vmem>>
        %dma_start3A_335 = tpu.memref_squeeze %dma_start3A_334 : memref<1x128x128xf32, #tpu.memory_space<vmem>> -> memref<128x128xf32, #tpu.memory_space<vmem>>
        %dma_start3A_336 = arith.constant 0 : i32
        %dma_start3A_337 = tpu.memref_slice %arg5[%dma_start3A_329, %dma_start3A_336] : memref<4x128xi32, #tpu.memory_space<vmem>> -> memref<1x128xi32, #tpu.memory_space<vmem>>
        %dma_start3A_338 = tpu.memref_squeeze %dma_start3A_337 : memref<1x128xi32, #tpu.memory_space<vmem>> -> memref<128xi32, #tpu.memory_space<vmem>>
        %dma_start3A_339 = arith.constant 0 : i32
        %dma_start3A_340 = arith.constant 0 : i32
        %dma_start3A_341 = tpu.memref_slice %arg2[%dma_start3A_339, %dma_start3A_340] : memref<10240x128xf32, #tpu.memory_space<hbm>> -> memref<10240x128xf32, #tpu.memory_space<hbm>>
        %dma_start3A_342 = tpu.memref_slice %arg10[%dma_start3A_331] : memref<2x!tpu.dma_semaphore, #tpu.memory_space<semaphore_mem>> -> memref<1x!tpu.dma_semaphore, #tpu.memory_space<semaphore_mem>>
        %dma_start3A_343 = tpu.memref_squeeze %dma_start3A_342 : memref<1x!tpu.dma_semaphore, #tpu.memory_space<semaphore_mem>> -> memref<!tpu.dma_semaphore, #tpu.memory_space<semaphore_mem>>
        tpu.enqueue_indirect_dma source(%dma_start3A_341 : memref<10240x128xf32, #tpu.memory_space<hbm>>) target(%dma_start3A_335 : memref<128x128xf32, #tpu.memory_space<vmem>>) offsets(%dma_start3A_338 : memref<128xi32, #tpu.memory_space<vmem>>) semaphore(%dma_start3A_343 : memref<!tpu.dma_semaphore, #tpu.memory_space<semaphore_mem>>)
      } else {
      }
      %scan3A_309 = arith.constant 0 : i32
      scf.yield %scan3A_309 : i32
    }
    %scan3A_174 = arith.constant 20 : i32
    %barrier3A_175 = arith.constant 0 : index
    tpu.barrier barrier_id(%barrier3A_175)
    %mul3A_176 = arith.constant 640 : i32
    %mul3A_177 = arith.muli %arg1, %mul3A_176 : i32
    %mul3A_178 = arith.constant 640 : i32
    %mul3A_179 = arith.muli %arg1, %mul3A_178 : i32
    "tpu.region"() ({
      %run_scoped3A_180 = tpu.sem_alloc : memref<!tpu.dma_semaphore, #tpu.memory_space<semaphore_mem>>
      %dma_start3A_181 = arith.constant 0 : i32
      %dma_start3A_182 = tpu.memref_slice %arg4[%arg0, %mul3A_179, %dma_start3A_181] : memref<2x10240x128xf32, #tpu.memory_space<hbm>> -> memref<1x640x128xf32, #tpu.memory_space<hbm>>
      %dma_start3A_183 = tpu.memref_squeeze %dma_start3A_182 : memref<1x640x128xf32, #tpu.memory_space<hbm>> -> memref<640x128xf32, #tpu.memory_space<hbm>>
      %dma_start3A_184 = arith.constant 0 : i32
      %dma_start3A_185 = tpu.memref_slice %arg8[%mul3A_177, %dma_start3A_184] : memref<10240x128xf32, #tpu.memory_space<vmem_shared>> -> memref<640x128xf32, #tpu.memory_space<vmem_shared>>
      tpu.enqueue_dma source(%dma_start3A_185 : memref<640x128xf32, #tpu.memory_space<vmem_shared>>) target(%dma_start3A_183 : memref<640x128xf32, #tpu.memory_space<hbm>>) target_semaphore(%run_scoped3A_180 : memref<!tpu.dma_semaphore, #tpu.memory_space<semaphore_mem>>)
      %dma_wait3A_186 = arith.constant 0 : i32
      %dma_wait3A_187 = tpu.memref_slice %arg4[%arg0, %mul3A_179, %dma_wait3A_186] : memref<2x10240x128xf32, #tpu.memory_space<hbm>> -> memref<1x640x128xf32, #tpu.memory_space<hbm>>
      %dma_wait3A_188 = tpu.memref_squeeze %dma_wait3A_187 : memref<1x640x128xf32, #tpu.memory_space<hbm>> -> memref<640x128xf32, #tpu.memory_space<hbm>>
      %dma_wait3A_189 = arith.constant 0 : i32
      %dma_wait3A_190 = tpu.memref_slice %arg8[%mul3A_177, %dma_wait3A_189] : memref<10240x128xf32, #tpu.memory_space<vmem_shared>> -> memref<640x128xf32, #tpu.memory_space<vmem_shared>>
      tpu.wait_dma2 semaphore(%run_scoped3A_180 : memref<!tpu.dma_semaphore, #tpu.memory_space<semaphore_mem>>) src(%dma_wait3A_190 : memref<640x128xf32, #tpu.memory_space<vmem_shared>>) dst(%dma_wait3A_188 : memref<640x128xf32, #tpu.memory_space<hbm>>)
      tpu.yield
    }) : () -> ()
    return
  }
}

#map = affine_map<(d0, d1) -> (0, 0, 0, 0)>
#map1 = affine_map<(d0, d1) -> (0, 0)>
module attributes {stable_mosaic.version = 14 : i64} {
  func.func @body(%arg0: i32, %arg1: i32, %arg2: memref<2x32x80x128xi32, #tpu.memory_space<hbm>>, %arg3: memref<2x10240xf32, #tpu.memory_space<hbm>>, %arg4: memref<80x128xi32, #tpu.memory_space<vmem>>, %arg5: memref<128xf32, #tpu.memory_space<vmem>>, %arg6: memref<640xf32, #tpu.memory_space<vmem>>, %arg7: memref<10240xf32, #tpu.memory_space<vmem_shared>>, %arg8: memref<!tpu.dma_semaphore, #tpu.memory_space<semaphore_mem>>) attributes {dimension_semantics = [#tpu.dimension_semantics<core_parallel>, #tpu.dimension_semantics<subcore_parallel>], iteration_bounds = array<i64: 2, 16>, scalar_prefetch = 0 : i64, scratch_operands = 5 : i64, tpu.core_type = #tpu.core_type<sc_vector_subcore>, window_params = [{transform_indices = #map}, {transform_indices = #map1}]} {
    %mul3A = arith.constant 2 : i32
    %mul3A_0 = arith.muli %arg1, %mul3A : i32
    %add3A = arith.addi %mul3A_0, %arg0 : i32
    %scan3A = arith.constant 0 : i32
    %scan3A_1 = arith.constant 0 : i32
    %scan3A_2 = arith.constant 40 : i32
    %scan3A_3 = arith.addi %scan3A_1, %scan3A_2 : i32
    %scan3A_4 = arith.constant 1 : i32
    %scan3A_5 = scf.for %scan3A_72 = %scan3A_1 to %scan3A_3 step %scan3A_4 iter_args(%scan3A_73 = %scan3A) -> (i32)  : i32 {
      %broadcast_in_dim3A_74 = arith.constant 0.000000e+00 : f32
      %broadcast_in_dim3A_75 = vector.broadcast %broadcast_in_dim3A_74 : f32 to vector<16xf32>
      %mul3A_76 = arith.constant 16 : i32
      %mul3A_77 = arith.muli %scan3A_72, %mul3A_76 : i32
      %swap3A_78 = arith.index_cast %mul3A_77 : i32 to index
      %swap3A_79 = tpu.vector_load %arg6[%swap3A_78] {strides = array<i32>} : memref<640xf32, #tpu.memory_space<vmem>>, vector<16xf32>,
      %swap3A_80 = vector.shape_cast %swap3A_79 : vector<16xf32> to vector<16xf32>
      %swap3A_81 = vector.shape_cast %broadcast_in_dim3A_75 : vector<16xf32> to vector<16xf32>
      tpu.vector_store %arg6[%swap3A_78], %swap3A_81 {strides = array<i32>} : memref<640xf32, #tpu.memory_space<vmem>>, vector<16xf32>,
      %scan3A_82 = arith.constant 0 : i32
      scf.yield %scan3A_82 : i32
    }
    %scan3A_6 = arith.constant 40 : i32
    %broadcast_in_dim3A = arith.constant 1.000000e+00 : f32
    %broadcast_in_dim3A_7 = vector.broadcast %broadcast_in_dim3A : f32 to vector<16xf32>
    %swap3A = arith.constant 0 : index
    %swap3A_8 = tpu.vector_load %arg5[%swap3A] {strides = array<i32>} : memref<128xf32, #tpu.memory_space<vmem>>, vector<16xf32>,
    %swap3A_9 = vector.shape_cast %swap3A_8 : vector<16xf32> to vector<16xf32>
    %swap3A_10 = vector.shape_cast %broadcast_in_dim3A_7 : vector<16xf32> to vector<16xf32>
    tpu.vector_store %arg5[%swap3A], %swap3A_10 {strides = array<i32>} : memref<128xf32, #tpu.memory_space<vmem>>, vector<16xf32>,
    %broadcast_in_dim3A_11 = arith.constant 1.000000e+00 : f32
    %broadcast_in_dim3A_12 = vector.broadcast %broadcast_in_dim3A_11 : f32 to vector<16xf32>
    %swap3A_13 = arith.constant 16 : index
    %swap3A_14 = tpu.vector_load %arg5[%swap3A_13] {strides = array<i32>} : memref<128xf32, #tpu.memory_space<vmem>>, vector<16xf32>,
    %swap3A_15 = vector.shape_cast %swap3A_14 : vector<16xf32> to vector<16xf32>
    %swap3A_16 = vector.shape_cast %broadcast_in_dim3A_12 : vector<16xf32> to vector<16xf32>
    tpu.vector_store %arg5[%swap3A_13], %swap3A_16 {strides = array<i32>} : memref<128xf32, #tpu.memory_space<vmem>>, vector<16xf32>,
    %broadcast_in_dim3A_17 = arith.constant 1.000000e+00 : f32
    %broadcast_in_dim3A_18 = vector.broadcast %broadcast_in_dim3A_17 : f32 to vector<16xf32>
    %swap3A_19 = arith.constant 32 : index
    %swap3A_20 = tpu.vector_load %arg5[%swap3A_19] {strides = array<i32>} : memref<128xf32, #tpu.memory_space<vmem>>, vector<16xf32>,
    %swap3A_21 = vector.shape_cast %swap3A_20 : vector<16xf32> to vector<16xf32>
    %swap3A_22 = vector.shape_cast %broadcast_in_dim3A_18 : vector<16xf32> to vector<16xf32>
    tpu.vector_store %arg5[%swap3A_19], %swap3A_22 {strides = array<i32>} : memref<128xf32, #tpu.memory_space<vmem>>, vector<16xf32>,
    %broadcast_in_dim3A_23 = arith.constant 1.000000e+00 : f32
    %broadcast_in_dim3A_24 = vector.broadcast %broadcast_in_dim3A_23 : f32 to vector<16xf32>
    %swap3A_25 = arith.constant 48 : index
    %swap3A_26 = tpu.vector_load %arg5[%swap3A_25] {strides = array<i32>} : memref<128xf32, #tpu.memory_space<vmem>>, vector<16xf32>,
    %swap3A_27 = vector.shape_cast %swap3A_26 : vector<16xf32> to vector<16xf32>
    %swap3A_28 = vector.shape_cast %broadcast_in_dim3A_24 : vector<16xf32> to vector<16xf32>
    tpu.vector_store %arg5[%swap3A_25], %swap3A_28 {strides = array<i32>} : memref<128xf32, #tpu.memory_space<vmem>>, vector<16xf32>,
    %broadcast_in_dim3A_29 = arith.constant 1.000000e+00 : f32
    %broadcast_in_dim3A_30 = vector.broadcast %broadcast_in_dim3A_29 : f32 to vector<16xf32>
    %swap3A_31 = arith.constant 64 : index
    %swap3A_32 = tpu.vector_load %arg5[%swap3A_31] {strides = array<i32>} : memref<128xf32, #tpu.memory_space<vmem>>, vector<16xf32>,
    %swap3A_33 = vector.shape_cast %swap3A_32 : vector<16xf32> to vector<16xf32>
    %swap3A_34 = vector.shape_cast %broadcast_in_dim3A_30 : vector<16xf32> to vector<16xf32>
    tpu.vector_store %arg5[%swap3A_31], %swap3A_34 {strides = array<i32>} : memref<128xf32, #tpu.memory_space<vmem>>, vector<16xf32>,
    %broadcast_in_dim3A_35 = arith.constant 1.000000e+00 : f32
    %broadcast_in_dim3A_36 = vector.broadcast %broadcast_in_dim3A_35 : f32 to vector<16xf32>
    %swap3A_37 = arith.constant 80 : index
    %swap3A_38 = tpu.vector_load %arg5[%swap3A_37] {strides = array<i32>} : memref<128xf32, #tpu.memory_space<vmem>>, vector<16xf32>,
    %swap3A_39 = vector.shape_cast %swap3A_38 : vector<16xf32> to vector<16xf32>
    %swap3A_40 = vector.shape_cast %broadcast_in_dim3A_36 : vector<16xf32> to vector<16xf32>
    tpu.vector_store %arg5[%swap3A_37], %swap3A_40 {strides = array<i32>} : memref<128xf32, #tpu.memory_space<vmem>>, vector<16xf32>,
    %broadcast_in_dim3A_41 = arith.constant 1.000000e+00 : f32
    %broadcast_in_dim3A_42 = vector.broadcast %broadcast_in_dim3A_41 : f32 to vector<16xf32>
    %swap3A_43 = arith.constant 96 : index
    %swap3A_44 = tpu.vector_load %arg5[%swap3A_43] {strides = array<i32>} : memref<128xf32, #tpu.memory_space<vmem>>, vector<16xf32>,
    %swap3A_45 = vector.shape_cast %swap3A_44 : vector<16xf32> to vector<16xf32>
    %swap3A_46 = vector.shape_cast %broadcast_in_dim3A_42 : vector<16xf32> to vector<16xf32>
    tpu.vector_store %arg5[%swap3A_43], %swap3A_46 {strides = array<i32>} : memref<128xf32, #tpu.memory_space<vmem>>, vector<16xf32>,
    %broadcast_in_dim3A_47 = arith.constant 1.000000e+00 : f32
    %broadcast_in_dim3A_48 = vector.broadcast %broadcast_in_dim3A_47 : f32 to vector<16xf32>
    %swap3A_49 = arith.constant 112 : index
    %swap3A_50 = tpu.vector_load %arg5[%swap3A_49] {strides = array<i32>} : memref<128xf32, #tpu.memory_space<vmem>>, vector<16xf32>,
    %swap3A_51 = vector.shape_cast %swap3A_50 : vector<16xf32> to vector<16xf32>
    %swap3A_52 = vector.shape_cast %broadcast_in_dim3A_48 : vector<16xf32> to vector<16xf32>
    tpu.vector_store %arg5[%swap3A_49], %swap3A_52 {strides = array<i32>} : memref<128xf32, #tpu.memory_space<vmem>>, vector<16xf32>,
    %mul3A_53 = arith.constant 640 : i32
    %mul3A_54 = arith.muli %arg1, %mul3A_53 : i32
    "tpu.region"() ({
      %run_scoped3A_72 = tpu.sem_alloc : memref<!tpu.dma_semaphore, #tpu.memory_space<semaphore_mem>>
      %dma_start3A = tpu.memref_slice %arg7[%mul3A_54] : memref<10240xf32, #tpu.memory_space<vmem_shared>> -> memref<640xf32, #tpu.memory_space<vmem_shared>>
      %dma_start3A_73 = tpu.memref_slice %arg7[%mul3A_54] : memref<10240xf32, #tpu.memory_space<vmem_shared>> -> memref<640xf32, #tpu.memory_space<vmem_shared>>
      tpu.enqueue_dma source(%arg6 : memref<640xf32, #tpu.memory_space<vmem>>) target(%dma_start3A_73 : memref<640xf32, #tpu.memory_space<vmem_shared>>) target_semaphore(%run_scoped3A_72 : memref<!tpu.dma_semaphore, #tpu.memory_space<semaphore_mem>>)
      %dma_wait3A = tpu.memref_slice %arg7[%mul3A_54] : memref<10240xf32, #tpu.memory_space<vmem_shared>> -> memref<640xf32, #tpu.memory_space<vmem_shared>>
      %dma_wait3A_74 = tpu.memref_slice %arg7[%mul3A_54] : memref<10240xf32, #tpu.memory_space<vmem_shared>> -> memref<640xf32, #tpu.memory_space<vmem_shared>>
      tpu.wait_dma2 semaphore(%run_scoped3A_72 : memref<!tpu.dma_semaphore, #tpu.memory_space<semaphore_mem>>) src(%arg6 : memref<640xf32, #tpu.memory_space<vmem>>) dst(%dma_wait3A_74 : memref<640xf32, #tpu.memory_space<vmem_shared>>)
      tpu.yield
    }) : () -> ()
    %run_scoped3A = arith.constant 1 : i32
    "tpu.region"() ({
      %run_scoped3A_72 = tpu.sem_alloc : memref<!tpu.dma_semaphore, #tpu.memory_space<semaphore_mem>>
      %dma_start3A = arith.constant 0 : i32
      %dma_start3A_73 = arith.constant 0 : i32
      %dma_start3A_74 = tpu.memref_slice %arg2[%run_scoped3A, %add3A, %dma_start3A, %dma_start3A_73] : memref<2x32x80x128xi32, #tpu.memory_space<hbm>> -> memref<1x1x80x128xi32, #tpu.memory_space<hbm>>
      %dma_start3A_75 = tpu.memref_squeeze %dma_start3A_74 : memref<1x1x80x128xi32, #tpu.memory_space<hbm>> -> memref<80x128xi32, #tpu.memory_space<hbm>>
      %dma_start3A_76 = arith.constant 0 : i32
      %dma_start3A_77 = arith.constant 0 : i32
      %dma_start3A_78 = tpu.memref_slice %arg2[%run_scoped3A, %add3A, %dma_start3A_76, %dma_start3A_77] : memref<2x32x80x128xi32, #tpu.memory_space<hbm>> -> memref<1x1x80x128xi32, #tpu.memory_space<hbm>>
      %dma_start3A_79 = tpu.memref_squeeze %dma_start3A_78 : memref<1x1x80x128xi32, #tpu.memory_space<hbm>> -> memref<80x128xi32, #tpu.memory_space<hbm>>
      tpu.enqueue_dma source(%dma_start3A_79 : memref<80x128xi32, #tpu.memory_space<hbm>>) target(%arg4 : memref<80x128xi32, #tpu.memory_space<vmem>>) target_semaphore(%run_scoped3A_72 : memref<!tpu.dma_semaphore, #tpu.memory_space<semaphore_mem>>)
      %dma_wait3A = arith.constant 0 : i32
      %dma_wait3A_80 = arith.constant 0 : i32
      %dma_wait3A_81 = tpu.memref_slice %arg2[%run_scoped3A, %add3A, %dma_wait3A, %dma_wait3A_80] : memref<2x32x80x128xi32, #tpu.memory_space<hbm>> -> memref<1x1x80x128xi32, #tpu.memory_space<hbm>>
      %dma_wait3A_82 = tpu.memref_squeeze %dma_wait3A_81 : memref<1x1x80x128xi32, #tpu.memory_space<hbm>> -> memref<80x128xi32, #tpu.memory_space<hbm>>
      %dma_wait3A_83 = arith.constant 0 : i32
      %dma_wait3A_84 = arith.constant 0 : i32
      %dma_wait3A_85 = tpu.memref_slice %arg2[%run_scoped3A, %add3A, %dma_wait3A_83, %dma_wait3A_84] : memref<2x32x80x128xi32, #tpu.memory_space<hbm>> -> memref<1x1x80x128xi32, #tpu.memory_space<hbm>>
      %dma_wait3A_86 = tpu.memref_squeeze %dma_wait3A_85 : memref<1x1x80x128xi32, #tpu.memory_space<hbm>> -> memref<80x128xi32, #tpu.memory_space<hbm>>
      tpu.wait_dma2 semaphore(%run_scoped3A_72 : memref<!tpu.dma_semaphore, #tpu.memory_space<semaphore_mem>>) src(%dma_wait3A_86 : memref<80x128xi32, #tpu.memory_space<hbm>>) dst(%arg4 : memref<80x128xi32, #tpu.memory_space<vmem>>)
      tpu.yield
    }) : () -> ()
    %barrier3A = arith.constant 0 : index
    tpu.barrier barrier_id(%barrier3A)
    %scan3A_55 = arith.constant 0 : i32
    %scan3A_56 = arith.constant 0 : i32
    %scan3A_57 = arith.constant 5 : i32
    %scan3A_58 = arith.addi %scan3A_56, %scan3A_57 : i32
    %scan3A_59 = arith.constant 1 : i32
    %scan3A_60 = scf.for %scan3A_72 = %scan3A_56 to %scan3A_58 step %scan3A_59 iter_args(%scan3A_73 = %scan3A_55) -> (i32)  : i32 {
      %mul3A_74 = arith.constant 16 : i32
      %mul3A_75 = arith.muli %mul3A_74, %scan3A_72 : i32
      %add3A_76 = arith.constant 0 : i32
      %add3A_77 = arith.addi %mul3A_75, %add3A_76 : i32
      %dma_start3A = arith.constant 0 : i32
      %dma_start3A_78 = tpu.memref_slice %arg4[%add3A_77, %dma_start3A] : memref<80x128xi32, #tpu.memory_space<vmem>> -> memref<1x128xi32, #tpu.memory_space<vmem>>
      %dma_start3A_79 = tpu.memref_squeeze %dma_start3A_78 : memref<1x128xi32, #tpu.memory_space<vmem>> -> memref<128xi32, #tpu.memory_space<vmem>>
      %dma_start3A_80 = arith.constant 0 : i32
      %dma_start3A_81 = tpu.memref_slice %arg7[%dma_start3A_80] : memref<10240xf32, #tpu.memory_space<vmem_shared>> -> memref<10240xf32, #tpu.memory_space<vmem_shared>>
      tpu.enqueue_indirect_dma source(%arg5 : memref<128xf32, #tpu.memory_space<vmem>>) target(%dma_start3A_81 : memref<10240xf32, #tpu.memory_space<vmem_shared>>) offsets(%dma_start3A_79 : memref<128xi32, #tpu.memory_space<vmem>>) semaphore(%arg8 : memref<!tpu.dma_semaphore, #tpu.memory_space<semaphore_mem>>) {add = true}
      %add3A_82 = arith.constant 1 : i32
      %add3A_83 = arith.addi %mul3A_75, %add3A_82 : i32
      %dma_start3A_84 = arith.constant 0 : i32
      %dma_start3A_85 = tpu.memref_slice %arg4[%add3A_83, %dma_start3A_84] : memref<80x128xi32, #tpu.memory_space<vmem>> -> memref<1x128xi32, #tpu.memory_space<vmem>>
      %dma_start3A_86 = tpu.memref_squeeze %dma_start3A_85 : memref<1x128xi32, #tpu.memory_space<vmem>> -> memref<128xi32, #tpu.memory_space<vmem>>
      %dma_start3A_87 = arith.constant 0 : i32
      %dma_start3A_88 = tpu.memref_slice %arg7[%dma_start3A_87] : memref<10240xf32, #tpu.memory_space<vmem_shared>> -> memref<10240xf32, #tpu.memory_space<vmem_shared>>
      tpu.enqueue_indirect_dma source(%arg5 : memref<128xf32, #tpu.memory_space<vmem>>) target(%dma_start3A_88 : memref<10240xf32, #tpu.memory_space<vmem_shared>>) offsets(%dma_start3A_86 : memref<128xi32, #tpu.memory_space<vmem>>) semaphore(%arg8 : memref<!tpu.dma_semaphore, #tpu.memory_space<semaphore_mem>>) {add = true}
      %add3A_89 = arith.constant 2 : i32
      %add3A_90 = arith.addi %mul3A_75, %add3A_89 : i32
      %dma_start3A_91 = arith.constant 0 : i32
      %dma_start3A_92 = tpu.memref_slice %arg4[%add3A_90, %dma_start3A_91] : memref<80x128xi32, #tpu.memory_space<vmem>> -> memref<1x128xi32, #tpu.memory_space<vmem>>
      %dma_start3A_93 = tpu.memref_squeeze %dma_start3A_92 : memref<1x128xi32, #tpu.memory_space<vmem>> -> memref<128xi32, #tpu.memory_space<vmem>>
      %dma_start3A_94 = arith.constant 0 : i32
      %dma_start3A_95 = tpu.memref_slice %arg7[%dma_start3A_94] : memref<10240xf32, #tpu.memory_space<vmem_shared>> -> memref<10240xf32, #tpu.memory_space<vmem_shared>>
      tpu.enqueue_indirect_dma source(%arg5 : memref<128xf32, #tpu.memory_space<vmem>>) target(%dma_start3A_95 : memref<10240xf32, #tpu.memory_space<vmem_shared>>) offsets(%dma_start3A_93 : memref<128xi32, #tpu.memory_space<vmem>>) semaphore(%arg8 : memref<!tpu.dma_semaphore, #tpu.memory_space<semaphore_mem>>) {add = true}
      %add3A_96 = arith.constant 3 : i32
      %add3A_97 = arith.addi %mul3A_75, %add3A_96 : i32
      %dma_start3A_98 = arith.constant 0 : i32
      %dma_start3A_99 = tpu.memref_slice %arg4[%add3A_97, %dma_start3A_98] : memref<80x128xi32, #tpu.memory_space<vmem>> -> memref<1x128xi32, #tpu.memory_space<vmem>>
      %dma_start3A_100 = tpu.memref_squeeze %dma_start3A_99 : memref<1x128xi32, #tpu.memory_space<vmem>> -> memref<128xi32, #tpu.memory_space<vmem>>
      %dma_start3A_101 = arith.constant 0 : i32
      %dma_start3A_102 = tpu.memref_slice %arg7[%dma_start3A_101] : memref<10240xf32, #tpu.memory_space<vmem_shared>> -> memref<10240xf32, #tpu.memory_space<vmem_shared>>
      tpu.enqueue_indirect_dma source(%arg5 : memref<128xf32, #tpu.memory_space<vmem>>) target(%dma_start3A_102 : memref<10240xf32, #tpu.memory_space<vmem_shared>>) offsets(%dma_start3A_100 : memref<128xi32, #tpu.memory_space<vmem>>) semaphore(%arg8 : memref<!tpu.dma_semaphore, #tpu.memory_space<semaphore_mem>>) {add = true}
      %add3A_103 = arith.constant 4 : i32
      %add3A_104 = arith.addi %mul3A_75, %add3A_103 : i32
      %dma_start3A_105 = arith.constant 0 : i32
      %dma_start3A_106 = tpu.memref_slice %arg4[%add3A_104, %dma_start3A_105] : memref<80x128xi32, #tpu.memory_space<vmem>> -> memref<1x128xi32, #tpu.memory_space<vmem>>
      %dma_start3A_107 = tpu.memref_squeeze %dma_start3A_106 : memref<1x128xi32, #tpu.memory_space<vmem>> -> memref<128xi32, #tpu.memory_space<vmem>>
      %dma_start3A_108 = arith.constant 0 : i32
      %dma_start3A_109 = tpu.memref_slice %arg7[%dma_start3A_108] : memref<10240xf32, #tpu.memory_space<vmem_shared>> -> memref<10240xf32, #tpu.memory_space<vmem_shared>>
      tpu.enqueue_indirect_dma source(%arg5 : memref<128xf32, #tpu.memory_space<vmem>>) target(%dma_start3A_109 : memref<10240xf32, #tpu.memory_space<vmem_shared>>) offsets(%dma_start3A_107 : memref<128xi32, #tpu.memory_space<vmem>>) semaphore(%arg8 : memref<!tpu.dma_semaphore, #tpu.memory_space<semaphore_mem>>) {add = true}
      %add3A_110 = arith.constant 5 : i32
      %add3A_111 = arith.addi %mul3A_75, %add3A_110 : i32
      %dma_start3A_112 = arith.constant 0 : i32
      %dma_start3A_113 = tpu.memref_slice %arg4[%add3A_111, %dma_start3A_112] : memref<80x128xi32, #tpu.memory_space<vmem>> -> memref<1x128xi32, #tpu.memory_space<vmem>>
      %dma_start3A_114 = tpu.memref_squeeze %dma_start3A_113 : memref<1x128xi32, #tpu.memory_space<vmem>> -> memref<128xi32, #tpu.memory_space<vmem>>
      %dma_start3A_115 = arith.constant 0 : i32
      %dma_start3A_116 = tpu.memref_slice %arg7[%dma_start3A_115] : memref<10240xf32, #tpu.memory_space<vmem_shared>> -> memref<10240xf32, #tpu.memory_space<vmem_shared>>
      tpu.enqueue_indirect_dma source(%arg5 : memref<128xf32, #tpu.memory_space<vmem>>) target(%dma_start3A_116 : memref<10240xf32, #tpu.memory_space<vmem_shared>>) offsets(%dma_start3A_114 : memref<128xi32, #tpu.memory_space<vmem>>) semaphore(%arg8 : memref<!tpu.dma_semaphore, #tpu.memory_space<semaphore_mem>>) {add = true}
      %add3A_117 = arith.constant 6 : i32
      %add3A_118 = arith.addi %mul3A_75, %add3A_117 : i32
      %dma_start3A_119 = arith.constant 0 : i32
      %dma_start3A_120 = tpu.memref_slice %arg4[%add3A_118, %dma_start3A_119] : memref<80x128xi32, #tpu.memory_space<vmem>> -> memref<1x128xi32, #tpu.memory_space<vmem>>
      %dma_start3A_121 = tpu.memref_squeeze %dma_start3A_120 : memref<1x128xi32, #tpu.memory_space<vmem>> -> memref<128xi32, #tpu.memory_space<vmem>>
      %dma_start3A_122 = arith.constant 0 : i32
      %dma_start3A_123 = tpu.memref_slice %arg7[%dma_start3A_122] : memref<10240xf32, #tpu.memory_space<vmem_shared>> -> memref<10240xf32, #tpu.memory_space<vmem_shared>>
      tpu.enqueue_indirect_dma source(%arg5 : memref<128xf32, #tpu.memory_space<vmem>>) target(%dma_start3A_123 : memref<10240xf32, #tpu.memory_space<vmem_shared>>) offsets(%dma_start3A_121 : memref<128xi32, #tpu.memory_space<vmem>>) semaphore(%arg8 : memref<!tpu.dma_semaphore, #tpu.memory_space<semaphore_mem>>) {add = true}
      %add3A_124 = arith.constant 7 : i32
      %add3A_125 = arith.addi %mul3A_75, %add3A_124 : i32
      %dma_start3A_126 = arith.constant 0 : i32
      %dma_start3A_127 = tpu.memref_slice %arg4[%add3A_125, %dma_start3A_126] : memref<80x128xi32, #tpu.memory_space<vmem>> -> memref<1x128xi32, #tpu.memory_space<vmem>>
      %dma_start3A_128 = tpu.memref_squeeze %dma_start3A_127 : memref<1x128xi32, #tpu.memory_space<vmem>> -> memref<128xi32, #tpu.memory_space<vmem>>
      %dma_start3A_129 = arith.constant 0 : i32
      %dma_start3A_130 = tpu.memref_slice %arg7[%dma_start3A_129] : memref<10240xf32, #tpu.memory_space<vmem_shared>> -> memref<10240xf32, #tpu.memory_space<vmem_shared>>
      tpu.enqueue_indirect_dma source(%arg5 : memref<128xf32, #tpu.memory_space<vmem>>) target(%dma_start3A_130 : memref<10240xf32, #tpu.memory_space<vmem_shared>>) offsets(%dma_start3A_128 : memref<128xi32, #tpu.memory_space<vmem>>) semaphore(%arg8 : memref<!tpu.dma_semaphore, #tpu.memory_space<semaphore_mem>>) {add = true}
      %add3A_131 = arith.constant 8 : i32
      %add3A_132 = arith.addi %mul3A_75, %add3A_131 : i32
      %dma_start3A_133 = arith.constant 0 : i32
      %dma_start3A_134 = tpu.memref_slice %arg4[%add3A_132, %dma_start3A_133] : memref<80x128xi32, #tpu.memory_space<vmem>> -> memref<1x128xi32, #tpu.memory_space<vmem>>
      %dma_start3A_135 = tpu.memref_squeeze %dma_start3A_134 : memref<1x128xi32, #tpu.memory_space<vmem>> -> memref<128xi32, #tpu.memory_space<vmem>>
      %dma_start3A_136 = arith.constant 0 : i32
      %dma_start3A_137 = tpu.memref_slice %arg7[%dma_start3A_136] : memref<10240xf32, #tpu.memory_space<vmem_shared>> -> memref<10240xf32, #tpu.memory_space<vmem_shared>>
      tpu.enqueue_indirect_dma source(%arg5 : memref<128xf32, #tpu.memory_space<vmem>>) target(%dma_start3A_137 : memref<10240xf32, #tpu.memory_space<vmem_shared>>) offsets(%dma_start3A_135 : memref<128xi32, #tpu.memory_space<vmem>>) semaphore(%arg8 : memref<!tpu.dma_semaphore, #tpu.memory_space<semaphore_mem>>) {add = true}
      %add3A_138 = arith.constant 9 : i32
      %add3A_139 = arith.addi %mul3A_75, %add3A_138 : i32
      %dma_start3A_140 = arith.constant 0 : i32
      %dma_start3A_141 = tpu.memref_slice %arg4[%add3A_139, %dma_start3A_140] : memref<80x128xi32, #tpu.memory_space<vmem>> -> memref<1x128xi32, #tpu.memory_space<vmem>>
      %dma_start3A_142 = tpu.memref_squeeze %dma_start3A_141 : memref<1x128xi32, #tpu.memory_space<vmem>> -> memref<128xi32, #tpu.memory_space<vmem>>
      %dma_start3A_143 = arith.constant 0 : i32
      %dma_start3A_144 = tpu.memref_slice %arg7[%dma_start3A_143] : memref<10240xf32, #tpu.memory_space<vmem_shared>> -> memref<10240xf32, #tpu.memory_space<vmem_shared>>
      tpu.enqueue_indirect_dma source(%arg5 : memref<128xf32, #tpu.memory_space<vmem>>) target(%dma_start3A_144 : memref<10240xf32, #tpu.memory_space<vmem_shared>>) offsets(%dma_start3A_142 : memref<128xi32, #tpu.memory_space<vmem>>) semaphore(%arg8 : memref<!tpu.dma_semaphore, #tpu.memory_space<semaphore_mem>>) {add = true}
      %add3A_145 = arith.constant 10 : i32
      %add3A_146 = arith.addi %mul3A_75, %add3A_145 : i32
      %dma_start3A_147 = arith.constant 0 : i32
      %dma_start3A_148 = tpu.memref_slice %arg4[%add3A_146, %dma_start3A_147] : memref<80x128xi32, #tpu.memory_space<vmem>> -> memref<1x128xi32, #tpu.memory_space<vmem>>
      %dma_start3A_149 = tpu.memref_squeeze %dma_start3A_148 : memref<1x128xi32, #tpu.memory_space<vmem>> -> memref<128xi32, #tpu.memory_space<vmem>>
      %dma_start3A_150 = arith.constant 0 : i32
      %dma_start3A_151 = tpu.memref_slice %arg7[%dma_start3A_150] : memref<10240xf32, #tpu.memory_space<vmem_shared>> -> memref<10240xf32, #tpu.memory_space<vmem_shared>>
      tpu.enqueue_indirect_dma source(%arg5 : memref<128xf32, #tpu.memory_space<vmem>>) target(%dma_start3A_151 : memref<10240xf32, #tpu.memory_space<vmem_shared>>) offsets(%dma_start3A_149 : memref<128xi32, #tpu.memory_space<vmem>>) semaphore(%arg8 : memref<!tpu.dma_semaphore, #tpu.memory_space<semaphore_mem>>) {add = true}
      %add3A_152 = arith.constant 11 : i32
      %add3A_153 = arith.addi %mul3A_75, %add3A_152 : i32
      %dma_start3A_154 = arith.constant 0 : i32
      %dma_start3A_155 = tpu.memref_slice %arg4[%add3A_153, %dma_start3A_154] : memref<80x128xi32, #tpu.memory_space<vmem>> -> memref<1x128xi32, #tpu.memory_space<vmem>>
      %dma_start3A_156 = tpu.memref_squeeze %dma_start3A_155 : memref<1x128xi32, #tpu.memory_space<vmem>> -> memref<128xi32, #tpu.memory_space<vmem>>
      %dma_start3A_157 = arith.constant 0 : i32
      %dma_start3A_158 = tpu.memref_slice %arg7[%dma_start3A_157] : memref<10240xf32, #tpu.memory_space<vmem_shared>> -> memref<10240xf32, #tpu.memory_space<vmem_shared>>
      tpu.enqueue_indirect_dma source(%arg5 : memref<128xf32, #tpu.memory_space<vmem>>) target(%dma_start3A_158 : memref<10240xf32, #tpu.memory_space<vmem_shared>>) offsets(%dma_start3A_156 : memref<128xi32, #tpu.memory_space<vmem>>) semaphore(%arg8 : memref<!tpu.dma_semaphore, #tpu.memory_space<semaphore_mem>>) {add = true}
      %add3A_159 = arith.constant 12 : i32
      %add3A_160 = arith.addi %mul3A_75, %add3A_159 : i32
      %dma_start3A_161 = arith.constant 0 : i32
      %dma_start3A_162 = tpu.memref_slice %arg4[%add3A_160, %dma_start3A_161] : memref<80x128xi32, #tpu.memory_space<vmem>> -> memref<1x128xi32, #tpu.memory_space<vmem>>
      %dma_start3A_163 = tpu.memref_squeeze %dma_start3A_162 : memref<1x128xi32, #tpu.memory_space<vmem>> -> memref<128xi32, #tpu.memory_space<vmem>>
      %dma_start3A_164 = arith.constant 0 : i32
      %dma_start3A_165 = tpu.memref_slice %arg7[%dma_start3A_164] : memref<10240xf32, #tpu.memory_space<vmem_shared>> -> memref<10240xf32, #tpu.memory_space<vmem_shared>>
      tpu.enqueue_indirect_dma source(%arg5 : memref<128xf32, #tpu.memory_space<vmem>>) target(%dma_start3A_165 : memref<10240xf32, #tpu.memory_space<vmem_shared>>) offsets(%dma_start3A_163 : memref<128xi32, #tpu.memory_space<vmem>>) semaphore(%arg8 : memref<!tpu.dma_semaphore, #tpu.memory_space<semaphore_mem>>) {add = true}
      %add3A_166 = arith.constant 13 : i32
      %add3A_167 = arith.addi %mul3A_75, %add3A_166 : i32
      %dma_start3A_168 = arith.constant 0 : i32
      %dma_start3A_169 = tpu.memref_slice %arg4[%add3A_167, %dma_start3A_168] : memref<80x128xi32, #tpu.memory_space<vmem>> -> memref<1x128xi32, #tpu.memory_space<vmem>>
      %dma_start3A_170 = tpu.memref_squeeze %dma_start3A_169 : memref<1x128xi32, #tpu.memory_space<vmem>> -> memref<128xi32, #tpu.memory_space<vmem>>
      %dma_start3A_171 = arith.constant 0 : i32
      %dma_start3A_172 = tpu.memref_slice %arg7[%dma_start3A_171] : memref<10240xf32, #tpu.memory_space<vmem_shared>> -> memref<10240xf32, #tpu.memory_space<vmem_shared>>
      tpu.enqueue_indirect_dma source(%arg5 : memref<128xf32, #tpu.memory_space<vmem>>) target(%dma_start3A_172 : memref<10240xf32, #tpu.memory_space<vmem_shared>>) offsets(%dma_start3A_170 : memref<128xi32, #tpu.memory_space<vmem>>) semaphore(%arg8 : memref<!tpu.dma_semaphore, #tpu.memory_space<semaphore_mem>>) {add = true}
      %add3A_173 = arith.constant 14 : i32
      %add3A_174 = arith.addi %mul3A_75, %add3A_173 : i32
      %dma_start3A_175 = arith.constant 0 : i32
      %dma_start3A_176 = tpu.memref_slice %arg4[%add3A_174, %dma_start3A_175] : memref<80x128xi32, #tpu.memory_space<vmem>> -> memref<1x128xi32, #tpu.memory_space<vmem>>
      %dma_start3A_177 = tpu.memref_squeeze %dma_start3A_176 : memref<1x128xi32, #tpu.memory_space<vmem>> -> memref<128xi32, #tpu.memory_space<vmem>>
      %dma_start3A_178 = arith.constant 0 : i32
      %dma_start3A_179 = tpu.memref_slice %arg7[%dma_start3A_178] : memref<10240xf32, #tpu.memory_space<vmem_shared>> -> memref<10240xf32, #tpu.memory_space<vmem_shared>>
      tpu.enqueue_indirect_dma source(%arg5 : memref<128xf32, #tpu.memory_space<vmem>>) target(%dma_start3A_179 : memref<10240xf32, #tpu.memory_space<vmem_shared>>) offsets(%dma_start3A_177 : memref<128xi32, #tpu.memory_space<vmem>>) semaphore(%arg8 : memref<!tpu.dma_semaphore, #tpu.memory_space<semaphore_mem>>) {add = true}
      %add3A_180 = arith.constant 15 : i32
      %add3A_181 = arith.addi %mul3A_75, %add3A_180 : i32
      %dma_start3A_182 = arith.constant 0 : i32
      %dma_start3A_183 = tpu.memref_slice %arg4[%add3A_181, %dma_start3A_182] : memref<80x128xi32, #tpu.memory_space<vmem>> -> memref<1x128xi32, #tpu.memory_space<vmem>>
      %dma_start3A_184 = tpu.memref_squeeze %dma_start3A_183 : memref<1x128xi32, #tpu.memory_space<vmem>> -> memref<128xi32, #tpu.memory_space<vmem>>
      %dma_start3A_185 = arith.constant 0 : i32
      %dma_start3A_186 = tpu.memref_slice %arg7[%dma_start3A_185] : memref<10240xf32, #tpu.memory_space<vmem_shared>> -> memref<10240xf32, #tpu.memory_space<vmem_shared>>
      tpu.enqueue_indirect_dma source(%arg5 : memref<128xf32, #tpu.memory_space<vmem>>) target(%dma_start3A_186 : memref<10240xf32, #tpu.memory_space<vmem_shared>>) offsets(%dma_start3A_184 : memref<128xi32, #tpu.memory_space<vmem>>) semaphore(%arg8 : memref<!tpu.dma_semaphore, #tpu.memory_space<semaphore_mem>>) {add = true}
      %dma_wait3A = arith.constant 0 : i32
      %dma_wait3A_187 = tpu.memref_slice %arg4[%mul3A_75, %dma_wait3A] : memref<80x128xi32, #tpu.memory_space<vmem>> -> memref<1x128xi32, #tpu.memory_space<vmem>>
      %dma_wait3A_188 = tpu.memref_squeeze %dma_wait3A_187 : memref<1x128xi32, #tpu.memory_space<vmem>> -> memref<128xi32, #tpu.memory_space<vmem>>
      %dma_wait3A_189 = arith.constant 0 : i32
      %dma_wait3A_190 = tpu.memref_slice %arg7[%dma_wait3A_189] : memref<10240xf32, #tpu.memory_space<vmem_shared>> -> memref<10240xf32, #tpu.memory_space<vmem_shared>>
      tpu.wait_indirect_dma semaphore(%arg8 : memref<!tpu.dma_semaphore, #tpu.memory_space<semaphore_mem>>) src(%arg5 : memref<128xf32, #tpu.memory_space<vmem>>) dst(%dma_wait3A_190 : memref<10240xf32, #tpu.memory_space<vmem_shared>>)
      %dma_wait3A_191 = arith.constant 0 : i32
      %dma_wait3A_192 = tpu.memref_slice %arg4[%mul3A_75, %dma_wait3A_191] : memref<80x128xi32, #tpu.memory_space<vmem>> -> memref<1x128xi32, #tpu.memory_space<vmem>>
      %dma_wait3A_193 = tpu.memref_squeeze %dma_wait3A_192 : memref<1x128xi32, #tpu.memory_space<vmem>> -> memref<128xi32, #tpu.memory_space<vmem>>
      %dma_wait3A_194 = arith.constant 0 : i32
      %dma_wait3A_195 = tpu.memref_slice %arg7[%dma_wait3A_194] : memref<10240xf32, #tpu.memory_space<vmem_shared>> -> memref<10240xf32, #tpu.memory_space<vmem_shared>>
      tpu.wait_indirect_dma semaphore(%arg8 : memref<!tpu.dma_semaphore, #tpu.memory_space<semaphore_mem>>) src(%arg5 : memref<128xf32, #tpu.memory_space<vmem>>) dst(%dma_wait3A_195 : memref<10240xf32, #tpu.memory_space<vmem_shared>>)
      %dma_wait3A_196 = arith.constant 0 : i32
      %dma_wait3A_197 = tpu.memref_slice %arg4[%mul3A_75, %dma_wait3A_196] : memref<80x128xi32, #tpu.memory_space<vmem>> -> memref<1x128xi32, #tpu.memory_space<vmem>>
      %dma_wait3A_198 = tpu.memref_squeeze %dma_wait3A_197 : memref<1x128xi32, #tpu.memory_space<vmem>> -> memref<128xi32, #tpu.memory_space<vmem>>
      %dma_wait3A_199 = arith.constant 0 : i32
      %dma_wait3A_200 = tpu.memref_slice %arg7[%dma_wait3A_199] : memref<10240xf32, #tpu.memory_space<vmem_shared>> -> memref<10240xf32, #tpu.memory_space<vmem_shared>>
      tpu.wait_indirect_dma semaphore(%arg8 : memref<!tpu.dma_semaphore, #tpu.memory_space<semaphore_mem>>) src(%arg5 : memref<128xf32, #tpu.memory_space<vmem>>) dst(%dma_wait3A_200 : memref<10240xf32, #tpu.memory_space<vmem_shared>>)
      %dma_wait3A_201 = arith.constant 0 : i32
      %dma_wait3A_202 = tpu.memref_slice %arg4[%mul3A_75, %dma_wait3A_201] : memref<80x128xi32, #tpu.memory_space<vmem>> -> memref<1x128xi32, #tpu.memory_space<vmem>>
      %dma_wait3A_203 = tpu.memref_squeeze %dma_wait3A_202 : memref<1x128xi32, #tpu.memory_space<vmem>> -> memref<128xi32, #tpu.memory_space<vmem>>
      %dma_wait3A_204 = arith.constant 0 : i32
      %dma_wait3A_205 = tpu.memref_slice %arg7[%dma_wait3A_204] : memref<10240xf32, #tpu.memory_space<vmem_shared>> -> memref<10240xf32, #tpu.memory_space<vmem_shared>>
      tpu.wait_indirect_dma semaphore(%arg8 : memref<!tpu.dma_semaphore, #tpu.memory_space<semaphore_mem>>) src(%arg5 : memref<128xf32, #tpu.memory_space<vmem>>) dst(%dma_wait3A_205 : memref<10240xf32, #tpu.memory_space<vmem_shared>>)
      %dma_wait3A_206 = arith.constant 0 : i32
      %dma_wait3A_207 = tpu.memref_slice %arg4[%mul3A_75, %dma_wait3A_206] : memref<80x128xi32, #tpu.memory_space<vmem>> -> memref<1x128xi32, #tpu.memory_space<vmem>>
      %dma_wait3A_208 = tpu.memref_squeeze %dma_wait3A_207 : memref<1x128xi32, #tpu.memory_space<vmem>> -> memref<128xi32, #tpu.memory_space<vmem>>
      %dma_wait3A_209 = arith.constant 0 : i32
      %dma_wait3A_210 = tpu.memref_slice %arg7[%dma_wait3A_209] : memref<10240xf32, #tpu.memory_space<vmem_shared>> -> memref<10240xf32, #tpu.memory_space<vmem_shared>>
      tpu.wait_indirect_dma semaphore(%arg8 : memref<!tpu.dma_semaphore, #tpu.memory_space<semaphore_mem>>) src(%arg5 : memref<128xf32, #tpu.memory_space<vmem>>) dst(%dma_wait3A_210 : memref<10240xf32, #tpu.memory_space<vmem_shared>>)
      %dma_wait3A_211 = arith.constant 0 : i32
      %dma_wait3A_212 = tpu.memref_slice %arg4[%mul3A_75, %dma_wait3A_211] : memref<80x128xi32, #tpu.memory_space<vmem>> -> memref<1x128xi32, #tpu.memory_space<vmem>>
      %dma_wait3A_213 = tpu.memref_squeeze %dma_wait3A_212 : memref<1x128xi32, #tpu.memory_space<vmem>> -> memref<128xi32, #tpu.memory_space<vmem>>
      %dma_wait3A_214 = arith.constant 0 : i32
      %dma_wait3A_215 = tpu.memref_slice %arg7[%dma_wait3A_214] : memref<10240xf32, #tpu.memory_space<vmem_shared>> -> memref<10240xf32, #tpu.memory_space<vmem_shared>>
      tpu.wait_indirect_dma semaphore(%arg8 : memref<!tpu.dma_semaphore, #tpu.memory_space<semaphore_mem>>) src(%arg5 : memref<128xf32, #tpu.memory_space<vmem>>) dst(%dma_wait3A_215 : memref<10240xf32, #tpu.memory_space<vmem_shared>>)
      %dma_wait3A_216 = arith.constant 0 : i32
      %dma_wait3A_217 = tpu.memref_slice %arg4[%mul3A_75, %dma_wait3A_216] : memref<80x128xi32, #tpu.memory_space<vmem>> -> memref<1x128xi32, #tpu.memory_space<vmem>>
      %dma_wait3A_218 = tpu.memref_squeeze %dma_wait3A_217 : memref<1x128xi32, #tpu.memory_space<vmem>> -> memref<128xi32, #tpu.memory_space<vmem>>
      %dma_wait3A_219 = arith.constant 0 : i32
      %dma_wait3A_220 = tpu.memref_slice %arg7[%dma_wait3A_219] : memref<10240xf32, #tpu.memory_space<vmem_shared>> -> memref<10240xf32, #tpu.memory_space<vmem_shared>>
      tpu.wait_indirect_dma semaphore(%arg8 : memref<!tpu.dma_semaphore, #tpu.memory_space<semaphore_mem>>) src(%arg5 : memref<128xf32, #tpu.memory_space<vmem>>) dst(%dma_wait3A_220 : memref<10240xf32, #tpu.memory_space<vmem_shared>>)
      %dma_wait3A_221 = arith.constant 0 : i32
      %dma_wait3A_222 = tpu.memref_slice %arg4[%mul3A_75, %dma_wait3A_221] : memref<80x128xi32, #tpu.memory_space<vmem>> -> memref<1x128xi32, #tpu.memory_space<vmem>>
      %dma_wait3A_223 = tpu.memref_squeeze %dma_wait3A_222 : memref<1x128xi32, #tpu.memory_space<vmem>> -> memref<128xi32, #tpu.memory_space<vmem>>
      %dma_wait3A_224 = arith.constant 0 : i32
      %dma_wait3A_225 = tpu.memref_slice %arg7[%dma_wait3A_224] : memref<10240xf32, #tpu.memory_space<vmem_shared>> -> memref<10240xf32, #tpu.memory_space<vmem_shared>>
      tpu.wait_indirect_dma semaphore(%arg8 : memref<!tpu.dma_semaphore, #tpu.memory_space<semaphore_mem>>) src(%arg5 : memref<128xf32, #tpu.memory_space<vmem>>) dst(%dma_wait3A_225 : memref<10240xf32, #tpu.memory_space<vmem_shared>>)
      %dma_wait3A_226 = arith.constant 0 : i32
      %dma_wait3A_227 = tpu.memref_slice %arg4[%mul3A_75, %dma_wait3A_226] : memref<80x128xi32, #tpu.memory_space<vmem>> -> memref<1x128xi32, #tpu.memory_space<vmem>>
      %dma_wait3A_228 = tpu.memref_squeeze %dma_wait3A_227 : memref<1x128xi32, #tpu.memory_space<vmem>> -> memref<128xi32, #tpu.memory_space<vmem>>
      %dma_wait3A_229 = arith.constant 0 : i32
      %dma_wait3A_230 = tpu.memref_slice %arg7[%dma_wait3A_229] : memref<10240xf32, #tpu.memory_space<vmem_shared>> -> memref<10240xf32, #tpu.memory_space<vmem_shared>>
      tpu.wait_indirect_dma semaphore(%arg8 : memref<!tpu.dma_semaphore, #tpu.memory_space<semaphore_mem>>) src(%arg5 : memref<128xf32, #tpu.memory_space<vmem>>) dst(%dma_wait3A_230 : memref<10240xf32, #tpu.memory_space<vmem_shared>>)
      %dma_wait3A_231 = arith.constant 0 : i32
      %dma_wait3A_232 = tpu.memref_slice %arg4[%mul3A_75, %dma_wait3A_231] : memref<80x128xi32, #tpu.memory_space<vmem>> -> memref<1x128xi32, #tpu.memory_space<vmem>>
      %dma_wait3A_233 = tpu.memref_squeeze %dma_wait3A_232 : memref<1x128xi32, #tpu.memory_space<vmem>> -> memref<128xi32, #tpu.memory_space<vmem>>
      %dma_wait3A_234 = arith.constant 0 : i32
      %dma_wait3A_235 = tpu.memref_slice %arg7[%dma_wait3A_234] : memref<10240xf32, #tpu.memory_space<vmem_shared>> -> memref<10240xf32, #tpu.memory_space<vmem_shared>>
      tpu.wait_indirect_dma semaphore(%arg8 : memref<!tpu.dma_semaphore, #tpu.memory_space<semaphore_mem>>) src(%arg5 : memref<128xf32, #tpu.memory_space<vmem>>) dst(%dma_wait3A_235 : memref<10240xf32, #tpu.memory_space<vmem_shared>>)
      %dma_wait3A_236 = arith.constant 0 : i32
      %dma_wait3A_237 = tpu.memref_slice %arg4[%mul3A_75, %dma_wait3A_236] : memref<80x128xi32, #tpu.memory_space<vmem>> -> memref<1x128xi32, #tpu.memory_space<vmem>>
      %dma_wait3A_238 = tpu.memref_squeeze %dma_wait3A_237 : memref<1x128xi32, #tpu.memory_space<vmem>> -> memref<128xi32, #tpu.memory_space<vmem>>
      %dma_wait3A_239 = arith.constant 0 : i32
      %dma_wait3A_240 = tpu.memref_slice %arg7[%dma_wait3A_239] : memref<10240xf32, #tpu.memory_space<vmem_shared>> -> memref<10240xf32, #tpu.memory_space<vmem_shared>>
      tpu.wait_indirect_dma semaphore(%arg8 : memref<!tpu.dma_semaphore, #tpu.memory_space<semaphore_mem>>) src(%arg5 : memref<128xf32, #tpu.memory_space<vmem>>) dst(%dma_wait3A_240 : memref<10240xf32, #tpu.memory_space<vmem_shared>>)
      %dma_wait3A_241 = arith.constant 0 : i32
      %dma_wait3A_242 = tpu.memref_slice %arg4[%mul3A_75, %dma_wait3A_241] : memref<80x128xi32, #tpu.memory_space<vmem>> -> memref<1x128xi32, #tpu.memory_space<vmem>>
      %dma_wait3A_243 = tpu.memref_squeeze %dma_wait3A_242 : memref<1x128xi32, #tpu.memory_space<vmem>> -> memref<128xi32, #tpu.memory_space<vmem>>
      %dma_wait3A_244 = arith.constant 0 : i32
      %dma_wait3A_245 = tpu.memref_slice %arg7[%dma_wait3A_244] : memref<10240xf32, #tpu.memory_space<vmem_shared>> -> memref<10240xf32, #tpu.memory_space<vmem_shared>>
      tpu.wait_indirect_dma semaphore(%arg8 : memref<!tpu.dma_semaphore, #tpu.memory_space<semaphore_mem>>) src(%arg5 : memref<128xf32, #tpu.memory_space<vmem>>) dst(%dma_wait3A_245 : memref<10240xf32, #tpu.memory_space<vmem_shared>>)
      %dma_wait3A_246 = arith.constant 0 : i32
      %dma_wait3A_247 = tpu.memref_slice %arg4[%mul3A_75, %dma_wait3A_246] : memref<80x128xi32, #tpu.memory_space<vmem>> -> memref<1x128xi32, #tpu.memory_space<vmem>>
      %dma_wait3A_248 = tpu.memref_squeeze %dma_wait3A_247 : memref<1x128xi32, #tpu.memory_space<vmem>> -> memref<128xi32, #tpu.memory_space<vmem>>
      %dma_wait3A_249 = arith.constant 0 : i32
      %dma_wait3A_250 = tpu.memref_slice %arg7[%dma_wait3A_249] : memref<10240xf32, #tpu.memory_space<vmem_shared>> -> memref<10240xf32, #tpu.memory_space<vmem_shared>>
      tpu.wait_indirect_dma semaphore(%arg8 : memref<!tpu.dma_semaphore, #tpu.memory_space<semaphore_mem>>) src(%arg5 : memref<128xf32, #tpu.memory_space<vmem>>) dst(%dma_wait3A_250 : memref<10240xf32, #tpu.memory_space<vmem_shared>>)
      %dma_wait3A_251 = arith.constant 0 : i32
      %dma_wait3A_252 = tpu.memref_slice %arg4[%mul3A_75, %dma_wait3A_251] : memref<80x128xi32, #tpu.memory_space<vmem>> -> memref<1x128xi32, #tpu.memory_space<vmem>>
      %dma_wait3A_253 = tpu.memref_squeeze %dma_wait3A_252 : memref<1x128xi32, #tpu.memory_space<vmem>> -> memref<128xi32, #tpu.memory_space<vmem>>
      %dma_wait3A_254 = arith.constant 0 : i32
      %dma_wait3A_255 = tpu.memref_slice %arg7[%dma_wait3A_254] : memref<10240xf32, #tpu.memory_space<vmem_shared>> -> memref<10240xf32, #tpu.memory_space<vmem_shared>>
      tpu.wait_indirect_dma semaphore(%arg8 : memref<!tpu.dma_semaphore, #tpu.memory_space<semaphore_mem>>) src(%arg5 : memref<128xf32, #tpu.memory_space<vmem>>) dst(%dma_wait3A_255 : memref<10240xf32, #tpu.memory_space<vmem_shared>>)
      %dma_wait3A_256 = arith.constant 0 : i32
      %dma_wait3A_257 = tpu.memref_slice %arg4[%mul3A_75, %dma_wait3A_256] : memref<80x128xi32, #tpu.memory_space<vmem>> -> memref<1x128xi32, #tpu.memory_space<vmem>>
      %dma_wait3A_258 = tpu.memref_squeeze %dma_wait3A_257 : memref<1x128xi32, #tpu.memory_space<vmem>> -> memref<128xi32, #tpu.memory_space<vmem>>
      %dma_wait3A_259 = arith.constant 0 : i32
      %dma_wait3A_260 = tpu.memref_slice %arg7[%dma_wait3A_259] : memref<10240xf32, #tpu.memory_space<vmem_shared>> -> memref<10240xf32, #tpu.memory_space<vmem_shared>>
      tpu.wait_indirect_dma semaphore(%arg8 : memref<!tpu.dma_semaphore, #tpu.memory_space<semaphore_mem>>) src(%arg5 : memref<128xf32, #tpu.memory_space<vmem>>) dst(%dma_wait3A_260 : memref<10240xf32, #tpu.memory_space<vmem_shared>>)
      %dma_wait3A_261 = arith.constant 0 : i32
      %dma_wait3A_262 = tpu.memref_slice %arg4[%mul3A_75, %dma_wait3A_261] : memref<80x128xi32, #tpu.memory_space<vmem>> -> memref<1x128xi32, #tpu.memory_space<vmem>>
      %dma_wait3A_263 = tpu.memref_squeeze %dma_wait3A_262 : memref<1x128xi32, #tpu.memory_space<vmem>> -> memref<128xi32, #tpu.memory_space<vmem>>
      %dma_wait3A_264 = arith.constant 0 : i32
      %dma_wait3A_265 = tpu.memref_slice %arg7[%dma_wait3A_264] : memref<10240xf32, #tpu.memory_space<vmem_shared>> -> memref<10240xf32, #tpu.memory_space<vmem_shared>>
      tpu.wait_indirect_dma semaphore(%arg8 : memref<!tpu.dma_semaphore, #tpu.memory_space<semaphore_mem>>) src(%arg5 : memref<128xf32, #tpu.memory_space<vmem>>) dst(%dma_wait3A_265 : memref<10240xf32, #tpu.memory_space<vmem_shared>>)
      %scan3A_266 = arith.constant 0 : i32
      scf.yield %scan3A_266 : i32
    }
    %scan3A_61 = arith.constant 5 : i32
    %scan3A_62 = arith.constant 0 : i32
    %scan3A_63 = arith.constant 80 : i32
    %scan3A_64 = arith.constant 0 : i32
    %scan3A_65 = arith.addi %scan3A_63, %scan3A_64 : i32
    %scan3A_66 = arith.constant 0 : i32
    %barrier3A_67 = arith.constant 0 : index
    tpu.barrier barrier_id(%barrier3A_67)
    %mul3A_68 = arith.constant 640 : i32
    %mul3A_69 = arith.muli %arg1, %mul3A_68 : i32
    %mul3A_70 = arith.constant 640 : i32
    %mul3A_71 = arith.muli %arg1, %mul3A_70 : i32
    "tpu.region"() ({
      %run_scoped3A_72 = tpu.sem_alloc : memref<!tpu.dma_semaphore, #tpu.memory_space<semaphore_mem>>
      %dma_start3A = tpu.memref_slice %arg3[%arg0, %mul3A_71] : memref<2x10240xf32, #tpu.memory_space<hbm>> -> memref<1x640xf32, #tpu.memory_space<hbm>>
      %dma_start3A_73 = tpu.memref_squeeze %dma_start3A : memref<1x640xf32, #tpu.memory_space<hbm>> -> memref<640xf32, #tpu.memory_space<hbm>>
      %dma_start3A_74 = tpu.memref_slice %arg7[%mul3A_69] : memref<10240xf32, #tpu.memory_space<vmem_shared>> -> memref<640xf32, #tpu.memory_space<vmem_shared>>
      tpu.enqueue_dma source(%dma_start3A_74 : memref<640xf32, #tpu.memory_space<vmem_shared>>) target(%dma_start3A_73 : memref<640xf32, #tpu.memory_space<hbm>>) target_semaphore(%run_scoped3A_72 : memref<!tpu.dma_semaphore, #tpu.memory_space<semaphore_mem>>)
      %dma_wait3A = tpu.memref_slice %arg3[%arg0, %mul3A_71] : memref<2x10240xf32, #tpu.memory_space<hbm>> -> memref<1x640xf32, #tpu.memory_space<hbm>>
      %dma_wait3A_75 = tpu.memref_squeeze %dma_wait3A : memref<1x640xf32, #tpu.memory_space<hbm>> -> memref<640xf32, #tpu.memory_space<hbm>>
      %dma_wait3A_76 = tpu.memref_slice %arg7[%mul3A_69] : memref<10240xf32, #tpu.memory_space<vmem_shared>> -> memref<640xf32, #tpu.memory_space<vmem_shared>>
      tpu.wait_dma2 semaphore(%run_scoped3A_72 : memref<!tpu.dma_semaphore, #tpu.memory_space<semaphore_mem>>) src(%dma_wait3A_76 : memref<640xf32, #tpu.memory_space<vmem_shared>>) dst(%dma_wait3A_75 : memref<640xf32, #tpu.memory_space<hbm>>)
      tpu.yield
    }) : () -> ()
    return
  }
}

module attributes {stable_mosaic.version = 14 : i64} {
  func.func @body(%arg0: i32, %arg1: memref<2048x128xf32, #tpu.memory_space<vmem>>, %arg2: memref<128x128xf32, #tpu.memory_space<vmem>>, %arg3: memref<2x2048xf32, #tpu.memory_space<vmem>>, %arg4: memref<2048x128xf32, #tpu.memory_space<vmem>>) attributes {dimension_semantics = [#tpu.dimension_semantics<arbitrary>], iteration_bounds = array<i64: 5>, scalar_prefetch = 0 : i64, scratch_operands = 0 : i64, tpu.core_type = #tpu.core_type<tc>, window_params = [{transform_indices = @transform_0, window_bounds = array<i64: 2048, 128>}, {pipeline_mode = #tpu.pipeline_mode<synchronous>, transform_indices = @transform_1, window_bounds = array<i64: 128, 128>}, {transform_indices = @transform_2, window_bounds = array<i64: 2, 2048>}, {transform_indices = @transform_3, window_bounds = array<i64: 2048, 128>}]} {
    %get3A = arith.constant 0 : index
    %get3A_0 = arith.constant 0 : index
    %get3A_1 = vector.load %arg3[%get3A, %get3A_0] : memref<2x2048xf32, #tpu.memory_space<vmem>>, vector<1x2048xf32>
    %get3A_2 = vector.shape_cast %get3A_1 : vector<1x2048xf32> to vector<2048xf32>
    %get3A_3 = arith.constant 1 : index
    %get3A_4 = arith.constant 0 : index
    %get3A_5 = vector.load %arg3[%get3A_3, %get3A_4] : memref<2x2048xf32, #tpu.memory_space<vmem>>, vector<1x2048xf32>
    %get3A_6 = vector.shape_cast %get3A_5 : vector<1x2048xf32> to vector<2048xf32>
    %add3A = arith.addf %get3A_2, %get3A_6 : vector<2048xf32>
    %add3A_7 = arith.constant 1.000000e+00 : f32
    %add3A_8 = vector.broadcast %add3A_7 : f32 to vector<2048xf32>
    %add3A_9 = arith.addf %add3A, %add3A_8 : vector<2048xf32>
    %get3A_10 = arith.constant 0 : index
    %get3A_11 = arith.constant 0 : index
    %get3A_12 = vector.load %arg1[%get3A_10, %get3A_11] : memref<2048x128xf32, #tpu.memory_space<vmem>>, vector<2048x128xf32>
    %get3A_13 = arith.constant 0 : index
    %get3A_14 = arith.constant 0 : index
    %get3A_15 = vector.load %arg2[%get3A_13, %get3A_14] : memref<128x128xf32, #tpu.memory_space<vmem>>, vector<128x128xf32>
    %dot_general3A = arith.constant dense<0.000000e+00> : vector<2048x128xf32>
    %dot_general3A_16 = tpu.matmul %get3A_12, %get3A_15, %dot_general3A {dimension_numbers = #tpu.dot_dimension_numbers<[1], [0], [0], [1], [0, 0, 1, 1], [], []>, transpose_lhs_hint = false} : vector<2048x128xf32>, vector<128x128xf32>, vector<2048x128xf32> -> vector<2048x128xf32>
    %rsqrt3A = math.rsqrt %add3A_9 : vector<2048xf32>
    %broadcast_in_dim3A = vector.shape_cast %rsqrt3A : vector<2048xf32> to vector<2048x1xf32>
    %mul3A = vector.broadcast %broadcast_in_dim3A : vector<2048x1xf32> to vector<2048x128xf32>
    %mul3A_17 = arith.mulf %dot_general3A_16, %mul3A : vector<2048x128xf32>
    %swap3A = arith.constant 0 : index
    %swap3A_18 = arith.constant 0 : index
    %swap3A_19 = vector.load %arg4[%swap3A, %swap3A_18] : memref<2048x128xf32, #tpu.memory_space<vmem>>, vector<2048x128xf32>
    tpu.vector_store %arg4[%swap3A, %swap3A_18], %mul3A_17 {strides = array<i32>} : memref<2048x128xf32, #tpu.memory_space<vmem>>, vector<2048x128xf32>,
    return
  }
  func.func @transform_0(%arg0: i32) -> (i32, i32) {
    %c0_i32 = arith.constant 0 : i32
    %c0_i32_0 = arith.constant 0 : i32
    return %arg0, %c0_i32 : i32, i32
  }
  func.func @transform_1(%arg0: i32) -> (i32, i32) {
    %c0_i32 = arith.constant 0 : i32
    %c0_i32_0 = arith.constant 0 : i32
    %c0_i32_1 = arith.constant 0 : i32
    return %c0_i32, %c0_i32_0 : i32, i32
  }
  func.func @transform_2(%arg0: i32) -> (i32, i32) {
    %c0_i32 = arith.constant 0 : i32
    %c0_i32_0 = arith.constant 0 : i32
    return %c0_i32, %arg0 : i32, i32
  }
  func.func @transform_3(%arg0: i32) -> (i32, i32) {
    %c0_i32 = arith.constant 0 : i32
    %c0_i32_0 = arith.constant 0 : i32
    return %arg0, %c0_i32 : i32, i32
  }
}

module attributes {stable_mosaic.version = 14 : i64} {
  func.func @body(%arg0: i32, %arg1: memref<2x2000x128xf32, #tpu.memory_space<vmem>>, %arg2: memref<2000x128xf32, #tpu.memory_space<vmem>>, %arg3: memref<2x2000x1xf32, #tpu.memory_space<vmem>>, %arg4: memref<1x128xf32, #tpu.memory_space<vmem>>, %arg5: memref<2000x128xf32, #tpu.memory_space<vmem>>) attributes {dimension_semantics = [#tpu.dimension_semantics<arbitrary>], iteration_bounds = array<i64: 5>, scalar_prefetch = 0 : i64, scratch_operands = 0 : i64, tpu.core_type = #tpu.core_type<tc>, window_params = [{transform_indices = @transform_0, window_bounds = array<i64: 2, 2000, 128>}, {transform_indices = @transform_1, window_bounds = array<i64: 2000, 128>}, {transform_indices = @transform_2, window_bounds = array<i64: 2, 2000, 1>}, {pipeline_mode = #tpu.pipeline_mode<synchronous>, transform_indices = @transform_3, window_bounds = array<i64: 1, 128>}, {transform_indices = @transform_4, window_bounds = array<i64: 2000, 128>}]} {
    %get3A = arith.constant 0 : index
    %get3A_0 = arith.constant 0 : index
    %get3A_1 = arith.constant 0 : index
    %get3A_2 = vector.load %arg3[%get3A, %get3A_0, %get3A_1] : memref<2x2000x1xf32, #tpu.memory_space<vmem>>, vector<1x2000x1xf32>
    %get3A_3 = vector.shape_cast %get3A_2 : vector<1x2000x1xf32> to vector<2000xf32>
    %get3A_4 = arith.constant 1 : index
    %get3A_5 = arith.constant 0 : index
    %get3A_6 = arith.constant 0 : index
    %get3A_7 = vector.load %arg3[%get3A_4, %get3A_5, %get3A_6] : memref<2x2000x1xf32, #tpu.memory_space<vmem>>, vector<1x2000x1xf32>
    %get3A_8 = vector.shape_cast %get3A_7 : vector<1x2000x1xf32> to vector<2000xf32>
    %add3A = arith.addf %get3A_3, %get3A_8 : vector<2000xf32>
    %add3A_9 = arith.constant 1.000000e+00 : f32
    %add3A_10 = vector.broadcast %add3A_9 : f32 to vector<2000xf32>
    %add3A_11 = arith.addf %add3A, %add3A_10 : vector<2000xf32>
    %rsqrt3A = math.rsqrt %add3A_11 : vector<2000xf32>
    %get3A_12 = arith.constant 0 : index
    %get3A_13 = arith.constant 0 : index
    %get3A_14 = arith.constant 0 : index
    %get3A_15 = vector.load %arg1[%get3A_12, %get3A_13, %get3A_14] : memref<2x2000x128xf32, #tpu.memory_space<vmem>>, vector<1x2000x128xf32>
    %get3A_16 = vector.shape_cast %get3A_15 : vector<1x2000x128xf32> to vector<2000x128xf32>
    %get3A_17 = arith.constant 1 : index
    %get3A_18 = arith.constant 0 : index
    %get3A_19 = arith.constant 0 : index
    %get3A_20 = vector.load %arg1[%get3A_17, %get3A_18, %get3A_19] : memref<2x2000x128xf32, #tpu.memory_space<vmem>>, vector<1x2000x128xf32>
    %get3A_21 = vector.shape_cast %get3A_20 : vector<1x2000x128xf32> to vector<2000x128xf32>
    %add3A_22 = arith.addf %get3A_16, %get3A_21 : vector<2000x128xf32>
    %get3A_23 = arith.constant 0 : index
    %get3A_24 = arith.constant 0 : index
    %get3A_25 = vector.load %arg2[%get3A_23, %get3A_24] : memref<2000x128xf32, #tpu.memory_space<vmem>>, vector<2000x128xf32>
    %add3A_26 = arith.addf %add3A_22, %get3A_25 : vector<2000x128xf32>
    %broadcast_in_dim3A = vector.shape_cast %rsqrt3A : vector<2000xf32> to vector<2000x1xf32>
    %mul3A = vector.broadcast %broadcast_in_dim3A : vector<2000x1xf32> to vector<2000x128xf32>
    %mul3A_27 = arith.mulf %add3A_26, %mul3A : vector<2000x128xf32>
    %get3A_28 = arith.constant 0 : index
    %get3A_29 = arith.constant 0 : index
    %get3A_30 = vector.load %arg4[%get3A_28, %get3A_29] : memref<1x128xf32, #tpu.memory_space<vmem>>, vector<1x128xf32>
    %add3A_31 = vector.broadcast %get3A_30 : vector<1x128xf32> to vector<2000x128xf32>
    %add3A_32 = arith.addf %mul3A_27, %add3A_31 : vector<2000x128xf32>
    %max3A = arith.constant 0.000000e+00 : f32
    %max3A_33 = vector.broadcast %max3A : f32 to vector<2000x128xf32>
    %max3A_34 = arith.maximumf %add3A_32, %max3A_33 : vector<2000x128xf32>
    %swap3A = arith.constant 0 : index
    %swap3A_35 = arith.constant 0 : index
    %swap3A_36 = vector.load %arg5[%swap3A, %swap3A_35] : memref<2000x128xf32, #tpu.memory_space<vmem>>, vector<2000x128xf32>
    tpu.vector_store %arg5[%swap3A, %swap3A_35], %max3A_34 {strides = array<i32>} : memref<2000x128xf32, #tpu.memory_space<vmem>>, vector<2000x128xf32>,
    return
  }
  func.func @transform_0(%arg0: i32) -> (i32, i32, i32) {
    %c0_i32 = arith.constant 0 : i32
    %c0_i32_0 = arith.constant 0 : i32
    %c0_i32_1 = arith.constant 0 : i32
    return %c0_i32, %arg0, %c0_i32_0 : i32, i32, i32
  }
  func.func @transform_1(%arg0: i32) -> (i32, i32) {
    %c0_i32 = arith.constant 0 : i32
    %c0_i32_0 = arith.constant 0 : i32
    return %arg0, %c0_i32 : i32, i32
  }
  func.func @transform_2(%arg0: i32) -> (i32, i32, i32) {
    %c0_i32 = arith.constant 0 : i32
    %c0_i32_0 = arith.constant 0 : i32
    %c0_i32_1 = arith.constant 0 : i32
    return %c0_i32, %arg0, %c0_i32_0 : i32, i32, i32
  }
  func.func @transform_3(%arg0: i32) -> (i32, i32) {
    %c0_i32 = arith.constant 0 : i32
    %c0_i32_0 = arith.constant 0 : i32
    %c0_i32_1 = arith.constant 0 : i32
    return %c0_i32, %c0_i32_0 : i32, i32
  }
  func.func @transform_4(%arg0: i32) -> (i32, i32) {
    %c0_i32 = arith.constant 0 : i32
    %c0_i32_0 = arith.constant 0 : i32
    return %arg0, %c0_i32 : i32, i32
  }
}

</mosaic_0001>

<sc_bundles>
// kernel: kernel.6.cloned.1.call-start
scs
__scs_entry_jumppad:
0x0: {  	(pc) =	sbr.rel $0x88, $3  }
0x1: {  	(tag) =	ssettag $0x0;
	lr =	simm.s32 $0x1  }
0x2: {  	[smem:$0x3F9D] =	sst lr;
	_ =	strace $0xD0000000  }
0x3: {  	_ = 	snop  }
0x4: {  	_ = 	snop  }
0x5: {  	_ = 	snop  }
0x6: {  	_ = 	snop  }
0x7: {  	_ = 	snop  }
__scs_overlays_trampoline_lowered:
0x8: {  	[smem:$0x3FAC] =	sst s0  }
0x9: {  	[smem:$0x3FAD] =	sst s1  }
0xa: {  	[smem:$0x3FAE] =	sst s2  }
0xb: {  	[smem:$0x3FAF] =	sst s3  }
0xc: {  	[smem:$0x3FB0] =	sst s4  }
0xd: {  	[smem:$0x3FB1] =	sst s5  }
0xe: {  	[smem:$0x3FB2] =	sst s6  }
0xf: {  	[smem:$0x3FB3] =	sst s7  }
0x10: {  	[smem:$0x3FB4] =	sst s8  }
0x11: {  	[smem:$0x3FB5] =	sst s9;
	s0 =	simm.s32 @!p0 $0x0  }
0x12: {  	s1 =	sld [smem:$0x3F9B];
	s0 =	simm.s32 @p0 $0x1  }
0x13: {  	[smem:$0x3FB6] =	sst s0;
	s0 =	simm.s32 @!p1 $0x0  }
0x14: {  	s2 =	sld [smem:$0x3F9A];
	s0 =	simm.s32 @p1 $0x1  }
0x15: {  	[smem:$0x3FB7] =	sst s0;
	s0 =	simm.s32 @!p2 $0x0  }
0x16: {  	s3 =	sld [smem:$0x3FDB];
	s0 =	simm.s32 @p2 $0x1  }
0x17: {  	s4 =	simm.s32 $0x1BF5;
	[smem:$0x3FB9] =	sst s0  }
0x18: {  	s0 =	sld [smem:$0x3F9C];
	_ =	swait.ge [sflag:s4], $0x0  }
0x19: {  	s7 =	sld [smem:$0x3F9D]  }
0x1a: {  	s8 =	sadd.s32 $0xFFFFE003, lr  }
0x1b: {  	s9 =	sadd.s32 $0xFFFFFEF7, lr;
	s5 =	simm.s32 $0xFFFFFFFF;
	p2 =	slt.u32 s8, $0xFFFFF086  }
0x1c: {  	p1 =	slt.u32 s9, $0xF7A;
	s5 =	simm.s32 @!p2 $0x0  }
0x1d: {  	s5 =	simm.s32 @p1 $0x1;
	p0 =	seq.s32 s7, s2  }
0x1e: {  	s7 =	smul.u32 @!p0 $0xF7A, s2;
	p2 =	seq.s32 @!p0 s5, $0x0  }
0x1f: {  	s9 =	smul.u32 $0xF7A, s1;
	s8 =	simm.s32 @!p0 $0x1BF5;
	p2 =	por !p2, p0  }
0x20: {  	[sflag:s8] =	ssyncset.s32 @!p0 $0xFFFFF086;
	s6 =	sadd.s32 @!p0 s3, s7;
	s7 =	simm.s32 @!p0 $0x108  }
0x21: {  	s3 =	sadd.s32 s3, s9;
	s6 =	sadd.s32 @!p0 $0x88, s6;
	s7 =	simm.s32 @p2 $0x1082  }
0x22: {  	[simem:s7], [sflag:s8] =	dma.local @!p0 [hbm:s6], $0xF7A  }
0x23: {  	s9 =	sor.u32 $0xD0000000, s2;
	s6 =	simm.s32 $0x108;
	_ =	swait.ge @!p0 [sflag:s8], $0x0  }
0x24: {  	s3 =	sadd.s32 $0x88, s3;
	s6 =	simm.s32 @!p1 $0x1082;
	[sflag:s4] =	ssyncset.s32 $0xFFFFF086  }
0x25: {  	[simem:s6], [sflag:s4] =	dma.local [hbm:s3], $0xF7A  }
0x26: {  	[smem:$0x3F9D] =	sst s1;
	(tag) =	ssettag s2;
	_ =	strace s9  }
0x27: {  	s1 =	sld [smem:$0x3FAD]  }
0x28: {  	s2 =	sld [smem:$0x3FAE]  }
0x29: {  	s4 =	sld [smem:$0x3FB0]  }
0x2a: {  	p0 =	seq.s32 s5, $0x0;
	s5 =	sld [smem:$0x3FB1]  }
0x2b: {  	s6 =	sld [smem:$0x3FB2]  }
0x2c: {  	s7 =	sld [smem:$0x3FB3]  }
0x2d: {  	s3 =	simm.s32 $0x108;
	s8 =	sld [smem:$0x3FB4]  }
0x2e: {  	s3 =	simm.s32 @!p0 $0x1082;
	s9 =	sld [smem:$0x3FB5]  }
0x2f: {  	lr =	sadd.s32 s0, s3;
	s0 =	sld [smem:$0x3FAC]  }
0x30: {  	s3 =	sld [smem:$0x3FAF]  }
0x31: {  	[smem:$0x3FB8] =	sst s10  }
0x32: {  	s10 =	sld [smem:$0x3FB6];
	_ =	sdelay $0x3  }
0x33: {  	p0 =	seq.s32 s10, $0x1;
	s10 =	sld [smem:$0x3FB8];
	_ =	sdelay $0x3  }
0x34: {  	[smem:$0x3FB8] =	sst s10  }
0x35: {  	s10 =	sld [smem:$0x3FB7];
	_ =	sdelay $0x3  }
0x36: {  	p1 =	seq.s32 s10, $0x1;
	s10 =	sld [smem:$0x3FB8];
	_ =	sdelay $0x3  }
0x37: {  	[smem:$0x3FB8] =	sst s10  }
0x38: {  	s10 =	sld [smem:$0x3FB9]  }
0x39: {  	_ = 	snop;
	(pc) =	sbr.ind lr, $3  }
0x3a: {  	_ = 	snop  }
0x3b: {  	_ = 	snop  }
0x3c: {  	p2 =	seq.s32 s10, $0x1;
	s10 =	sld [smem:$0x3FB8]  }
0x3d: {  	_ =	shalt  }
0x3e: {  	_ =	shalt  }
0x3f: {  	_ =	shalt  }
0x40: {  	_ =	shalt  }
0x41: {  	_ =	shalt  }
0x42: {  	_ =	shalt  }
0x43: {  	_ =	shalt  }
0x44: {  	_ =	shalt  }
0x45: {  	_ =	shalt  }
0x46: {  	_ =	shalt  }
0x47: {  	_ =	shalt  }
0x48: {  	_ =	shalt  }
0x49: {  	_ =	shalt  }
0x4a: {  	_ =	shalt  }
0x4b: {  	_ =	shalt  }
0x4c: {  	_ =	shalt  }
0x4d: {  	_ =	shalt  }
0x4e: {  	_ =	shalt  }
0x4f: {  	_ =	shalt  }
0x50: {  	_ =	shalt  }
0x51: {  	_ =	shalt  }
0x52: {  	_ =	shalt  }
0x53: {  	_ =	shalt  }
0x54: {  	_ =	shalt  }
0x55: {  	_ =	shalt  }
0x56: {  	_ =	shalt  }
0x57: {  	_ =	shalt  }
0x58: {  	_ =	shalt  }
0x59: {  	_ =	shalt  }
0x5a: {  	_ =	shalt  }
0x5b: {  	_ =	shalt  }
0x5c: {  	_ =	shalt  }
0x5d: {  	_ =	shalt  }
0x5e: {  	_ =	shalt  }
0x5f: {  	_ =	shalt  }
0x60: {  	_ =	shalt  }
0x61: {  	_ =	shalt  }
0x62: {  	_ =	shalt  }
0x63: {  	_ =	shalt  }
0x64: {  	_ =	shalt  }
0x65: {  	_ =	shalt  }
0x66: {  	_ =	shalt  }
0x67: {  	_ =	shalt  }
0x68: {  	_ =	shalt  }
0x69: {  	_ =	shalt  }
0x6a: {  	_ =	shalt  }
0x6b: {  	_ =	shalt  }
0x6c: {  	_ =	shalt  }
0x6d: {  	_ =	shalt  }
0x6e: {  	_ =	shalt  }
0x6f: {  	_ =	shalt  }
0x70: {  	_ =	shalt  }
0x71: {  	_ =	shalt  }
0x72: {  	_ =	shalt  }
0x73: {  	_ =	shalt  }
0x74: {  	_ =	shalt  }
0x75: {  	_ =	shalt  }
0x76: {  	_ =	shalt  }
0x77: {  	_ =	shalt  }
0x78: {  	_ =	shalt  }
0x79: {  	_ =	shalt  }
0x7a: {  	_ =	shalt  }
0x7b: {  	_ =	shalt  }
0x7c: {  	_ =	shalt  }
0x7d: {  	_ =	shalt  }
0x7e: {  	_ =	shalt  }
0x7f: {  	_ =	shalt  }
0x80: {  	_ =	shalt  }
0x81: {  	_ =	shalt  }
0x82: {  	_ =	shalt  }
0x83: {  	_ =	shalt  }
0x84: {  	_ =	shalt  }
0x85: {  	_ =	shalt  }
0x86: {  	_ =	shalt  }
0x87: {  	_ =	shalt  }
.Lfunc_end0:
.L_simem_size_0:
called_computation_lowered:
.L_overlay_start_0:
0x88: {  	s2 =	sld [smem:$0x3FD9]  }
0x89: {  	s3 =	sld [smem:$0x3FFE];
	_ =	sdelay $0x1  }
0x8a: {  	s1 =	srdreg.scid  }
0x8b: {  	s0 =	sand.u32 $0x1, s1  }
0x8c: {  	s17 =	sshll.u32 s0, $0xA;
	s2 =	sadd.s32 s3, s2  }
0x8d: {  	s2 =	sadd.s32 s2, s17  }
0x8e: {  	[smem:$0x3FC4] =	sst s2  }
0x8f: {  	_ = 	snop  }
0x90: {  	s2 =	sld [smem:$0x3FD0];
	(tm) =	ssettm $0x1  }
0x91: {  	s18 =	sld [smem:$0x3FFB];
	_ =	sdelay $0x3  }
0x92: {  	_ =	strace s18  }
0x93: {  	s3 =	sld [smem:$0x3FFC];
	_ =	sdelay $0x3  }
0x94: {  	_ =	strace s3  }
0x95: {  	s3 =	sld [smem:$0x3FFD];
	_ =	sdelay $0x3  }
0x96: {  	_ =	strace s3  }
0x97: {  	_ =	strace $0x8FFFFFFF  }
0x98: {  	s19 =	sld [smem:$0x3FDB];
	_ =	sdelay $0x1  }
0x99: {  	s4 =	simm.s32 $_scs_section_size  }
0x9a: {  	s5 =	simm.s32 $_size__tile_overlayer_lowered;
	s6 =	simm.s32 $_tile_overlayer_lowered  }
0x9b: {  	s22 =	simm.s32 $0x1BFF;
	s21 =	sshll.u32 s6, $0x1;
	s3 =	sadd.s32 s4, s19  }
0x9c: {  	s7 =	simm.s32 $0x0;
	s20 =	sshll.u32 s5, $0x1;
	s5 =	sadd.s32 s21, s3  }
0x9d: {  	[timem:s7], [sflag:s22] =	dma.local [hbm:s5], s20  }
0x9e: {  	_ =	swait.ge [sflag:s22], s20  }
0x9f: {  	s4 =	ssub.s32 $0x0, s20;
	[sflag:s22] =	ssyncset.done $0x0  }
0xa0: {  	[sflag:s22] =	ssyncadd.s32 s4;
	_ =	sdelay $0x1  }
0xa1: {  	s23 =	simm.s32 $0x1B8B  }
0xa2: {  	_ =	swait.ge [sflag:s23], $0x1  }
0xa3: {  	[sflag:s23] =	ssyncset.done $0x0  }
0xa4: {  	s25 =	simm.s32 $0x1B8E;
	s24 =	sld [smem:$0x3FFE];
	[sflag:s23] =	ssyncadd.s32 $0xFFFFFFFF  }
0xa5: {  	s26 =	simm.s32 $execute0_lowered;
	[smem:$0x3FD2] =	sst s25  }
0xa6: {  	s5 =	sshll.u32 s26, $0x1;
	_ =	strace $0x80000046;
	[dreg:$0x1] =	wrdreg $0xFFFFFFFF  }
0xa7: {  	s28 =	simm.s32 $_size_execute0_lowered;
	s3 =	sadd.s32 s3, s5;
	[dreg:$0x0] =	wrdreg $0x0  }
0xa8: {  	s5 =	sshll.u32 s28, $0x1;
	[dreg:$0x2] =	wrdreg s3  }
0xa9: {  	[dreg:$0x3] =	wrdreg s5  }
0xaa: {  	[dreg:$0x4] =	wrdreg $0xC0  }
0xab: {  	_ =	task [dreg:s7], $0x5FFFF  }
0xac: {  	[dreg:$0x1] =	wrdreg $0xFFFFFFFF  }
0xad: {  	[dreg:$0x0] =	wrdreg $0x60  }
0xae: {  	[dreg:$0x2] =	wrdreg s2  }
0xaf: {  	[dreg:$0x3] =	wrdreg s24  }
0xb0: {  	[dreg:$0x4] =	wrdreg $0x2B000  }
0xb1: {  	[dreg:$0x5] =	wrdreg $0x9  }
0xb2: {  	_ =	task.clear_ibuf [dreg:s7], $0x6FFFF;
	_ =	strace $0x90000046  }
0xb3: {  	s29 =	simm.s32 $0x9;
	_ =	strace $0x80000048  }
0xb4: {  	_ =	swait.ge [sflag:s29], $0x1  }
0xb5: {  	[sflag:s29] =	ssyncadd.s32 $0xFFFFFFFF  }
0xb6: {  	_ =	strace $0x90000048  }
0xb7: {  	_ =	sfence  }
0xb8: {  	s30 =	sld [smem:$0x0];
	_ =	sdelay $0x2  }
0xb9: {  	s31 =	sshll.u32 s1, $0xD;
	s1 =	sshrl.u32 s1, $0x2  }
0xba: {  	s3 =	sand.u32 $0x4000, s31;
	s1 =	sadd.s32 s1, s30  }
0xbb: {  	s0 =	sor.u32 s3, s0;
	s1 =	sshll.u32 s1, $0x11  }
0xbc: {  	s0 =	sor.u32 s1, s0  }
0xbd: {  	s0 =	sadd.s32 $0x8F2B, s0  }
0xbe: {  	[sflag:s0] =	ssyncadd.remote.s32 $0x1  }
0xbf: {  	_ =	sfence.sel $0xFFFF  }
0xc0: {  	[dreg:$0x0] =	wrdreg $0xFFFFFFFF;
	(pc) =	sbr.abs _section_cstart, $3  }
0xc1: {  	[dreg:$0x1] =	wrdreg $0xFFFFFFFF  }
0xc2: {  	_ =	task.clear_ibuf [dreg:s7], $0x2FFFF;
	_ =	strace $0x9FFFFFFF  }
0xc3: {  	(tm) =	ssettm $0x7FFFFFFF  }
tec
execute0_lowered:
.L_overlay_start_1:
0x0: {  	(tag) =	ssettag $0x1  }
0x1: {  	s4 =	rddreg [dreg:$0x0]  }
0x2: {  	s5 =	rddreg [dreg:$0x1]  }
0x3: {  	s2 =	rddreg [dreg:$0x2]  }
0x4: {  	s0 =	rddreg [dreg:$0x3]  }
0x5: {  	s3 =	simm.s32 $0x0;
	s6 =	srdreg.scid;
	s1 =	stileid.u32  }
0x6: {  	s11 =	simm.s32 $0x2800;
	s12 =	simm.s32 $0x1;
	s15 =	simm.s32 $0x20  }
0x7: {  	s16 =	simm.s32 $0x10;
	s17 =	simm.s32 $0x0;
	s6 =	sand.u32 $0x1, s6  }
0x8: {  	s7 =	smul.u32 $0x500, s1;
	s8 =	sshll.u32 s1, $0x1;
	[smem:$0x7FF] =	sst s3  }
0x9: {  	s28 =	smul.u32 $0xA00, s1;
	s13 =	sshll.u32 s1, $0x6;
	s9 =	sshll.u32 s6, $0x7  }
0xa: {  	s8 =	sor.u32 s6, s8;
	_ =	strace $0x80000047;
	s6 =	ssub.s32 $0x2, s6  }
0xb: {  	s13 =	sor.u32 $0x1C02, s13;
	s7 =	sor.u32 s9, s7;
	s8 =	smul.u32 $0x2800, s8  }
0xc: {  	s29 =	sshrl.u32 s6, $0x1;
	s30 =	sshrl.u32 s28, $0x2;
	s9 =	simm.s32 $0x2  }
0xd: {  	s7 =	sshrl.u32 s7, $0x3;
	s10 =	ssub.s32 s6, s29;
	s8 =	sshrl.u32 s8, $0x3  }
0xe: {  	s7 =	sadd.s32 s7, s5;
	s31 =	sadd.s32 s4, s8;
	s4 =	sadd.s32 s30, s2  }
0xf: {  	s6 =	sadd.s32 $0x2400, s7;
	s7 =	smax.u32 s10, $0x1;
	s8 =	simm.s32 $0x2880  }
0x10: {  	v0 =	vimm.f32 $0.0e+00;
	v1 =	vimm.f32 $1.000000000e+00;
	s10 =	simm.s32 $0x80;
	s5 =	sadd.s32 $0xA000, s31;
	s14 =	sshrl.u32 s4, $0x3  }
.LBB2_1:
0x11: {  	[tilespmem:$0x2880] =	vst v0  }
0x12: {  	[tilespmem:$0x2890] =	vst v0  }
0x13: {  	[tilespmem:$0x28A0] =	vst v0  }
0x14: {  	[tilespmem:$0x28B0] =	vst v0  }
0x15: {  	[tilespmem:$0x28C0] =	vst v0  }
0x16: {  	[tilespmem:$0x28D0] =	vst v0  }
0x17: {  	[tilespmem:$0x28E0] =	vst v0  }
0x18: {  	[tilespmem:$0x28F0] =	vst v0  }
0x19: {  	[tilespmem:$0x2900] =	vst v0  }
0x1a: {  	[tilespmem:$0x2910] =	vst v0  }
0x1b: {  	[tilespmem:$0x2920] =	vst v0  }
0x1c: {  	[tilespmem:$0x2930] =	vst v0  }
0x1d: {  	[tilespmem:$0x2940] =	vst v0  }
0x1e: {  	[tilespmem:$0x2950] =	vst v0  }
0x1f: {  	[tilespmem:$0x2960] =	vst v0  }
0x20: {  	[tilespmem:$0x2970] =	vst v0  }
0x21: {  	[tilespmem:$0x2980] =	vst v0  }
0x22: {  	[tilespmem:$0x2990] =	vst v0  }
0x23: {  	[tilespmem:$0x29A0] =	vst v0  }
0x24: {  	[tilespmem:$0x29B0] =	vst v0  }
0x25: {  	[tilespmem:$0x29C0] =	vst v0  }
0x26: {  	[tilespmem:$0x29D0] =	vst v0  }
0x27: {  	[tilespmem:$0x29E0] =	vst v0  }
0x28: {  	[tilespmem:$0x29F0] =	vst v0  }
0x29: {  	[tilespmem:$0x2A00] =	vst v0  }
0x2a: {  	[tilespmem:$0x2A10] =	vst v0  }
0x2b: {  	[tilespmem:$0x2A20] =	vst v0  }
0x2c: {  	[tilespmem:$0x2A30] =	vst v0  }
0x2d: {  	[tilespmem:$0x2A40] =	vst v0  }
0x2e: {  	[tilespmem:$0x2A50] =	vst v0  }
0x2f: {  	[tilespmem:$0x2A60] =	vst v0  }
0x30: {  	[tilespmem:$0x2A70] =	vst v0  }
0x31: {  	[tilespmem:$0x2A80] =	vst v0  }
0x32: {  	[tilespmem:$0x2A90] =	vst v0  }
0x33: {  	[tilespmem:$0x2AA0] =	vst v0  }
0x34: {  	[tilespmem:$0x2AB0] =	vst v0  }
0x35: {  	[tilespmem:$0x2AC0] =	vst v0  }
0x36: {  	[tilespmem:$0x2AD0] =	vst v0  }
0x37: {  	[tilespmem:$0x2AE0] =	vst v0  }
0x38: {  	[tilespmem:$0x2AF0] =	vst v0  }
0x39: {  	[tilespmem:$0x2800] =	vst v1  }
0x3a: {  	[tilespmem:$0x2810] =	vst v1  }
0x3b: {  	[tilespmem:$0x2820] =	vst v1  }
0x3c: {  	[tilespmem:$0x2830] =	vst v1  }
0x3d: {  	[tilespmem:$0x2840] =	vst v1  }
0x3e: {  	[tilespmem:$0x2850] =	vst v1  }
0x3f: {  	[tilespmem:$0x2860] =	vst v1  }
0x40: {  	[tilespmem:$0x2870] =	vst v1  }
0x41: {  	[spmem:s4] =	stream.linear.scatter [tilespmem:s8], [sflag:$0x2], $0x280, $0x38;
	[tilespmem:$0x2D80] =	vst v63  }
0x42: {  	_ =	swait.ge [sflag:s9], $0x280  }
0x43: {  	[sflag:s9] =	ssyncset.done $0x0  }
0x44: {  	[sflag:s9] =	ssyncadd.s32 $0xFFFFFD80  }
0x45: {  	[tilespmem:s3], [sflag:$0x2] =	stream.linear.gather [hbm4b:s5+s3], $0x2800, $0x38;
	[tilespmem:$0x2D80] =	vst v63  }
0x46: {  	_ =	swait.ge [sflag:s9], $0x2800  }
0x47: {  	[sflag:s9] =	ssyncset.done $0x0  }
0x48: {  	[sflag:s9] =	ssyncadd.s32 $0xFFFFD800  }
0x49: {  	s18 =	simm.s32 $0x0;
	[bflag:$0x0] =	sbarrier.arrive $0xFFFF  }
0x4a: {  	[spmem:s2] =	stream.indirect.scatter.add.f32 [tilespmem:s11], [sflag:$0x1], $0x1, s18, s10, $0xb8;
	[tilespmem:$0x2D80] =	vst v63  }
0x4b: {  	s29 =	simm.s32 $0x80  }
0x4c: {  	[spmem:s2] =	stream.indirect.scatter.add.f32 [tilespmem:s11], [sflag:$0x1], $0x1, s29, s10, $0xb8;
	[tilespmem:$0x2D80] =	vst v63  }
0x4d: {  	s30 =	simm.s32 $0x100  }
0x4e: {  	[spmem:s2] =	stream.indirect.scatter.add.f32 [tilespmem:s11], [sflag:$0x1], $0x1, s30, s10, $0xb8;
	[tilespmem:$0x2D80] =	vst v63  }
0x4f: {  	s31 =	simm.s32 $0x180  }
0x50: {  	[spmem:s2] =	stream.indirect.scatter.add.f32 [tilespmem:s11], [sflag:$0x1], $0x1, s31, s10, $0xb8;
	[tilespmem:$0x2D80] =	vst v63  }
0x51: {  	s19 =	simm.s32 $0x200  }
0x52: {  	[spmem:s2] =	stream.indirect.scatter.add.f32 [tilespmem:s11], [sflag:$0x1], $0x1, s19, s10, $0xb8;
	[tilespmem:$0x2D80] =	vst v63  }
0x53: {  	s20 =	simm.s32 $0x280  }
0x54: {  	[spmem:s2] =	stream.indirect.scatter.add.f32 [tilespmem:s11], [sflag:$0x1], $0x1, s20, s10, $0xb8;
	[tilespmem:$0x2D80] =	vst v63  }
0x55: {  	s21 =	simm.s32 $0x300  }
0x56: {  	[spmem:s2] =	stream.indirect.scatter.add.f32 [tilespmem:s11], [sflag:$0x1], $0x1, s21, s10, $0xb8;
	[tilespmem:$0x2D80] =	vst v63  }
0x57: {  	s22 =	simm.s32 $0x380  }
0x58: {  	[spmem:s2] =	stream.indirect.scatter.add.f32 [tilespmem:s11], [sflag:$0x1], $0x1, s22, s10, $0xb8;
	[tilespmem:$0x2D80] =	vst v63  }
0x59: {  	s23 =	simm.s32 $0x400  }
0x5a: {  	[spmem:s2] =	stream.indirect.scatter.add.f32 [tilespmem:s11], [sflag:$0x1], $0x1, s23, s10, $0xb8;
	[tilespmem:$0x2D80] =	vst v63  }
0x5b: {  	s24 =	simm.s32 $0x480  }
0x5c: {  	[spmem:s2] =	stream.indirect.scatter.add.f32 [tilespmem:s11], [sflag:$0x1], $0x1, s24, s10, $0xb8;
	[tilespmem:$0x2D80] =	vst v63  }
0x5d: {  	s25 =	simm.s32 $0x500  }
0x5e: {  	[spmem:s2] =	stream.indirect.scatter.add.f32 [tilespmem:s11], [sflag:$0x1], $0x1, s25, s10, $0xb8;
	[tilespmem:$0x2D80] =	vst v63  }
0x5f: {  	s26 =	simm.s32 $0x580  }
0x60: {  	[spmem:s2] =	stream.indirect.scatter.add.f32 [tilespmem:s11], [sflag:$0x1], $0x1, s26, s10, $0xb8;
	[tilespmem:$0x2D80] =	vst v63  }
0x61: {  	s28 =	simm.s32 $0x600  }
0x62: {  	[spmem:s2] =	stream.indirect.scatter.add.f32 [tilespmem:s11], [sflag:$0x1], $0x1, s28, s10, $0xb8;
	[tilespmem:$0x2D80] =	vst v63  }
0x63: {  	s29 =	simm.s32 $0x680  }
0x64: {  	[spmem:s2] =	stream.indirect.scatter.add.f32 [tilespmem:s11], [sflag:$0x1], $0x1, s29, s10, $0xb8;
	[tilespmem:$0x2D80] =	vst v63  }
0x65: {  	s30 =	simm.s32 $0x700  }
0x66: {  	[spmem:s2] =	stream.indirect.scatter.add.f32 [tilespmem:s11], [sflag:$0x1], $0x1, s30, s10, $0xb8;
	[tilespmem:$0x2D80] =	vst v63  }
0x67: {  	s31 =	simm.s32 $0x780  }
0x68: {  	[spmem:s2] =	stream.indirect.scatter.add.f32 [tilespmem:s11], [sflag:$0x1], $0x1, s31, s10, $0xb8;
	[tilespmem:$0x2D80] =	vst v63  }
0x69: {  	_ =	swait.ge [sflag:s12], $0x80  }
0x6a: {  	[sflag:s12] =	ssyncset.done $0x0  }
0x6b: {  	[sflag:s12] =	ssyncadd.s32 $0xFFFFFF80  }
0x6c: {  	_ =	swait.ge [sflag:s12], $0x80  }
0x6d: {  	[sflag:s12] =	ssyncset.done $0x0  }
0x6e: {  	[sflag:s12] =	ssyncadd.s32 $0xFFFFFF80  }
0x6f: {  	_ =	swait.ge [sflag:s12], $0x80  }
0x70: {  	[sflag:s12] =	ssyncset.done $0x0  }
0x71: {  	[sflag:s12] =	ssyncadd.s32 $0xFFFFFF80  }
0x72: {  	_ =	swait.ge [sflag:s12], $0x80  }
0x73: {  	[sflag:s12] =	ssyncset.done $0x0  }
0x74: {  	[sflag:s12] =	ssyncadd.s32 $0xFFFFFF80  }
0x75: {  	_ =	swait.ge [sflag:s12], $0x80  }
0x76: {  	[sflag:s12] =	ssyncset.done $0x0  }
0x77: {  	[sflag:s12] =	ssyncadd.s32 $0xFFFFFF80  }
0x78: {  	_ =	swait.ge [sflag:s12], $0x80  }
0x79: {  	[sflag:s12] =	ssyncset.done $0x0  }
0x7a: {  	[sflag:s12] =	ssyncadd.s32 $0xFFFFFF80  }
0x7b: {  	_ =	swait.ge [sflag:s12], $0x80  }
0x7c: {  	[sflag:s12] =	ssyncset.done $0x0  }
0x7d: {  	[sflag:s12] =	ssyncadd.s32 $0xFFFFFF80  }
0x7e: {  	_ =	swait.ge [sflag:s12], $0x80  }
0x7f: {  	[sflag:s12] =	ssyncset.done $0x0  }
0x80: {  	[sflag:s12] =	ssyncadd.s32 $0xFFFFFF80  }
0x81: {  	_ =	swait.ge [sflag:s12], $0x80  }
0x82: {  	[sflag:s12] =	ssyncset.done $0x0  }
0x83: {  	[sflag:s12] =	ssyncadd.s32 $0xFFFFFF80  }
0x84: {  	_ =	swait.ge [sflag:s12], $0x80  }
0x85: {  	[sflag:s12] =	ssyncset.done $0x0  }
0x86: {  	[sflag:s12] =	ssyncadd.s32 $0xFFFFFF80  }
0x87: {  	_ =	swait.ge [sflag:s12], $0x80  }
0x88: {  	[sflag:s12] =	ssyncset.done $0x0  }
0x89: {  	[sflag:s12] =	ssyncadd.s32 $0xFFFFFF80  }
0x8a: {  	_ =	swait.ge [sflag:s12], $0x80  }
0x8b: {  	[sflag:s12] =	ssyncset.done $0x0  }
0x8c: {  	[sflag:s12] =	ssyncadd.s32 $0xFFFFFF80  }
0x8d: {  	_ =	swait.ge [sflag:s12], $0x80  }
0x8e: {  	[sflag:s12] =	ssyncset.done $0x0  }
0x8f: {  	[sflag:s12] =	ssyncadd.s32 $0xFFFFFF80  }
0x90: {  	_ =	swait.ge [sflag:s12], $0x80  }
0x91: {  	[sflag:s12] =	ssyncset.done $0x0  }
0x92: {  	[sflag:s12] =	ssyncadd.s32 $0xFFFFFF80  }
0x93: {  	_ =	swait.ge [sflag:s12], $0x80  }
0x94: {  	[sflag:s12] =	ssyncset.done $0x0  }
0x95: {  	[sflag:s12] =	ssyncadd.s32 $0xFFFFFF80  }
0x96: {  	_ =	swait.ge [sflag:s12], $0x80  }
0x97: {  	s18 =	simm.s32 $0x2000;
	s21 =	simm.s32 $0x4000;
	[sflag:s12] =	ssyncset.done $0x0  }
.LBB2_2:
0x98: {  	s20 =	sshra.s32 s18, $0x2  }
0x99: {  	[sflag:s12] =	ssyncadd.s32 $0xFFFFFF80;
	s18 =	smov.u32 s21;
	s19 =	sadd.s32 $0x2000, s21  }
0x9a: {  	[spmem:s2] =	stream.indirect.scatter.add.f32 [tilespmem:s11], [sflag:$0x1], $0x1, s20, s10, $0xb8;
	[tilespmem:$0x2D80] =	vst v63  }
0x9b: {  	p0 =	sne.s32 s21, $0x8000;
	s21 =	sadd.s32 $0x80, s20  }
0x9c: {  	[spmem:s2] =	stream.indirect.scatter.add.f32 [tilespmem:s11], [sflag:$0x1], $0x1, s21, s10, $0xb8;
	[tilespmem:$0x2D80] =	vst v63  }
0x9d: {  	s21 =	sadd.s32 $0x100, s20  }
0x9e: {  	[spmem:s2] =	stream.indirect.scatter.add.f32 [tilespmem:s11], [sflag:$0x1], $0x1, s21, s10, $0xb8;
	[tilespmem:$0x2D80] =	vst v63  }
0x9f: {  	s21 =	sadd.s32 $0x180, s20  }
0xa0: {  	[spmem:s2] =	stream.indirect.scatter.add.f32 [tilespmem:s11], [sflag:$0x1], $0x1, s21, s10, $0xb8;
	[tilespmem:$0x2D80] =	vst v63  }
0xa1: {  	s21 =	sadd.s32 $0x200, s20  }
0xa2: {  	[spmem:s2] =	stream.indirect.scatter.add.f32 [tilespmem:s11], [sflag:$0x1], $0x1, s21, s10, $0xb8;
	[tilespmem:$0x2D80] =	vst v63  }
0xa3: {  	s21 =	sadd.s32 $0x280, s20  }
0xa4: {  	[spmem:s2] =	stream.indirect.scatter.add.f32 [tilespmem:s11], [sflag:$0x1], $0x1, s21, s10, $0xb8;
	[tilespmem:$0x2D80] =	vst v63  }
0xa5: {  	s21 =	sadd.s32 $0x300, s20  }
0xa6: {  	[spmem:s2] =	stream.indirect.scatter.add.f32 [tilespmem:s11], [sflag:$0x1], $0x1, s21, s10, $0xb8;
	[tilespmem:$0x2D80] =	vst v63  }
0xa7: {  	s21 =	sadd.s32 $0x380, s20  }
0xa8: {  	[spmem:s2] =	stream.indirect.scatter.add.f32 [tilespmem:s11], [sflag:$0x1], $0x1, s21, s10, $0xb8;
	[tilespmem:$0x2D80] =	vst v63  }
0xa9: {  	s21 =	sadd.s32 $0x400, s20  }
0xaa: {  	[spmem:s2] =	stream.indirect.scatter.add.f32 [tilespmem:s11], [sflag:$0x1], $0x1, s21, s10, $0xb8;
	[tilespmem:$0x2D80] =	vst v63  }
0xab: {  	s21 =	sadd.s32 $0x480, s20  }
0xac: {  	[spmem:s2] =	stream.indirect.scatter.add.f32 [tilespmem:s11], [sflag:$0x1], $0x1, s21, s10, $0xb8;
	[tilespmem:$0x2D80] =	vst v63  }
0xad: {  	s21 =	sadd.s32 $0x500, s20  }
0xae: {  	[spmem:s2] =	stream.indirect.scatter.add.f32 [tilespmem:s11], [sflag:$0x1], $0x1, s21, s10, $0xb8;
	[tilespmem:$0x2D80] =	vst v63  }
0xaf: {  	s21 =	sadd.s32 $0x580, s20  }
0xb0: {  	[spmem:s2] =	stream.indirect.scatter.add.f32 [tilespmem:s11], [sflag:$0x1], $0x1, s21, s10, $0xb8;
	[tilespmem:$0x2D80] =	vst v63  }
0xb1: {  	s21 =	sadd.s32 $0x600, s20  }
0xb2: {  	[spmem:s2] =	stream.indirect.scatter.add.f32 [tilespmem:s11], [sflag:$0x1], $0x1, s21, s10, $0xb8;
	[tilespmem:$0x2D80] =	vst v63  }
0xb3: {  	s21 =	sadd.s32 $0x680, s20  }
0xb4: {  	[spmem:s2] =	stream.indirect.scatter.add.f32 [tilespmem:s11], [sflag:$0x1], $0x1, s21, s10, $0xb8;
	[tilespmem:$0x2D80] =	vst v63  }
0xb5: {  	s21 =	sadd.s32 $0x700, s20  }
0xb6: {  	[spmem:s2] =	stream.indirect.scatter.add.f32 [tilespmem:s11], [sflag:$0x1], $0x1, s21, s10, $0xb8;
	[tilespmem:$0x2D80] =	vst v63  }
0xb7: {  	s20 =	sadd.s32 $0x780, s20  }
0xb8: {  	[spmem:s2] =	stream.indirect.scatter.add.f32 [tilespmem:s11], [sflag:$0x1], $0x1, s20, s10, $0xb8;
	[tilespmem:$0x2D80] =	vst v63  }
0xb9: {  	_ =	swait.ge [sflag:s12], $0x80  }
0xba: {  	[sflag:s12] =	ssyncset.done $0x0  }
0xbb: {  	[sflag:s12] =	ssyncadd.s32 $0xFFFFFF80  }
0xbc: {  	_ =	swait.ge [sflag:s12], $0x80  }
0xbd: {  	[sflag:s12] =	ssyncset.done $0x0  }
0xbe: {  	[sflag:s12] =	ssyncadd.s32 $0xFFFFFF80  }
0xbf: {  	_ =	swait.ge [sflag:s12], $0x80  }
0xc0: {  	[sflag:s12] =	ssyncset.done $0x0  }
0xc1: {  	[sflag:s12] =	ssyncadd.s32 $0xFFFFFF80  }
0xc2: {  	_ =	swait.ge [sflag:s12], $0x80  }
0xc3: {  	[sflag:s12] =	ssyncset.done $0x0  }
0xc4: {  	[sflag:s12] =	ssyncadd.s32 $0xFFFFFF80  }
0xc5: {  	_ =	swait.ge [sflag:s12], $0x80  }
0xc6: {  	[sflag:s12] =	ssyncset.done $0x0  }
0xc7: {  	[sflag:s12] =	ssyncadd.s32 $0xFFFFFF80  }
0xc8: {  	_ =	swait.ge [sflag:s12], $0x80  }
0xc9: {  	[sflag:s12] =	ssyncset.done $0x0  }
0xca: {  	[sflag:s12] =	ssyncadd.s32 $0xFFFFFF80  }
0xcb: {  	_ =	swait.ge [sflag:s12], $0x80  }
0xcc: {  	[sflag:s12] =	ssyncset.done $0x0  }
0xcd: {  	[sflag:s12] =	ssyncadd.s32 $0xFFFFFF80  }
0xce: {  	_ =	swait.ge [sflag:s12], $0x80  }
0xcf: {  	[sflag:s12] =	ssyncset.done $0x0  }
0xd0: {  	[sflag:s12] =	ssyncadd.s32 $0xFFFFFF80  }
0xd1: {  	_ =	swait.ge [sflag:s12], $0x80  }
0xd2: {  	[sflag:s12] =	ssyncset.done $0x0  }
0xd3: {  	[sflag:s12] =	ssyncadd.s32 $0xFFFFFF80  }
0xd4: {  	_ =	swait.ge [sflag:s12], $0x80  }
0xd5: {  	[sflag:s12] =	ssyncset.done $0x0  }
0xd6: {  	[sflag:s12] =	ssyncadd.s32 $0xFFFFFF80  }
0xd7: {  	_ =	swait.ge [sflag:s12], $0x80  }
0xd8: {  	[sflag:s12] =	ssyncset.done $0x0  }
0xd9: {  	[sflag:s12] =	ssyncadd.s32 $0xFFFFFF80  }
0xda: {  	_ =	swait.ge [sflag:s12], $0x80  }
0xdb: {  	[sflag:s12] =	ssyncset.done $0x0  }
0xdc: {  	[sflag:s12] =	ssyncadd.s32 $0xFFFFFF80  }
0xdd: {  	_ =	swait.ge [sflag:s12], $0x80  }
0xde: {  	[sflag:s12] =	ssyncset.done $0x0  }
0xdf: {  	[sflag:s12] =	ssyncadd.s32 $0xFFFFFF80  }
0xe0: {  	_ =	swait.ge [sflag:s12], $0x80  }
0xe1: {  	[sflag:s12] =	ssyncset.done $0x0  }
0xe2: {  	[sflag:s12] =	ssyncadd.s32 $0xFFFFFF80  }
.Ltmp0:
0xe3: {  	_ =	swait.ge [sflag:s12], $0x80;
	(pc) =	sbr.rel @p0 .LBB2_2-.Ltmp0, $4  }
0xe4: {  	[sflag:s12] =	ssyncset.done $0x0  }
0xe5: {  	[sflag:s12] =	ssyncadd.s32 $0xFFFFFF80  }
0xe6: {  	_ =	swait.ge [sflag:s12], $0x80  }
0xe7: {  	s21 =	smov.u32 s19;
	[sflag:s12] =	ssyncset.done $0x0  }
0xe8: {  	s18 =	sshra.s32 s18, $0x2;
	[sflag:s12] =	ssyncadd.s32 $0xFFFFFF80  }
0xe9: {  	[spmem:s2] =	stream.indirect.scatter.add.f32 [tilespmem:s11], [sflag:$0x1], $0x1, s18, s10, $0xb8;
	[tilespmem:$0x2D80] =	vst v63  }
0xea: {  	s19 =	sadd.s32 $0x80, s18  }
0xeb: {  	[spmem:s2] =	stream.indirect.scatter.add.f32 [tilespmem:s11], [sflag:$0x1], $0x1, s19, s10, $0xb8;
	[tilespmem:$0x2D80] =	vst v63  }
0xec: {  	s30 =	sadd.s32 $0x100, s18  }
0xed: {  	[spmem:s2] =	stream.indirect.scatter.add.f32 [tilespmem:s11], [sflag:$0x1], $0x1, s30, s10, $0xb8;
	[tilespmem:$0x2D80] =	vst v63  }
0xee: {  	s31 =	sadd.s32 $0x180, s18  }
0xef: {  	[spmem:s2] =	stream.indirect.scatter.add.f32 [tilespmem:s11], [sflag:$0x1], $0x1, s31, s10, $0xb8;
	[tilespmem:$0x2D80] =	vst v63  }
0xf0: {  	s20 =	sadd.s32 $0x200, s18  }
0xf1: {  	[spmem:s2] =	stream.indirect.scatter.add.f32 [tilespmem:s11], [sflag:$0x1], $0x1, s20, s10, $0xb8;
	[tilespmem:$0x2D80] =	vst v63  }
0xf2: {  	s21 =	sadd.s32 $0x280, s18  }
0xf3: {  	[spmem:s2] =	stream.indirect.scatter.add.f32 [tilespmem:s11], [sflag:$0x1], $0x1, s21, s10, $0xb8;
	[tilespmem:$0x2D80] =	vst v63  }
0xf4: {  	s22 =	sadd.s32 $0x300, s18  }
0xf5: {  	[spmem:s2] =	stream.indirect.scatter.add.f32 [tilespmem:s11], [sflag:$0x1], $0x1, s22, s10, $0xb8;
	[tilespmem:$0x2D80] =	vst v63  }
0xf6: {  	s23 =	sadd.s32 $0x380, s18  }
0xf7: {  	[spmem:s2] =	stream.indirect.scatter.add.f32 [tilespmem:s11], [sflag:$0x1], $0x1, s23, s10, $0xb8;
	[tilespmem:$0x2D80] =	vst v63  }
0xf8: {  	s24 =	sadd.s32 $0x400, s18  }
0xf9: {  	[spmem:s2] =	stream.indirect.scatter.add.f32 [tilespmem:s11], [sflag:$0x1], $0x1, s24, s10, $0xb8;
	[tilespmem:$0x2D80] =	vst v63  }
0xfa: {  	s25 =	sadd.s32 $0x480, s18  }
0xfb: {  	[spmem:s2] =	stream.indirect.scatter.add.f32 [tilespmem:s11], [sflag:$0x1], $0x1, s25, s10, $0xb8;
	[tilespmem:$0x2D80] =	vst v63  }
0xfc: {  	s26 =	sadd.s32 $0x500, s18  }
0xfd: {  	[spmem:s2] =	stream.indirect.scatter.add.f32 [tilespmem:s11], [sflag:$0x1], $0x1, s26, s10, $0xb8;
	[tilespmem:$0x2D80] =	vst v63  }
0xfe: {  	s28 =	sadd.s32 $0x580, s18  }
0xff: {  	[spmem:s2] =	stream.indirect.scatter.add.f32 [tilespmem:s11], [sflag:$0x1], $0x1, s28, s10, $0xb8;
	[tilespmem:$0x2D80] =	vst v63  }
0x100: {  	s29 =	sadd.s32 $0x600, s18  }
0x101: {  	[spmem:s2] =	stream.indirect.scatter.add.f32 [tilespmem:s11], [sflag:$0x1], $0x1, s29, s10, $0xb8;
	[tilespmem:$0x2D80] =	vst v63  }
0x102: {  	s30 =	sadd.s32 $0x680, s18  }
0x103: {  	[spmem:s2] =	stream.indirect.scatter.add.f32 [tilespmem:s11], [sflag:$0x1], $0x1, s30, s10, $0xb8;
	[tilespmem:$0x2D80] =	vst v63  }
0x104: {  	s31 =	sadd.s32 $0x700, s18  }
0x105: {  	[spmem:s2] =	stream.indirect.scatter.add.f32 [tilespmem:s11], [sflag:$0x1], $0x1, s31, s10, $0xb8;
	[tilespmem:$0x2D80] =	vst v63  }
0x106: {  	s18 =	sadd.s32 $0x780, s18  }
0x107: {  	[spmem:s2] =	stream.indirect.scatter.add.f32 [tilespmem:s11], [sflag:$0x1], $0x1, s18, s10, $0xb8;
	[tilespmem:$0x2D80] =	vst v63  }
0x108: {  	_ =	swait.ge [sflag:s12], $0x80  }
0x109: {  	[sflag:s12] =	ssyncset.done $0x0  }
0x10a: {  	[sflag:s12] =	ssyncadd.s32 $0xFFFFFF80  }
0x10b: {  	_ =	swait.ge [sflag:s12], $0x80  }
0x10c: {  	[sflag:s12] =	ssyncset.done $0x0  }
0x10d: {  	[sflag:s12] =	ssyncadd.s32 $0xFFFFFF80  }
0x10e: {  	_ =	swait.ge [sflag:s12], $0x80  }
0x10f: {  	[sflag:s12] =	ssyncset.done $0x0  }
0x110: {  	[sflag:s12] =	ssyncadd.s32 $0xFFFFFF80  }
0x111: {  	_ =	swait.ge [sflag:s12], $0x80  }
0x112: {  	[sflag:s12] =	ssyncset.done $0x0  }
0x113: {  	[sflag:s12] =	ssyncadd.s32 $0xFFFFFF80  }
0x114: {  	_ =	swait.ge [sflag:s12], $0x80  }
0x115: {  	[sflag:s12] =	ssyncset.done $0x0  }
0x116: {  	[sflag:s12] =	ssyncadd.s32 $0xFFFFFF80  }
0x117: {  	_ =	swait.ge [sflag:s12], $0x80  }
0x118: {  	[sflag:s12] =	ssyncset.done $0x0  }
0x119: {  	[sflag:s12] =	ssyncadd.s32 $0xFFFFFF80  }
0x11a: {  	_ =	swait.ge [sflag:s12], $0x80  }
0x11b: {  	[sflag:s12] =	ssyncset.done $0x0  }
0x11c: {  	[sflag:s12] =	ssyncadd.s32 $0xFFFFFF80  }
0x11d: {  	_ =	swait.ge [sflag:s12], $0x80  }
0x11e: {  	[sflag:s12] =	ssyncset.done $0x0  }
0x11f: {  	[sflag:s12] =	ssyncadd.s32 $0xFFFFFF80  }
0x120: {  	_ =	swait.ge [sflag:s12], $0x80  }
0x121: {  	[sflag:s12] =	ssyncset.done $0x0  }
0x122: {  	[sflag:s12] =	ssyncadd.s32 $0xFFFFFF80  }
0x123: {  	_ =	swait.ge [sflag:s12], $0x80  }
0x124: {  	[sflag:s12] =	ssyncset.done $0x0  }
0x125: {  	[sflag:s12] =	ssyncadd.s32 $0xFFFFFF80  }
0x126: {  	_ =	swait.ge [sflag:s12], $0x80  }
0x127: {  	[sflag:s12] =	ssyncset.done $0x0  }
0x128: {  	[sflag:s12] =	ssyncadd.s32 $0xFFFFFF80  }
0x129: {  	_ =	swait.ge [sflag:s12], $0x80  }
0x12a: {  	[sflag:s12] =	ssyncset.done $0x0  }
0x12b: {  	[sflag:s12] =	ssyncadd.s32 $0xFFFFFF80  }
0x12c: {  	_ =	swait.ge [sflag:s12], $0x80  }
0x12d: {  	[sflag:s12] =	ssyncset.done $0x0  }
0x12e: {  	[sflag:s12] =	ssyncadd.s32 $0xFFFFFF80  }
0x12f: {  	_ =	swait.ge [sflag:s12], $0x80  }
0x130: {  	[sflag:s12] =	ssyncset.done $0x0  }
0x131: {  	[sflag:s12] =	ssyncadd.s32 $0xFFFFFF80  }
0x132: {  	_ =	swait.ge [sflag:s12], $0x80  }
0x133: {  	[sflag:s12] =	ssyncset.done $0x0  }
0x134: {  	[sflag:s12] =	ssyncadd.s32 $0xFFFFFF80  }
0x135: {  	_ =	swait.ge [sflag:s12], $0x80  }
0x136: {  	s17 =	sadd.s32 $0x1, s17;
	[sflag:s12] =	ssyncset.done $0x0  }
0x137: {  	p0 =	sne.s32 s17, s7;
	[sflag:s12] =	ssyncadd.s32 $0xFFFFFF80  }
.Ltmp1:
0x138: {  	[bflag:$0x0] =	sbarrier.arrive $0xFFFF;
	(pc) =	sbr.rel @p0 .LBB2_1-.Ltmp1, $4  }
0x139: {  	[hbm:s6@s15], [sflag:s13] =	dma.strided [spmem:s14@s16], $0x50, s12, $0x10   }
0x13a: {  	_ =	swait.ge [sflag:s9], $0x50  }
0x13b: {  	[sflag:s9] =	ssyncset.done $0x0  }
0x13c: {  	[sflag:s9] =	ssyncadd.s32 $0xFFFFFFB0  }
0x13d: {  	_ =	sfence.sel $0x180000  }
0x13e: {  	[bflag:$0x0] =	sbarrier.arrive $0xFFFF  }
0x13f: {  	p0 =	sne.s32 s1, $0x0;
	_ =	strace $0x90000047  }
0x140: {  	s0 =	sadd.s32 @!p0 $0x100000, s0;
	[bflag:$0x2] =	sbarrier.arrive $0xFFFF  }
0x141: {  	[sflag:s0] =	ssyncadd.tile.s32 @!p0 $0x1;
	_ =	shalt  }
.Lfunc_end2:
_tile_overlayer_lowered:
.L_overlay_start_2:
0x142: {  	(tag) =	ssettag $0x2  }
0x143: {  	s0 =	rddreg [dreg:$0x0];
	s2 =	stileid.u32  }
0x144: {  	s1 =	rddreg [dreg:$0x1];
	p0 =	sne.s32 s2, $0x0  }
0x145: {  	s3 =	rddreg [dreg:$0x2];
	[bflag:$0x3] =	sbarrier.arrive $0xFFFF;
	s2 =	simm.s32 @!p0 $0x1C02  }
0x146: {  	[timem:s3], [sflag:s2] =	dma.local @!p0 [hbm:s0], s1  }
0x147: {  	s0 =	simm.s32 @!p0 $0x2  }
0x148: {  	_ =	swait.ge @!p0 [sflag:s0], s1  }
0x149: {  	s1 =	ssub.s32 @!p0 $0x0, s1;
	[sflag:s0] =	ssyncset.done @!p0 $0x0  }
0x14a: {  	[sflag:s0] =	ssyncadd.s32 @!p0 s1  }
0x14b: {  	[bflag:$0x3] =	sbarrier.arrive $0xFFFF  }
0x14c: {  	_ =	shalt  }

// kernel: kernel.9.cloned.1.call-start
scs
__scs_entry_jumppad:
0x0: {  	(pc) =	sbr.rel $0x88, $3  }
0x1: {  	(tag) =	ssettag $0x0;
	lr =	simm.s32 $0x1  }
0x2: {  	[smem:$0x3F9D] =	sst lr;
	_ =	strace $0xD0000000  }
0x3: {  	_ = 	snop  }
0x4: {  	_ = 	snop  }
0x5: {  	_ = 	snop  }
0x6: {  	_ = 	snop  }
0x7: {  	_ = 	snop  }
__scs_overlays_trampoline_lowered:
0x8: {  	[smem:$0x3FAC] =	sst s0  }
0x9: {  	[smem:$0x3FAD] =	sst s1  }
0xa: {  	[smem:$0x3FAE] =	sst s2  }
0xb: {  	[smem:$0x3FAF] =	sst s3  }
0xc: {  	[smem:$0x3FB0] =	sst s4  }
0xd: {  	[smem:$0x3FB1] =	sst s5  }
0xe: {  	[smem:$0x3FB2] =	sst s6  }
0xf: {  	[smem:$0x3FB3] =	sst s7  }
0x10: {  	[smem:$0x3FB4] =	sst s8  }
0x11: {  	[smem:$0x3FB5] =	sst s9;
	s0 =	simm.s32 @!p0 $0x0  }
0x12: {  	s1 =	sld [smem:$0x3F9B];
	s0 =	simm.s32 @p0 $0x1  }
0x13: {  	[smem:$0x3FB6] =	sst s0;
	s0 =	simm.s32 @!p1 $0x0  }
0x14: {  	s2 =	sld [smem:$0x3F9A];
	s0 =	simm.s32 @p1 $0x1  }
0x15: {  	[smem:$0x3FB7] =	sst s0;
	s0 =	simm.s32 @!p2 $0x0  }
0x16: {  	s3 =	sld [smem:$0x3FDB];
	s0 =	simm.s32 @p2 $0x1  }
0x17: {  	s4 =	simm.s32 $0x1BF5;
	[smem:$0x3FB9] =	sst s0  }
0x18: {  	s0 =	sld [smem:$0x3F9C];
	_ =	swait.ge [sflag:s4], $0x0  }
0x19: {  	s7 =	sld [smem:$0x3F9D]  }
0x1a: {  	s8 =	sadd.s32 $0xFFFFE003, lr  }
0x1b: {  	s9 =	sadd.s32 $0xFFFFFEF7, lr;
	s5 =	simm.s32 $0xFFFFFFFF;
	p2 =	slt.u32 s8, $0xFFFFF086  }
0x1c: {  	p1 =	slt.u32 s9, $0xF7A;
	s5 =	simm.s32 @!p2 $0x0  }
0x1d: {  	s5 =	simm.s32 @p1 $0x1;
	p0 =	seq.s32 s7, s2  }
0x1e: {  	s7 =	smul.u32 @!p0 $0xF7A, s2;
	p2 =	seq.s32 @!p0 s5, $0x0  }
0x1f: {  	s9 =	smul.u32 $0xF7A, s1;
	s8 =	simm.s32 @!p0 $0x1BF5;
	p2 =	por !p2, p0  }
0x20: {  	[sflag:s8] =	ssyncset.s32 @!p0 $0xFFFFF086;
	s6 =	sadd.s32 @!p0 s3, s7;
	s7 =	simm.s32 @!p0 $0x108  }
0x21: {  	s3 =	sadd.s32 s3, s9;
	s6 =	sadd.s32 @!p0 $0x88, s6;
	s7 =	simm.s32 @p2 $0x1082  }
0x22: {  	[simem:s7], [sflag:s8] =	dma.local @!p0 [hbm:s6], $0xF7A  }
0x23: {  	s9 =	sor.u32 $0xD0000000, s2;
	s6 =	simm.s32 $0x108;
	_ =	swait.ge @!p0 [sflag:s8], $0x0  }
0x24: {  	s3 =	sadd.s32 $0x88, s3;
	s6 =	simm.s32 @!p1 $0x1082;
	[sflag:s4] =	ssyncset.s32 $0xFFFFF086  }
0x25: {  	[simem:s6], [sflag:s4] =	dma.local [hbm:s3], $0xF7A  }
0x26: {  	[smem:$0x3F9D] =	sst s1;
	(tag) =	ssettag s2;
	_ =	strace s9  }
0x27: {  	s1 =	sld [smem:$0x3FAD]  }
0x28: {  	s2 =	sld [smem:$0x3FAE]  }
0x29: {  	s4 =	sld [smem:$0x3FB0]  }
0x2a: {  	p0 =	seq.s32 s5, $0x0;
	s5 =	sld [smem:$0x3FB1]  }
0x2b: {  	s6 =	sld [smem:$0x3FB2]  }
0x2c: {  	s7 =	sld [smem:$0x3FB3]  }
0x2d: {  	s3 =	simm.s32 $0x108;
	s8 =	sld [smem:$0x3FB4]  }
0x2e: {  	s3 =	simm.s32 @!p0 $0x1082;
	s9 =	sld [smem:$0x3FB5]  }
0x2f: {  	lr =	sadd.s32 s0, s3;
	s0 =	sld [smem:$0x3FAC]  }
0x30: {  	s3 =	sld [smem:$0x3FAF]  }
0x31: {  	[smem:$0x3FB8] =	sst s10  }
0x32: {  	s10 =	sld [smem:$0x3FB6];
	_ =	sdelay $0x3  }
0x33: {  	p0 =	seq.s32 s10, $0x1;
	s10 =	sld [smem:$0x3FB8];
	_ =	sdelay $0x3  }
0x34: {  	[smem:$0x3FB8] =	sst s10  }
0x35: {  	s10 =	sld [smem:$0x3FB7];
	_ =	sdelay $0x3  }
0x36: {  	p1 =	seq.s32 s10, $0x1;
	s10 =	sld [smem:$0x3FB8];
	_ =	sdelay $0x3  }
0x37: {  	[smem:$0x3FB8] =	sst s10  }
0x38: {  	s10 =	sld [smem:$0x3FB9]  }
0x39: {  	_ = 	snop;
	(pc) =	sbr.ind lr, $3  }
0x3a: {  	_ = 	snop  }
0x3b: {  	_ = 	snop  }
0x3c: {  	p2 =	seq.s32 s10, $0x1;
	s10 =	sld [smem:$0x3FB8]  }
0x3d: {  	_ =	shalt  }
0x3e: {  	_ =	shalt  }
0x3f: {  	_ =	shalt  }
0x40: {  	_ =	shalt  }
0x41: {  	_ =	shalt  }
0x42: {  	_ =	shalt  }
0x43: {  	_ =	shalt  }
0x44: {  	_ =	shalt  }
0x45: {  	_ =	shalt  }
0x46: {  	_ =	shalt  }
0x47: {  	_ =	shalt  }
0x48: {  	_ =	shalt  }
0x49: {  	_ =	shalt  }
0x4a: {  	_ =	shalt  }
0x4b: {  	_ =	shalt  }
0x4c: {  	_ =	shalt  }
0x4d: {  	_ =	shalt  }
0x4e: {  	_ =	shalt  }
0x4f: {  	_ =	shalt  }
0x50: {  	_ =	shalt  }
0x51: {  	_ =	shalt  }
0x52: {  	_ =	shalt  }
0x53: {  	_ =	shalt  }
0x54: {  	_ =	shalt  }
0x55: {  	_ =	shalt  }
0x56: {  	_ =	shalt  }
0x57: {  	_ =	shalt  }
0x58: {  	_ =	shalt  }
0x59: {  	_ =	shalt  }
0x5a: {  	_ =	shalt  }
0x5b: {  	_ =	shalt  }
0x5c: {  	_ =	shalt  }
0x5d: {  	_ =	shalt  }
0x5e: {  	_ =	shalt  }
0x5f: {  	_ =	shalt  }
0x60: {  	_ =	shalt  }
0x61: {  	_ =	shalt  }
0x62: {  	_ =	shalt  }
0x63: {  	_ =	shalt  }
0x64: {  	_ =	shalt  }
0x65: {  	_ =	shalt  }
0x66: {  	_ =	shalt  }
0x67: {  	_ =	shalt  }
0x68: {  	_ =	shalt  }
0x69: {  	_ =	shalt  }
0x6a: {  	_ =	shalt  }
0x6b: {  	_ =	shalt  }
0x6c: {  	_ =	shalt  }
0x6d: {  	_ =	shalt  }
0x6e: {  	_ =	shalt  }
0x6f: {  	_ =	shalt  }
0x70: {  	_ =	shalt  }
0x71: {  	_ =	shalt  }
0x72: {  	_ =	shalt  }
0x73: {  	_ =	shalt  }
0x74: {  	_ =	shalt  }
0x75: {  	_ =	shalt  }
0x76: {  	_ =	shalt  }
0x77: {  	_ =	shalt  }
0x78: {  	_ =	shalt  }
0x79: {  	_ =	shalt  }
0x7a: {  	_ =	shalt  }
0x7b: {  	_ =	shalt  }
0x7c: {  	_ =	shalt  }
0x7d: {  	_ =	shalt  }
0x7e: {  	_ =	shalt  }
0x7f: {  	_ =	shalt  }
0x80: {  	_ =	shalt  }
0x81: {  	_ =	shalt  }
0x82: {  	_ =	shalt  }
0x83: {  	_ =	shalt  }
0x84: {  	_ =	shalt  }
0x85: {  	_ =	shalt  }
0x86: {  	_ =	shalt  }
0x87: {  	_ =	shalt  }
.Lfunc_end0:
.L_simem_size_0:
called_computation.1_lowered:
.L_overlay_start_0:
0x88: {  	s2 =	sld [smem:$0x3FD9]  }
0x89: {  	s3 =	sld [smem:$0x3FFE];
	_ =	sdelay $0x1  }
0x8a: {  	s1 =	srdreg.scid  }
0x8b: {  	s0 =	sand.u32 $0x1, s1  }
0x8c: {  	s17 =	sshll.u32 s0, $0xA;
	s2 =	sadd.s32 s3, s2  }
0x8d: {  	s2 =	sadd.s32 s2, s17  }
0x8e: {  	[smem:$0x3FC4] =	sst s2  }
0x8f: {  	_ = 	snop  }
0x90: {  	s2 =	sld [smem:$0x3FD0];
	(tm) =	ssettm $0x1  }
0x91: {  	s18 =	sld [smem:$0x3FFB];
	_ =	sdelay $0x3  }
0x92: {  	_ =	strace s18  }
0x93: {  	s3 =	sld [smem:$0x3FFC];
	_ =	sdelay $0x3  }
0x94: {  	_ =	strace s3  }
0x95: {  	s3 =	sld [smem:$0x3FFD];
	_ =	sdelay $0x3  }
0x96: {  	_ =	strace s3  }
0x97: {  	_ =	strace $0x8FFFFFFF  }
0x98: {  	s19 =	sld [smem:$0x3FDB];
	_ =	sdelay $0x1  }
0x99: {  	s4 =	simm.s32 $_scs_section_size  }
0x9a: {  	s5 =	simm.s32 $_size__tile_overlayer_lowered;
	s6 =	simm.s32 $_tile_overlayer_lowered  }
0x9b: {  	s22 =	simm.s32 $0x1BFF;
	s21 =	sshll.u32 s6, $0x1;
	s3 =	sadd.s32 s4, s19  }
0x9c: {  	s7 =	simm.s32 $0x0;
	s20 =	sshll.u32 s5, $0x1;
	s5 =	sadd.s32 s21, s3  }
0x9d: {  	[timem:s7], [sflag:s22] =	dma.local [hbm:s5], s20  }
0x9e: {  	_ =	swait.ge [sflag:s22], s20  }
0x9f: {  	s4 =	ssub.s32 $0x0, s20;
	[sflag:s22] =	ssyncset.done $0x0  }
0xa0: {  	[sflag:s22] =	ssyncadd.s32 s4;
	_ =	sdelay $0x1  }
0xa1: {  	s23 =	simm.s32 $0x1B8B  }
0xa2: {  	_ =	swait.ge [sflag:s23], $0x1  }
0xa3: {  	[sflag:s23] =	ssyncset.done $0x0  }
0xa4: {  	s25 =	simm.s32 $0x1B8E;
	s24 =	sld [smem:$0x3FFE];
	[sflag:s23] =	ssyncadd.s32 $0xFFFFFFFF  }
0xa5: {  	s26 =	simm.s32 $execute0_lowered;
	[smem:$0x3FD2] =	sst s25  }
0xa6: {  	s5 =	sshll.u32 s26, $0x1;
	_ =	strace $0x80000049;
	[dreg:$0x1] =	wrdreg $0xFFFFFFFF  }
0xa7: {  	s28 =	simm.s32 $_size_execute0_lowered;
	s3 =	sadd.s32 s3, s5;
	[dreg:$0x0] =	wrdreg $0x0  }
0xa8: {  	s5 =	sshll.u32 s28, $0x1;
	[dreg:$0x2] =	wrdreg s3  }
0xa9: {  	[dreg:$0x3] =	wrdreg s5  }
0xaa: {  	[dreg:$0x4] =	wrdreg $0xC0  }
0xab: {  	_ =	task [dreg:s7], $0x5FFFF  }
0xac: {  	[dreg:$0x1] =	wrdreg $0xFFFFFFFF  }
0xad: {  	[dreg:$0x0] =	wrdreg $0x60  }
0xae: {  	[dreg:$0x2] =	wrdreg s24  }
0xaf: {  	[dreg:$0x3] =	wrdreg s2  }
0xb0: {  	[dreg:$0x4] =	wrdreg $0xAA000  }
0xb1: {  	[dreg:$0x5] =	wrdreg $0x9  }
0xb2: {  	_ =	task.clear_ibuf [dreg:s7], $0x6FFFF;
	_ =	strace $0x90000049  }
0xb3: {  	s29 =	simm.s32 $0x9;
	_ =	strace $0x8000004B  }
0xb4: {  	_ =	swait.ge [sflag:s29], $0x1  }
0xb5: {  	[sflag:s29] =	ssyncadd.s32 $0xFFFFFFFF  }
0xb6: {  	_ =	strace $0x9000004B  }
0xb7: {  	_ =	sfence  }
0xb8: {  	s30 =	sld [smem:$0x0];
	_ =	sdelay $0x2  }
0xb9: {  	s31 =	sshll.u32 s1, $0xD;
	s1 =	sshrl.u32 s1, $0x2  }
0xba: {  	s3 =	sand.u32 $0x4000, s31;
	s1 =	sadd.s32 s1, s30  }
0xbb: {  	s0 =	sor.u32 s3, s0;
	s1 =	sshll.u32 s1, $0x11  }
0xbc: {  	s0 =	sor.u32 s1, s0  }
0xbd: {  	s0 =	sadd.s32 $0x8F2B, s0  }
0xbe: {  	[sflag:s0] =	ssyncadd.remote.s32 $0x1  }
0xbf: {  	_ =	sfence.sel $0xFFFF  }
0xc0: {  	[dreg:$0x0] =	wrdreg $0xFFFFFFFF;
	(pc) =	sbr.abs _section_cstart, $3  }
0xc1: {  	[dreg:$0x1] =	wrdreg $0xFFFFFFFF  }
0xc2: {  	_ =	task.clear_ibuf [dreg:s7], $0x2FFFF;
	_ =	strace $0x9FFFFFFF  }
0xc3: {  	(tm) =	ssettm $0x7FFFFFFF  }
tec
execute0_lowered:
.L_overlay_start_1:
0x0: {  	(tag) =	ssettag $0x1  }
0x1: {  	s0 =	rddreg [dreg:$0x0]  }
0x2: {  	s1 =	rddreg [dreg:$0x1]  }
0x3: {  	s2 =	rddreg [dreg:$0x2];
	s3 =	srdreg.scid;
	s4 =	simm.s32 $0x0  }
0x4: {  	s8 =	stileid.u32;
	s28 =	simm.s32 $0x6A00;
	s29 =	simm.s32 $0x5  }
0x5: {  	s30 =	simm.s32 $0x3;
	s3 =	sand.u32 $0x1, s3;
	s6 =	smul.u32 $0x14000, s8  }
0x6: {  	[smem:$0x7FF] =	sst s4;
	s7 =	sshll.u32 s8, $0x1;
	s8 =	smul.u32 $0x50000, s8  }
0x7: {  	s31 =	simm.s32 $0x6;
	s5 =	smul.u32 $0x140000, s3;
	_ =	strace $0x8000004A  }
0x8: {  	s17 =	sor.u32 s3, s7;
	s3 =	ssub.s32 $0x2, s3;
	s18 =	sshrl.u32 s8, $0x2  }
0x9: {  	s19 =	sshrl.u32 s3, $0x1;
	s6 =	sadd.s32 s6, s5;
	s5 =	sadd.s32 $0x2E00, s0  }
0xa: {  	s7 =	sadd.s32 s18, s2;
	s3 =	ssub.s32 s3, s19;
	s19 =	simm.s32 $0x2A00  }
0xb: {  	s9 =	sshrl.u32 s6, $0x3;
	s6 =	smul.u32 $0x2800, s17;
	s20 =	sadd.s32 $0x4000, s7  }
0xc: {  	s22 =	sadd.s32 $0x8000, s7;
	s23 =	sadd.s32 $0xC000, s7;
	[dreg:$0x4] =	wrdreg s20  }
0xd: {  	s24 =	sadd.s32 $0x10000, s7;
	s18 =	smax.u32 s3, $0x1;
	[dreg:$0x5] =	wrdreg s22  }
0xe: {  	s3 =	simm.s32 $0x0;
	s0 =	sadd.s32 s9, s0;
	[dreg:$0x6] =	wrdreg s23  }
0xf: {  	[dreg:$0x7] =	wrdreg s24;
	s20 =	simm.s32 $0x7;
	s22 =	simm.s32 $0x80  }
.Ltmp0:
0x10: {  	s23 =	simm.s32 $0x100;
	s21 =	sshrl.u32 s6, $0x3;
	(pc) =	sbr.rel .LBB2_1-.Ltmp0, $4  }
0x11: {  	s24 =	simm.s32 $0x180;
	s17 =	sadd.s32 $0x2AE00, s0;
	s11 =	sadd.s32 s1, s21  }
0x12: {  	s0 =	simm.s32 $0x4;
	s25 =	sadd.s32 $0xA000, s11;
	s26 =	sadd.s32 $0x10, s11  }
0x13: {  	s15 =	sadd.s32 $0x20, s11;
	s16 =	sadd.s32 $0x30, s11;
	[dreg:$0x8] =	wrdreg s25  }
0x14: {  	v0 =	vimm.f32 $0.0e+00;
	[dreg:$0x9] =	wrdreg s26;
	s25 =	simm.s32 $0x1;
	s26 =	simm.s32 $0x2  }
.LBB2_6:
0x15: {  	s8 =	stileid.u32;
	s3 =	sadd.s32 $0x1, s3  }
0x16: {  	[bflag:$0x0] =	sbarrier.arrive $0xFFFF;
	s8 =	sshll.u32 s8, $0x6;
	p0 =	sne.s32 s3, s18  }
.Ltmp1:
0x17: {  	s9 =	sshrl.u32 s7, $0x3;
	s8 =	sor.u32 $0x1C07, s8;
	(pc) =	sbr.rel @!p0 .LBB2_7-.Ltmp1, $4  }
0x18: {  	[hbm:s17], [sflag:s8] =	dma.local [spmem:s9], $0x2800  }
0x19: {  	_ =	swait.ge [sflag:s20], $0x2800  }
0x1a: {  	[sflag:s20] =	ssyncset.done $0x0  }
0x1b: {  	[sflag:s20] =	ssyncadd.s32 $0xFFFFD800  }
.LBB2_1:
0x1c: {  	s8 =	simm.s32 $0x0;
	s9 =	simm.s32 $0x200  }
.LBB2_2:
0x1d: {  	p0 =	sne.s32 s9, $0xFE00;
	[tilespmem:s8+$0x2A70] =	vst v0  }
0x1e: {  	[tilespmem:s8+$0x2A00] =	vst v0  }
0x1f: {  	[tilespmem:s8+$0x2A10] =	vst v0  }
.Ltmp2:
0x20: {  	[tilespmem:s8+$0x2A20] =	vst v0;
	(pc) =	sbr.rel @p0 .LBB2_2-.Ltmp2, $4  }
0x21: {  	[tilespmem:s8+$0x2A30] =	vst v0  }
0x22: {  	[tilespmem:s8+$0x2A40] =	vst v0  }
0x23: {  	[tilespmem:s8+$0x2A50] =	vst v0  }
0x24: {  	[tilespmem:s8+$0x2A60] =	vst v0;
	s8 =	sshra.s32 s9, $0x2;
	s9 =	sadd.s32 $0x200, s9  }
0x25: {  	[tilespmem:s8+$0x2A70] =	vst v0  }
0x26: {  	[tilespmem:s8+$0x2A00] =	vst v0  }
0x27: {  	[tilespmem:s8+$0x2A10] =	vst v0  }
0x28: {  	[tilespmem:s8+$0x2A20] =	vst v0  }
0x29: {  	[tilespmem:s8+$0x2A30] =	vst v0  }
0x2a: {  	[tilespmem:s8+$0x2A40] =	vst v0  }
0x2b: {  	[tilespmem:s8+$0x2A50] =	vst v0  }
0x2c: {  	[tilespmem:s8+$0x2A60] =	vst v0  }
0x2d: {  	[spmem:s7] =	stream.linear.scatter [tilespmem:s19], [sflag:$0x7], $0x4000, $0x38;
	[tilespmem:$0x1EA00] =	vst v63  }
0x2e: {  	_ =	swait.ge [sflag:s20], $0x4000  }
0x2f: {  	[sflag:s20] =	ssyncset.done $0x0  }
0x30: {  	s9 =	rddreg [dreg:$0x4];
	[sflag:s20] =	ssyncadd.s32 $0xFFFFC000  }
0x31: {  	[spmem:s9] =	stream.linear.scatter [tilespmem:s19], [sflag:$0x7], $0x4000, $0x38;
	[tilespmem:$0x1EA00] =	vst v63  }
0x32: {  	_ =	swait.ge [sflag:s20], $0x4000  }
0x33: {  	[sflag:s20] =	ssyncset.done $0x0  }
0x34: {  	s10 =	rddreg [dreg:$0x5];
	[sflag:s20] =	ssyncadd.s32 $0xFFFFC000  }
0x35: {  	[spmem:s10] =	stream.linear.scatter [tilespmem:s19], [sflag:$0x7], $0x4000, $0x38;
	[tilespmem:$0x1EA00] =	vst v63  }
0x36: {  	_ =	swait.ge [sflag:s20], $0x4000  }
0x37: {  	[sflag:s20] =	ssyncset.done $0x0  }
0x38: {  	s12 =	rddreg [dreg:$0x6];
	[sflag:s20] =	ssyncadd.s32 $0xFFFFC000  }
0x39: {  	[spmem:s12] =	stream.linear.scatter [tilespmem:s19], [sflag:$0x7], $0x4000, $0x38;
	[tilespmem:$0x1EA00] =	vst v63  }
0x3a: {  	_ =	swait.ge [sflag:s20], $0x4000  }
0x3b: {  	[sflag:s20] =	ssyncset.done $0x0  }
0x3c: {  	s13 =	rddreg [dreg:$0x7];
	[sflag:s20] =	ssyncadd.s32 $0xFFFFC000  }
0x3d: {  	[spmem:s13] =	stream.linear.scatter [tilespmem:s19], [sflag:$0x7], $0x4000, $0x38;
	[tilespmem:$0x1EA00] =	vst v63  }
0x3e: {  	_ =	swait.ge [sflag:s20], $0x4000  }
0x3f: {  	[sflag:s20] =	ssyncset.done $0x0  }
0x40: {  	s9 =	simm.s32 $0x200;
	s14 =	rddreg [dreg:$0x8];
	[sflag:s20] =	ssyncadd.s32 $0xFFFFC000  }
0x41: {  	[tilespmem:s9], [sflag:$0x7] =	stream.linear.gather [hbm4b:s14+s4], $0x2800, $0x38;
	[tilespmem:$0x1EA00] =	vst v63  }
0x42: {  	_ =	swait.ge [sflag:s20], $0x2800  }
0x43: {  	[sflag:s20] =	ssyncset.done $0x0  }
0x44: {  	[sflag:s20] =	ssyncadd.s32 $0xFFFFD800  }
0x45: {  	[tilespmem:s4], [sflag:$0x1] =	stream.linear.gather [hbm4b:s11+s4], $0x80, $0x38;
	[tilespmem:$0x1EA00] =	vst v63  }
0x46: {  	s21 =	rddreg [dreg:$0x9]  }
0x47: {  	[tilespmem:s22], [sflag:$0x2] =	stream.linear.gather [hbm4b:s21+s4], $0x80, $0x38;
	[tilespmem:$0x1EA00] =	vst v63  }
0x48: {  	_ = 	snop  }
0x49: {  	[tilespmem:s23], [sflag:$0x3] =	stream.linear.gather [hbm4b:s15+s4], $0x80, $0x38;
	[tilespmem:$0x1EA00] =	vst v63  }
0x4a: {  	_ = 	snop  }
0x4b: {  	[tilespmem:s24], [sflag:$0x4] =	stream.linear.gather [hbm4b:s16+s4], $0x80, $0x38;
	[tilespmem:$0x1EA00] =	vst v63  }
0x4c: {  	_ =	swait.ge [sflag:s25], $0x80  }
0x4d: {  	[sflag:s25] =	ssyncset.done $0x0  }
0x4e: {  	[sflag:s25] =	ssyncadd.s32 $0xFFFFFF80  }
0x4f: {  	[tilespmem:s19], [sflag:$0x5] =	stream.indirect.gather [hbm4b:s5+s22], $0x80, s4, s22, $0xb8;
	[tilespmem:$0x1EA00] =	vst v63  }
0x50: {  	_ =	swait.ge [sflag:s26], $0x80  }
0x51: {  	[sflag:s26] =	ssyncset.done $0x0  }
0x52: {  	[sflag:s26] =	ssyncadd.s32 $0xFFFFFF80  }
0x53: {  	[tilespmem:s28], [sflag:$0x6] =	stream.indirect.gather [hbm4b:s5+s22], $0x80, s22, s22, $0xb8;
	[tilespmem:$0x1EA00] =	vst v63  }
0x54: {  	s8 =	simm.s32 $0x380;
	s21 =	simm.s32 $0x300;
	[bflag:$0x0] =	sbarrier.arrive $0xFFFF  }
.LBB2_4:
0x55: {  	p0 =	seq.s32 s8, $0x2980  }
0x56: {  	s9 =	sadd.s32 @!p0 $0xFFFFFE80, s8  }
0x57: {  	s10 =	sand.u32 @!p0 $0x7C00, s9  }
0x58: {  	s9 =	sand.u32 @!p0 $0x200, s9;
	s10 =	sadd.s32 @!p0 s6, s10  }
0x59: {  	_ =	swait.ge [sflag:s29], $0x4000;
	s9 =	sor.u32 @!p0 s9, s10  }
0x5a: {  	[sflag:s29] =	ssyncset.done $0x0;
	s9 =	sshrl.u32 @!p0 s9, $0x3  }
0x5b: {  	[sflag:s29] =	ssyncadd.s32 $0xFFFFC000;
	s10 =	sadd.s32 @!p0 s1, s9;
	s9 =	simm.s32 @!p0 $0x0  }
0x5c: {  	[tilespmem:s9], [sflag:$0x1] =	stream.linear.gather @!p0 [hbm4b:s10+s9], $0x80, $0x38;
	[tilespmem:$0x1EA00] =	vst v63  }
0x5d: {  	s12 =	sadd.s32 $0xFFFFFF00, s21  }
0x5e: {  	[spmem:s2] =	stream.indirect.scatter.add.f32 [tilespmem:s19], [sflag:$0x7], $0x80, s12, s22, $0xb8;
	[tilespmem:$0x1EA00] =	vst v63  }
0x5f: {  	_ =	swait.ge [sflag:s20], $0x4000  }
0x60: {  	[sflag:s20] =	ssyncset.done $0x0  }
0x61: {  	[sflag:s20] =	ssyncadd.s32 $0xFFFFC000  }
0x62: {  	s10 =	sadd.s32 @!p0 $0xFFFFFF00, s8;
	_ =	swait.ge [sflag:s30], $0x80  }
0x63: {  	s12 =	sand.u32 @!p0 $0x7C00, s10;
	[sflag:s30] =	ssyncset.done $0x0  }
0x64: {  	s10 =	sand.u32 @!p0 $0x280, s10;
	s12 =	sadd.s32 @!p0 s6, s12;
	[sflag:s30] =	ssyncadd.s32 $0xFFFFFF80  }
0x65: {  	[tilespmem:s19], [sflag:$0x5] =	stream.indirect.gather [hbm4b:s5+s22], $0x80, s23, s22, $0xb8;
	[tilespmem:$0x1EA00] =	vst v63  }
0x66: {  	s10 =	sor.u32 @!p0 s10, s12;
	_ =	swait.ge [sflag:s31], $0x4000  }
0x67: {  	s10 =	sshrl.u32 @!p0 s10, $0x3;
	[sflag:s31] =	ssyncset.done $0x0  }
0x68: {  	s12 =	simm.s32 @!p0 $0x80;
	s10 =	sadd.s32 @!p0 s1, s10;
	[sflag:s31] =	ssyncadd.s32 $0xFFFFC000  }
0x69: {  	[tilespmem:s12], [sflag:$0x2] =	stream.linear.gather @!p0 [hbm4b:s10+s9], $0x80, $0x38;
	[tilespmem:$0x1EA00] =	vst v63  }
0x6a: {  	s13 =	sadd.s32 $0xFFFFFF80, s21  }
0x6b: {  	[spmem:s2] =	stream.indirect.scatter.add.f32 [tilespmem:s28], [sflag:$0x7], $0x80, s13, s22, $0xb8;
	[tilespmem:$0x1EA00] =	vst v63  }
0x6c: {  	_ =	swait.ge [sflag:s20], $0x4000  }
0x6d: {  	[sflag:s20] =	ssyncset.done $0x0  }
0x6e: {  	[sflag:s20] =	ssyncadd.s32 $0xFFFFC000  }
0x6f: {  	_ =	swait.ge [sflag:s0], $0x80  }
0x70: {  	[sflag:s0] =	ssyncset.done $0x0  }
0x71: {  	[sflag:s0] =	ssyncadd.s32 $0xFFFFFF80  }
0x72: {  	[tilespmem:s28], [sflag:$0x6] =	stream.indirect.gather [hbm4b:s5+s22], $0x80, s24, s22, $0xb8;
	[tilespmem:$0x1EA00] =	vst v63  }
0x73: {  	_ =	swait.ge [sflag:s29], $0x4000  }
0x74: {  	[sflag:s29] =	ssyncset.done $0x0  }
0x75: {  	s10 =	simm.s32 @p0 $0x80;
	s13 =	simm.s32 @p0 $0x2A00;
	[sflag:s29] =	ssyncadd.s32 $0xFFFFC000  }
0x76: {  	[spmem:s2] =	stream.indirect.scatter.add.f32 @p0 [tilespmem:s13], [sflag:$0x7], $0x80, s21, s10, $0xb8;
	[tilespmem:$0x1EA00] =	vst v63  }
0x77: {  	s10 =	simm.s32 @p0 $0x7  }
0x78: {  	_ =	swait.ge @p0 [sflag:s10], $0x4000  }
0x79: {  	s13 =	sadd.s32 @!p0 $0xFFFFFF80, s8;
	[sflag:s10] =	ssyncset.done @p0 $0x0  }
0x7a: {  	[sflag:s10] =	ssyncadd.s32 @p0 $0xFFFFC000;
	s10 =	sand.u32 @!p0 $0x7C00, s13  }
0x7b: {  	s14 =	simm.s32 @p0 $0x6;
	s13 =	sand.u32 @!p0 $0x300, s13;
	s10 =	sadd.s32 @!p0 s6, s10  }
0x7c: {  	_ =	swait.ge @p0 [sflag:s14], $0x4000;
	s10 =	sor.u32 @!p0 s13, s10  }
0x7d: {  	[sflag:s14] =	ssyncset.done @p0 $0x0;
	s10 =	sshrl.u32 @!p0 s10, $0x3  }
0x7e: {  	s13 =	simm.s32 @!p0 $0x100;
	[sflag:s14] =	ssyncadd.s32 @p0 $0xFFFFC000;
	s10 =	sadd.s32 @!p0 s1, s10  }
0x7f: {  	[tilespmem:s13], [sflag:$0x3] =	stream.linear.gather @!p0 [hbm4b:s10+s9], $0x80, $0x38;
	[tilespmem:$0x1EA00] =	vst v63  }
0x80: {  	s10 =	simm.s32 @!p0 $0x2A00;
	s13 =	simm.s32 @!p0 $0x7  }
0x81: {  	[spmem:s2] =	stream.indirect.scatter.add.f32 @!p0 [tilespmem:s10], [sflag:$0x7], $0x80, s21, s12, $0xb8;
	[tilespmem:$0x1EA00] =	vst v63  }
0x82: {  	_ =	swait.ge @!p0 [sflag:s13], $0x4000  }
0x83: {  	[sflag:s13] =	ssyncset.done @!p0 $0x0  }
0x84: {  	[sflag:s13] =	ssyncadd.s32 @!p0 $0xFFFFC000;
	s13 =	simm.s32 @!p0 $0x1  }
0x85: {  	_ =	swait.ge @!p0 [sflag:s13], $0x80  }
0x86: {  	[sflag:s13] =	ssyncset.done @!p0 $0x0  }
0x87: {  	[sflag:s13] =	ssyncadd.s32 @!p0 $0xFFFFFF80  }
0x88: {  	[tilespmem:s10], [sflag:$0x5] =	stream.indirect.gather @!p0 [hbm4b:s5+s12], $0x80, s9, s12, $0xb8;
	[tilespmem:$0x1EA00] =	vst v63  }
0x89: {  	s10 =	sand.u32 @!p0 $0x7C00, s8  }
0x8a: {  	s13 =	sand.u32 @!p0 $0x380, s8;
	s12 =	simm.s32 @!p0 $0x6;
	s10 =	sadd.s32 @!p0 s6, s10  }
0x8b: {  	_ =	swait.ge @!p0 [sflag:s12], $0x4000;
	s10 =	sor.u32 @!p0 s13, s10  }
0x8c: {  	[sflag:s12] =	ssyncset.done @!p0 $0x0;
	s10 =	sshrl.u32 @!p0 s10, $0x3  }
0x8d: {  	[sflag:s12] =	ssyncadd.s32 @!p0 $0xFFFFC000;
	s12 =	simm.s32 @!p0 $0x180;
	s10 =	sadd.s32 @!p0 s1, s10  }
0x8e: {  	[tilespmem:s12], [sflag:$0x4] =	stream.linear.gather @!p0 [hbm4b:s10+s9], $0x80, $0x38;
	[tilespmem:$0x1EA00] =	vst v63  }
.Ltmp3:
0x8f: {  	s14 =	sadd.s32 $0x80, s21;
	(pc) =	sbr.rel @p0 .LBB2_6-.Ltmp3, $4  }
0x90: {  	[spmem:s2] =	stream.indirect.scatter.add.f32 [tilespmem:s28], [sflag:$0x7], $0x80, s14, s22, $0xb8;
	[tilespmem:$0x1EA00] =	vst v63  }
0x91: {  	_ =	swait.ge [sflag:s20], $0x4000  }
0x92: {  	[sflag:s20] =	ssyncset.done $0x0  }
0x93: {  	[sflag:s20] =	ssyncadd.s32 $0xFFFFC000  }
.Ltmp4:
0x94: {  	(pc) =	sbr.rel .LBB2_4-.Ltmp4, $4  }
0x95: {  	_ =	swait.ge [sflag:s26], $0x80  }
0x96: {  	[sflag:s26] =	ssyncset.done $0x0  }
0x97: {  	s21 =	sadd.s32 $0x200, s21;
	s8 =	sadd.s32 $0x200, s8;
	[sflag:s26] =	ssyncadd.s32 $0xFFFFFF80  }
0x98: {  	[tilespmem:s28], [sflag:$0x6] =	stream.indirect.gather [hbm4b:s5+s22], $0x80, s22, s22, $0xb8;
	[tilespmem:$0x1EA00] =	vst v63  }
.LBB2_7:
0x99: {  	_ =	sfence.sel $0x180000  }
0x9a: {  	[bflag:$0x0] =	sbarrier.arrive $0xFFFF  }
0x9b: {  	_ =	strace $0x9000004A  }
0x9c: {  	s0 =	stileid.u32;
	[bflag:$0x2] =	sbarrier.arrive $0xFFFF  }
0x9d: {  	p0 =	sne.s32 s0, $0x0;
	s0 =	rddreg [dreg:$0x3]  }
0x9e: {  	s0 =	sadd.s32 @!p0 $0x100000, s0  }
0x9f: {  	[sflag:s0] =	ssyncadd.tile.s32 @!p0 $0x1;
	_ =	shalt  }
.Lfunc_end2:
_tile_overlayer_lowered:
.L_overlay_start_2:
0xa0: {  	(tag) =	ssettag $0x2  }
0xa1: {  	s0 =	rddreg [dreg:$0x0];
	s2 =	stileid.u32  }
0xa2: {  	s1 =	rddreg [dreg:$0x1];
	p0 =	sne.s32 s2, $0x0  }
0xa3: {  	s3 =	rddreg [dreg:$0x2];
	[bflag:$0x3] =	sbarrier.arrive $0xFFFF;
	s2 =	simm.s32 @!p0 $0x1C07  }
0xa4: {  	[timem:s3], [sflag:s2] =	dma.local @!p0 [hbm:s0], s1  }
0xa5: {  	s0 =	simm.s32 @!p0 $0x7  }
0xa6: {  	_ =	swait.ge @!p0 [sflag:s0], s1  }
0xa7: {  	s1 =	ssub.s32 @!p0 $0x0, s1;
	[sflag:s0] =	ssyncset.done @!p0 $0x0  }
0xa8: {  	[sflag:s0] =	ssyncadd.s32 @!p0 s1  }
0xa9: {  	[bflag:$0x3] =	sbarrier.arrive $0xFFFF  }
0xaa: {  	_ =	shalt  }

</sc_bundles>
